<compile_context>
chip_gen: v7x
topology: tpu7x:2x2x1
jax: 0.10.2.dev20260603
libtpu: 0.0.44.dev20260713+nightly
codegen_flags: <defaults>
</compile_context>

<pallas_src>
import functools

import jax
import jax.numpy as jnp
from jax import lax
from jax.experimental import pallas as pl
from jax.experimental.pallas import tpu as pltpu
from jax.experimental.pallas import tpu_sc as plsc

B = 1024
D = 128
DZ = 768
N = 100000
K = 5
NB = 2000
NT = N // NB
_ROWBITS = 11
_ROWMASK = (1 << _ROWBITS) - 1

_EPS = 1e-5
_MAXN = 1.0 - _EPS
_INF = float("inf")
_IMAX = 2**31 - 1


def _atanh(x):
    return 0.5 * jnp.log((1.0 + x) / (1.0 - x))


def _topk_body(z_ref, w_ref, b_ref, node_ref, hyp_ref, idx_ref,
               z2_ref, riota_ref, cand_ref):
    pid = pl.program_id(0)

    @pl.when(pid == 0)
    def _proj():
        z = z_ref[...]
        w = w_ref[...]
        zp = lax.dot_general(z, w, (((1,), (1,)), ((), ())),
                             preferred_element_type=jnp.float32)
        zp = zp + b_ref[...]
        n = jnp.maximum(jnp.sqrt(jnp.sum(zp * zp, axis=1, keepdims=True)),
                        1e-15)
        hyp = jnp.tanh(n) * zp / n
        hyp_ref[...] = hyp
        nh = jnp.maximum(jnp.sqrt(jnp.sum(hyp * hyp, axis=1, keepdims=True)),
                         1e-15)
        ncl = jnp.clip(nh, 1e-15, _MAXN)
        z2_ref[...] = (-2.0 * _atanh(ncl) / nh) * hyp
        riota_ref[...] = lax.broadcasted_iota(jnp.int32, (NB, B), 0)

    x = node_ref[...]
    nsq = jnp.sum(x * x, axis=1, keepdims=True)
    n = jnp.maximum(jnp.sqrt(nsq), 1e-15)
    ncl = jnp.clip(n, 1e-15, _MAXN)
    at = _atanh(ncl)
    ntan = x * (at / n)
    zn = lax.dot_general(ntan, z2_ref[...], (((1,), (1,)), ((), ())),
                         preferred_element_type=jnp.float32)
    s = at * at + zn

    u = lax.bitcast_convert_type(s, jnp.int32)
    key = lax.bitcast_convert_type((u & ~_ROWMASK) | riota_ref[...],
                                   jnp.float32)

    v = [jnp.full((8, B), _INF, jnp.float32) for _ in range(K)]

    def _ce(a, b):
        return jnp.minimum(a, b), jnp.maximum(a, b)

    for r in range(NB // 32):
        t1 = lax.slice(key, (r * 32, 0), (r * 32 + 8, B))
        t2 = lax.slice(key, (r * 32 + 8, 0), (r * 32 + 16, B))
        t3 = lax.slice(key, (r * 32 + 16, 0), (r * 32 + 24, B))
        t4 = lax.slice(key, (r * 32 + 24, 0), (r * 32 + 32, B))
        t1, t3 = _ce(t1, t3)
        t2, t4 = _ce(t2, t4)
        s1, t2 = _ce(t1, t2)
        t3, s4 = _ce(t3, t4)
        s2, s3 = _ce(t2, t3)
        o1, tt = _ce(s1, v[0])
        o2p = jnp.minimum(tt, v[4])
        e1p = jnp.minimum(v[2], s3)
        o2, o3 = _ce(e1p, o2p)
        p1, p2 = _ce(v[1], s2)
        e2 = jnp.minimum(jnp.minimum(v[3], s4), p2)
        nv2, nv3 = _ce(p1, o2)
        nv4, nv5 = _ce(e2, o3)
        v = [o1, nv2, nv3, nv4, nv5]

    for r in range((NB // 32) * 32, NB, 16):
        t1 = lax.slice(key, (r, 0), (r + 8, B))
        t2 = lax.slice(key, (r + 8, 0), (r + 16, B))
        a, bb = _ce(t1, t2)
        o1, a1 = _ce(v[0], a)
        o2, a2 = _ce(v[2], a1)
        o3 = jnp.minimum(v[4], a2)
        e1, b1 = _ce(v[1], bb)
        e2 = jnp.minimum(v[3], b1)
        v = [o1,
             jnp.minimum(e1, o2), jnp.maximum(e1, o2),
             jnp.minimum(e2, o3), jnp.maximum(e2, o3)]

    allv = jnp.concatenate(v, axis=0)
    cand_k = []
    for _ in range(K):
        m = jnp.min(allv, axis=0, keepdims=True)
        cand_k.append(m)
        allv = jnp.where(allv == m, _INF, allv)
    pad = jnp.full((8 - K, B), _INF, jnp.float32)
    cand_ref[pid] = jnp.concatenate(cand_k + [pad], axis=0)

    @pl.when(pid == NT - 1)
    def _emit():
        allk = cand_ref[...].reshape(NT * 8, B)
        piota = lax.broadcasted_iota(jnp.int32, (NT * 8, B), 0)
        idxs = []
        for _ in range(K):
            m = jnp.min(allk, axis=0, keepdims=True)
            p = jnp.min(jnp.where(allk == m, piota, _IMAX), axis=0,
                        keepdims=True)
            mb = lax.bitcast_convert_type(m, jnp.int32)
            idxs.append((p >> 3) * NB + (mb & _ROWMASK))
            allk = jnp.where(piota == p, _INF, allk)
        idx_ref[...] = jnp.concatenate(idxs, axis=0)


def _topk(z_seq, W, b2d, node_emb):
    return pl.pallas_call(
        _topk_body,
        grid=(NT,),
        in_specs=[
            pl.BlockSpec((B, DZ), lambda i: (0, 0)),
            pl.BlockSpec((D, DZ), lambda i: (0, 0)),
            pl.BlockSpec((1, D), lambda i: (0, 0)),
            pl.BlockSpec((NB, D), lambda i: (i, 0)),
        ],
        out_specs=(pl.BlockSpec((B, D), lambda i: (0, 0)),
                   pl.BlockSpec((K, B), lambda i: (0, 0))),
        out_shape=(jax.ShapeDtypeStruct((B, D), jnp.float32),
                   jax.ShapeDtypeStruct((K, B), jnp.int32)),
        scratch_shapes=[
            pltpu.VMEM((B, D), jnp.float32),
            pltpu.VMEM((NB, B), jnp.int32),
            pltpu.VMEM((NT, 8, B), jnp.float32),
        ],
    )(z_seq, W, b2d, node_emb)


_QW = 32


def _gm_body(idx_hbm, node_hbm, out_hbm, i0, i1, i2, i3, i4,
             r0, r1, r2, r3, r4, acc_v, sem):
    wid = lax.axis_index("s") * 2 + lax.axis_index("c")
    qbase = wid * _QW
    idx_bufs = (i0, i1, i2, i3, i4)
    row_bufs = (r0, r1, r2, r3, r4)
    for t in range(K):
        pltpu.sync_copy(idx_hbm.at[t, pl.ds(qbase, _QW)], idx_bufs[t])
    cps = [pltpu.async_copy(node_hbm.at[idx_bufs[t]], row_bufs[t], sem)
           for t in range(K)]
    for cp in cps:
        cp.wait()

    def body(q, carry):
        for c in range(D // 16):
            sl = pl.ds(c * 16, 16)
            acc = r0[q, sl]
            acc = acc + r1[q, sl]
            acc = acc + r2[q, sl]
            acc = acc + r3[q, sl]
            acc = acc + r4[q, sl]
            acc_v[q, sl] = acc * jnp.float32(1.0 / K)
        return carry

    lax.fori_loop(0, _QW, body, 0)
    pltpu.sync_copy(acc_v, out_hbm.at[pl.ds(qbase, _QW)])


def _gather_mean(top_idx, node_emb):
    mesh = plsc.VectorSubcoreMesh(core_axis_name="c", subcore_axis_name="s")
    kfn = functools.partial(
        pl.kernel,
        mesh=mesh,
        out_type=jax.ShapeDtypeStruct((B, D), jnp.float32),
        scratch_types=(
            [pltpu.VMEM((_QW,), jnp.int32) for _ in range(K)]
            + [pltpu.VMEM((_QW, D), jnp.float32) for _ in range(K)]
            + [pltpu.VMEM((_QW, D), jnp.float32), pltpu.SemaphoreType.DMA]
        ),
    )(_gm_body)
    return kfn(top_idx, node_emb)


def _mobius_body(x_ref, y_ref, o_ref):
    x = x_ref[...]
    y = y_ref[...]
    xy = jnp.sum(x * y, axis=1, keepdims=True)
    x2 = jnp.sum(x * x, axis=1, keepdims=True)
    y2 = jnp.sum(y * y, axis=1, keepdims=True)
    num = (1.0 + 2.0 * xy + y2) * x + (1.0 - x2) * y
    den = 1.0 + 2.0 * xy + x2 * y2
    o_ref[...] = num / jnp.maximum(den, 1e-15)


def _mobius(z_hyp, near):
    return pl.pallas_call(
        _mobius_body,
        out_shape=jax.ShapeDtypeStruct((B, D), jnp.float32),
    )(z_hyp, near)


def kernel(z_seq, node_emb, W, b):
    b2d = b.reshape(1, D)
    z_hyp, top_idx = _topk(z_seq, W, b2d, node_emb)
    near = _gather_mean(top_idx, node_emb)
    z_fused = _mobius(z_hyp, near)
    return (z_fused, z_hyp)

# --- scband reference (transcript-rebuilt; emitter-appended) ---
"""Pipeline reference for scband-hyperbolic-fusion-83708912599139 (READ-ONLY COPY).

The authoritative reference and input builder live on the scoring server;
editing this copy changes nothing except your own understanding.
"""

import jax, jax.numpy as jnp
import numpy as np

C = 1.0
EPS = 1e-5


def _norm(x):
    return jnp.clip(jnp.linalg.norm(x, axis=-1, keepdims=True), 1e-15, None)


def expmap0(v):
    n = _norm(v)
    sc = jnp.sqrt(C)
    return jnp.tanh(sc * n) * v / (sc * n)


def logmap0(y):
    n = _norm(y)
    n_cl = jnp.clip(n, 1e-15, 1.0 / np.sqrt(C) - EPS)
    sc = jnp.sqrt(C)
    return jnp.arctanh(sc * n_cl) * y / (sc * n)


def mobius_add(x, y):
    xy = jnp.sum(x * y, axis=-1, keepdims=True)
    x2 = jnp.sum(x * x, axis=-1, keepdims=True)
    y2 = jnp.sum(y * y, axis=-1, keepdims=True)
    num = (1.0 + 2.0 * C * xy + C * y2) * x + (1.0 - C * x2) * y
    den = 1.0 + 2.0 * C * xy + (C ** 2) * x2 * y2
    return num / jnp.clip(den, 1e-15, None)


def _cdist(a, b):
    a2 = jnp.sum(a * a, axis=-1, keepdims=True)
    b2 = jnp.sum(b * b, axis=-1)[None, :]
    sq = a2 + b2 - 2.0 * (a @ b.T)
    return jnp.sqrt(jnp.clip(sq, 0.0, None))


def setup_inputs(seed: int = 0) -> dict:
    key = jax.random.key(seed)
    k1, k2, k3 = jax.random.split(key, 3)
    z_seq = jax.random.normal(k1, (1024, 768), dtype=jnp.float32)
    # node embeddings must live inside the Poincare ball (norm < 1)
    node_emb = jax.random.normal(k2, (100000, 128), dtype=jnp.float32) * 0.05
    W = jax.random.normal(k3, (128, 768), dtype=jnp.float32) * 0.02
    b = jnp.zeros((128,), dtype=jnp.float32)
    return {"z_seq": z_seq, "node_emb": node_emb, "W": W, "b": b}


def reference(z_seq, node_emb, W, b):
    # Linear projection (dropout is identity in eval mode)
    z_proj = z_seq @ W.T + b
    z_hyp = expmap0(z_proj)
    # no_grad block in torch -> plain computation for forward
    z_tan = logmap0(z_hyp)
    n_tan = logmap0(node_emb)
    dists = _cdist(z_tan, n_tan)
    _, topk = jax.lax.top_k(-dists, 5)
    near = jnp.take(node_emb, topk, axis=0).mean(axis=1)
    z_fused = mobius_add(z_hyp, near)
    return (z_fused, z_hyp)

if __name__ == "__main__":
    import jax
    _d = setup_inputs()
    print(jax.jit(kernel)(*tuple(_d.values())))

</pallas_src>

<mosaic_0001>
#map = affine_map<(d0, d1) -> (0, 0)>
module attributes {stable_mosaic.version = 14 : i64} {
  func.func @_gm_body(%arg0: i32, %arg1: i32, %arg2: memref<5x1024xi32, #tpu.memory_space<hbm>>, %arg3: memref<100000x128xf32, #tpu.memory_space<hbm>>, %arg4: memref<1024x128xf32, #tpu.memory_space<hbm>>, %arg5: memref<32xi32, #tpu.memory_space<vmem>>, %arg6: memref<32xi32, #tpu.memory_space<vmem>>, %arg7: memref<32xi32, #tpu.memory_space<vmem>>, %arg8: memref<32xi32, #tpu.memory_space<vmem>>, %arg9: memref<32xi32, #tpu.memory_space<vmem>>, %arg10: memref<32x128xf32, #tpu.memory_space<vmem>>, %arg11: memref<32x128xf32, #tpu.memory_space<vmem>>, %arg12: memref<32x128xf32, #tpu.memory_space<vmem>>, %arg13: memref<32x128xf32, #tpu.memory_space<vmem>>, %arg14: memref<32x128xf32, #tpu.memory_space<vmem>>, %arg15: memref<32x128xf32, #tpu.memory_space<vmem>>, %arg16: memref<!tpu.dma_semaphore, #tpu.memory_space<semaphore_mem>>) attributes {dimension_semantics = [#tpu.dimension_semantics<core_parallel>, #tpu.dimension_semantics<subcore_parallel>], iteration_bounds = array<i64: 2, 16>, scalar_prefetch = 0 : i64, scratch_operands = 12 : i64, tpu.core_type = #tpu.core_type<sc_vector_subcore>, window_params = [{transform_indices = #map}, {transform_indices = #map}, {transform_indices = #map}]} {
    %mul3A = arith.constant 2 : i32
    %mul3A_0 = arith.muli %arg1, %mul3A : i32
    %add3A = arith.addi %mul3A_0, %arg0 : i32
    %mul3A_1 = arith.constant 32 : i32
    %mul3A_2 = arith.muli %add3A, %mul3A_1 : i32
    %run_scoped3A = arith.constant 0 : i32
    "tpu.region"() ({
      %run_scoped3A_40 = tpu.sem_alloc : memref<!tpu.dma_semaphore, #tpu.memory_space<semaphore_mem>>
      %dma_start3A_41 = tpu.memref_slice %arg2[%run_scoped3A, %mul3A_2] : memref<5x1024xi32, #tpu.memory_space<hbm>> -> memref<1x32xi32, #tpu.memory_space<hbm>>
      %dma_start3A_42 = tpu.memref_squeeze %dma_start3A_41 : memref<1x32xi32, #tpu.memory_space<hbm>> -> memref<32xi32, #tpu.memory_space<hbm>>
      %dma_start3A_43 = tpu.memref_slice %arg2[%run_scoped3A, %mul3A_2] : memref<5x1024xi32, #tpu.memory_space<hbm>> -> memref<1x32xi32, #tpu.memory_space<hbm>>
      %dma_start3A_44 = tpu.memref_squeeze %dma_start3A_43 : memref<1x32xi32, #tpu.memory_space<hbm>> -> memref<32xi32, #tpu.memory_space<hbm>>
      tpu.enqueue_dma source(%dma_start3A_44 : memref<32xi32, #tpu.memory_space<hbm>>) target(%arg5 : memref<32xi32, #tpu.memory_space<vmem>>) target_semaphore(%run_scoped3A_40 : memref<!tpu.dma_semaphore, #tpu.memory_space<semaphore_mem>>)
      %dma_wait3A_45 = tpu.memref_slice %arg2[%run_scoped3A, %mul3A_2] : memref<5x1024xi32, #tpu.memory_space<hbm>> -> memref<1x32xi32, #tpu.memory_space<hbm>>
      %dma_wait3A_46 = tpu.memref_squeeze %dma_wait3A_45 : memref<1x32xi32, #tpu.memory_space<hbm>> -> memref<32xi32, #tpu.memory_space<hbm>>
      %dma_wait3A_47 = tpu.memref_slice %arg2[%run_scoped3A, %mul3A_2] : memref<5x1024xi32, #tpu.memory_space<hbm>> -> memref<1x32xi32, #tpu.memory_space<hbm>>
      %dma_wait3A_48 = tpu.memref_squeeze %dma_wait3A_47 : memref<1x32xi32, #tpu.memory_space<hbm>> -> memref<32xi32, #tpu.memory_space<hbm>>
      tpu.wait_dma2 semaphore(%run_scoped3A_40 : memref<!tpu.dma_semaphore, #tpu.memory_space<semaphore_mem>>) src(%dma_wait3A_48 : memref<32xi32, #tpu.memory_space<hbm>>) dst(%arg5 : memref<32xi32, #tpu.memory_space<vmem>>)
      tpu.yield
    }) : () -> ()
    %run_scoped3A_3 = arith.constant 1 : i32
    "tpu.region"() ({
      %run_scoped3A_40 = tpu.sem_alloc : memref<!tpu.dma_semaphore, #tpu.memory_space<semaphore_mem>>
      %dma_start3A_41 = tpu.memref_slice %arg2[%run_scoped3A_3, %mul3A_2] : memref<5x1024xi32, #tpu.memory_space<hbm>> -> memref<1x32xi32, #tpu.memory_space<hbm>>
      %dma_start3A_42 = tpu.memref_squeeze %dma_start3A_41 : memref<1x32xi32, #tpu.memory_space<hbm>> -> memref<32xi32, #tpu.memory_space<hbm>>
      %dma_start3A_43 = tpu.memref_slice %arg2[%run_scoped3A_3, %mul3A_2] : memref<5x1024xi32, #tpu.memory_space<hbm>> -> memref<1x32xi32, #tpu.memory_space<hbm>>
      %dma_start3A_44 = tpu.memref_squeeze %dma_start3A_43 : memref<1x32xi32, #tpu.memory_space<hbm>> -> memref<32xi32, #tpu.memory_space<hbm>>
      tpu.enqueue_dma source(%dma_start3A_44 : memref<32xi32, #tpu.memory_space<hbm>>) target(%arg6 : memref<32xi32, #tpu.memory_space<vmem>>) target_semaphore(%run_scoped3A_40 : memref<!tpu.dma_semaphore, #tpu.memory_space<semaphore_mem>>)
      %dma_wait3A_45 = tpu.memref_slice %arg2[%run_scoped3A_3, %mul3A_2] : memref<5x1024xi32, #tpu.memory_space<hbm>> -> memref<1x32xi32, #tpu.memory_space<hbm>>
      %dma_wait3A_46 = tpu.memref_squeeze %dma_wait3A_45 : memref<1x32xi32, #tpu.memory_space<hbm>> -> memref<32xi32, #tpu.memory_space<hbm>>
      %dma_wait3A_47 = tpu.memref_slice %arg2[%run_scoped3A_3, %mul3A_2] : memref<5x1024xi32, #tpu.memory_space<hbm>> -> memref<1x32xi32, #tpu.memory_space<hbm>>
      %dma_wait3A_48 = tpu.memref_squeeze %dma_wait3A_47 : memref<1x32xi32, #tpu.memory_space<hbm>> -> memref<32xi32, #tpu.memory_space<hbm>>
      tpu.wait_dma2 semaphore(%run_scoped3A_40 : memref<!tpu.dma_semaphore, #tpu.memory_space<semaphore_mem>>) src(%dma_wait3A_48 : memref<32xi32, #tpu.memory_space<hbm>>) dst(%arg6 : memref<32xi32, #tpu.memory_space<vmem>>)
      tpu.yield
    }) : () -> ()
    %run_scoped3A_4 = arith.constant 2 : i32
    "tpu.region"() ({
      %run_scoped3A_40 = tpu.sem_alloc : memref<!tpu.dma_semaphore, #tpu.memory_space<semaphore_mem>>
      %dma_start3A_41 = tpu.memref_slice %arg2[%run_scoped3A_4, %mul3A_2] : memref<5x1024xi32, #tpu.memory_space<hbm>> -> memref<1x32xi32, #tpu.memory_space<hbm>>
      %dma_start3A_42 = tpu.memref_squeeze %dma_start3A_41 : memref<1x32xi32, #tpu.memory_space<hbm>> -> memref<32xi32, #tpu.memory_space<hbm>>
      %dma_start3A_43 = tpu.memref_slice %arg2[%run_scoped3A_4, %mul3A_2] : memref<5x1024xi32, #tpu.memory_space<hbm>> -> memref<1x32xi32, #tpu.memory_space<hbm>>
      %dma_start3A_44 = tpu.memref_squeeze %dma_start3A_43 : memref<1x32xi32, #tpu.memory_space<hbm>> -> memref<32xi32, #tpu.memory_space<hbm>>
      tpu.enqueue_dma source(%dma_start3A_44 : memref<32xi32, #tpu.memory_space<hbm>>) target(%arg7 : memref<32xi32, #tpu.memory_space<vmem>>) target_semaphore(%run_scoped3A_40 : memref<!tpu.dma_semaphore, #tpu.memory_space<semaphore_mem>>)
      %dma_wait3A_45 = tpu.memref_slice %arg2[%run_scoped3A_4, %mul3A_2] : memref<5x1024xi32, #tpu.memory_space<hbm>> -> memref<1x32xi32, #tpu.memory_space<hbm>>
      %dma_wait3A_46 = tpu.memref_squeeze %dma_wait3A_45 : memref<1x32xi32, #tpu.memory_space<hbm>> -> memref<32xi32, #tpu.memory_space<hbm>>
      %dma_wait3A_47 = tpu.memref_slice %arg2[%run_scoped3A_4, %mul3A_2] : memref<5x1024xi32, #tpu.memory_space<hbm>> -> memref<1x32xi32, #tpu.memory_space<hbm>>
      %dma_wait3A_48 = tpu.memref_squeeze %dma_wait3A_47 : memref<1x32xi32, #tpu.memory_space<hbm>> -> memref<32xi32, #tpu.memory_space<hbm>>
      tpu.wait_dma2 semaphore(%run_scoped3A_40 : memref<!tpu.dma_semaphore, #tpu.memory_space<semaphore_mem>>) src(%dma_wait3A_48 : memref<32xi32, #tpu.memory_space<hbm>>) dst(%arg7 : memref<32xi32, #tpu.memory_space<vmem>>)
      tpu.yield
    }) : () -> ()
    %run_scoped3A_5 = arith.constant 3 : i32
    "tpu.region"() ({
      %run_scoped3A_40 = tpu.sem_alloc : memref<!tpu.dma_semaphore, #tpu.memory_space<semaphore_mem>>
      %dma_start3A_41 = tpu.memref_slice %arg2[%run_scoped3A_5, %mul3A_2] : memref<5x1024xi32, #tpu.memory_space<hbm>> -> memref<1x32xi32, #tpu.memory_space<hbm>>
      %dma_start3A_42 = tpu.memref_squeeze %dma_start3A_41 : memref<1x32xi32, #tpu.memory_space<hbm>> -> memref<32xi32, #tpu.memory_space<hbm>>
      %dma_start3A_43 = tpu.memref_slice %arg2[%run_scoped3A_5, %mul3A_2] : memref<5x1024xi32, #tpu.memory_space<hbm>> -> memref<1x32xi32, #tpu.memory_space<hbm>>
      %dma_start3A_44 = tpu.memref_squeeze %dma_start3A_43 : memref<1x32xi32, #tpu.memory_space<hbm>> -> memref<32xi32, #tpu.memory_space<hbm>>
      tpu.enqueue_dma source(%dma_start3A_44 : memref<32xi32, #tpu.memory_space<hbm>>) target(%arg8 : memref<32xi32, #tpu.memory_space<vmem>>) target_semaphore(%run_scoped3A_40 : memref<!tpu.dma_semaphore, #tpu.memory_space<semaphore_mem>>)
      %dma_wait3A_45 = tpu.memref_slice %arg2[%run_scoped3A_5, %mul3A_2] : memref<5x1024xi32, #tpu.memory_space<hbm>> -> memref<1x32xi32, #tpu.memory_space<hbm>>
      %dma_wait3A_46 = tpu.memref_squeeze %dma_wait3A_45 : memref<1x32xi32, #tpu.memory_space<hbm>> -> memref<32xi32, #tpu.memory_space<hbm>>
      %dma_wait3A_47 = tpu.memref_slice %arg2[%run_scoped3A_5, %mul3A_2] : memref<5x1024xi32, #tpu.memory_space<hbm>> -> memref<1x32xi32, #tpu.memory_space<hbm>>
      %dma_wait3A_48 = tpu.memref_squeeze %dma_wait3A_47 : memref<1x32xi32, #tpu.memory_space<hbm>> -> memref<32xi32, #tpu.memory_space<hbm>>
      tpu.wait_dma2 semaphore(%run_scoped3A_40 : memref<!tpu.dma_semaphore, #tpu.memory_space<semaphore_mem>>) src(%dma_wait3A_48 : memref<32xi32, #tpu.memory_space<hbm>>) dst(%arg8 : memref<32xi32, #tpu.memory_space<vmem>>)
      tpu.yield
    }) : () -> ()
    %run_scoped3A_6 = arith.constant 4 : i32
    "tpu.region"() ({
      %run_scoped3A_40 = tpu.sem_alloc : memref<!tpu.dma_semaphore, #tpu.memory_space<semaphore_mem>>
      %dma_start3A_41 = tpu.memref_slice %arg2[%run_scoped3A_6, %mul3A_2] : memref<5x1024xi32, #tpu.memory_space<hbm>> -> memref<1x32xi32, #tpu.memory_space<hbm>>
      %dma_start3A_42 = tpu.memref_squeeze %dma_start3A_41 : memref<1x32xi32, #tpu.memory_space<hbm>> -> memref<32xi32, #tpu.memory_space<hbm>>
      %dma_start3A_43 = tpu.memref_slice %arg2[%run_scoped3A_6, %mul3A_2] : memref<5x1024xi32, #tpu.memory_space<hbm>> -> memref<1x32xi32, #tpu.memory_space<hbm>>
      %dma_start3A_44 = tpu.memref_squeeze %dma_start3A_43 : memref<1x32xi32, #tpu.memory_space<hbm>> -> memref<32xi32, #tpu.memory_space<hbm>>
      tpu.enqueue_dma source(%dma_start3A_44 : memref<32xi32, #tpu.memory_space<hbm>>) target(%arg9 : memref<32xi32, #tpu.memory_space<vmem>>) target_semaphore(%run_scoped3A_40 : memref<!tpu.dma_semaphore, #tpu.memory_space<semaphore_mem>>)
      %dma_wait3A_45 = tpu.memref_slice %arg2[%run_scoped3A_6, %mul3A_2] : memref<5x1024xi32, #tpu.memory_space<hbm>> -> memref<1x32xi32, #tpu.memory_space<hbm>>
      %dma_wait3A_46 = tpu.memref_squeeze %dma_wait3A_45 : memref<1x32xi32, #tpu.memory_space<hbm>> -> memref<32xi32, #tpu.memory_space<hbm>>
      %dma_wait3A_47 = tpu.memref_slice %arg2[%run_scoped3A_6, %mul3A_2] : memref<5x1024xi32, #tpu.memory_space<hbm>> -> memref<1x32xi32, #tpu.memory_space<hbm>>
      %dma_wait3A_48 = tpu.memref_squeeze %dma_wait3A_47 : memref<1x32xi32, #tpu.memory_space<hbm>> -> memref<32xi32, #tpu.memory_space<hbm>>
      tpu.wait_dma2 semaphore(%run_scoped3A_40 : memref<!tpu.dma_semaphore, #tpu.memory_space<semaphore_mem>>) src(%dma_wait3A_48 : memref<32xi32, #tpu.memory_space<hbm>>) dst(%arg9 : memref<32xi32, #tpu.memory_space<vmem>>)
      tpu.yield
    }) : () -> ()
    %dma_start3A = arith.constant 0 : i32
    %dma_start3A_7 = arith.constant 0 : i32
    %dma_start3A_8 = tpu.memref_slice %arg3[%dma_start3A, %dma_start3A_7] : memref<100000x128xf32, #tpu.memory_space<hbm>> -> memref<100000x128xf32, #tpu.memory_space<hbm>>
    tpu.enqueue_indirect_dma source(%dma_start3A_8 : memref<100000x128xf32, #tpu.memory_space<hbm>>) target(%arg10 : memref<32x128xf32, #tpu.memory_space<vmem>>) offsets(%arg5 : memref<32xi32, #tpu.memory_space<vmem>>) semaphore(%arg16 : memref<!tpu.dma_semaphore, #tpu.memory_space<semaphore_mem>>)
    %dma_start3A_9 = arith.constant 0 : i32
    %dma_start3A_10 = arith.constant 0 : i32
    %dma_start3A_11 = tpu.memref_slice %arg3[%dma_start3A_9, %dma_start3A_10] : memref<100000x128xf32, #tpu.memory_space<hbm>> -> memref<100000x128xf32, #tpu.memory_space<hbm>>
    tpu.enqueue_indirect_dma source(%dma_start3A_11 : memref<100000x128xf32, #tpu.memory_space<hbm>>) target(%arg11 : memref<32x128xf32, #tpu.memory_space<vmem>>) offsets(%arg6 : memref<32xi32, #tpu.memory_space<vmem>>) semaphore(%arg16 : memref<!tpu.dma_semaphore, #tpu.memory_space<semaphore_mem>>)
    %dma_start3A_12 = arith.constant 0 : i32
    %dma_start3A_13 = arith.constant 0 : i32
    %dma_start3A_14 = tpu.memref_slice %arg3[%dma_start3A_12, %dma_start3A_13] : memref<100000x128xf32, #tpu.memory_space<hbm>> -> memref<100000x128xf32, #tpu.memory_space<hbm>>
    tpu.enqueue_indirect_dma source(%dma_start3A_14 : memref<100000x128xf32, #tpu.memory_space<hbm>>) target(%arg12 : memref<32x128xf32, #tpu.memory_space<vmem>>) offsets(%arg7 : memref<32xi32, #tpu.memory_space<vmem>>) semaphore(%arg16 : memref<!tpu.dma_semaphore, #tpu.memory_space<semaphore_mem>>)
    %dma_start3A_15 = arith.constant 0 : i32
    %dma_start3A_16 = arith.constant 0 : i32
    %dma_start3A_17 = tpu.memref_slice %arg3[%dma_start3A_15, %dma_start3A_16] : memref<100000x128xf32, #tpu.memory_space<hbm>> -> memref<100000x128xf32, #tpu.memory_space<hbm>>
    tpu.enqueue_indirect_dma source(%dma_start3A_17 : memref<100000x128xf32, #tpu.memory_space<hbm>>) target(%arg13 : memref<32x128xf32, #tpu.memory_space<vmem>>) offsets(%arg8 : memref<32xi32, #tpu.memory_space<vmem>>) semaphore(%arg16 : memref<!tpu.dma_semaphore, #tpu.memory_space<semaphore_mem>>)
    %dma_start3A_18 = arith.constant 0 : i32
    %dma_start3A_19 = arith.constant 0 : i32
    %dma_start3A_20 = tpu.memref_slice %arg3[%dma_start3A_18, %dma_start3A_19] : memref<100000x128xf32, #tpu.memory_space<hbm>> -> memref<100000x128xf32, #tpu.memory_space<hbm>>
    tpu.enqueue_indirect_dma source(%dma_start3A_20 : memref<100000x128xf32, #tpu.memory_space<hbm>>) target(%arg14 : memref<32x128xf32, #tpu.memory_space<vmem>>) offsets(%arg9 : memref<32xi32, #tpu.memory_space<vmem>>) semaphore(%arg16 : memref<!tpu.dma_semaphore, #tpu.memory_space<semaphore_mem>>)
    %dma_wait3A = arith.constant 0 : i32
    %dma_wait3A_21 = arith.constant 0 : i32
    %dma_wait3A_22 = tpu.memref_slice %arg3[%dma_wait3A, %dma_wait3A_21] : memref<100000x128xf32, #tpu.memory_space<hbm>> -> memref<100000x128xf32, #tpu.memory_space<hbm>>
    tpu.wait_indirect_dma semaphore(%arg16 : memref<!tpu.dma_semaphore, #tpu.memory_space<semaphore_mem>>) src(%dma_wait3A_22 : memref<100000x128xf32, #tpu.memory_space<hbm>>) dst(%arg10 : memref<32x128xf32, #tpu.memory_space<vmem>>)
    %dma_wait3A_23 = arith.constant 0 : i32
    %dma_wait3A_24 = arith.constant 0 : i32
    %dma_wait3A_25 = tpu.memref_slice %arg3[%dma_wait3A_23, %dma_wait3A_24] : memref<100000x128xf32, #tpu.memory_space<hbm>> -> memref<100000x128xf32, #tpu.memory_space<hbm>>
    tpu.wait_indirect_dma semaphore(%arg16 : memref<!tpu.dma_semaphore, #tpu.memory_space<semaphore_mem>>) src(%dma_wait3A_25 : memref<100000x128xf32, #tpu.memory_space<hbm>>) dst(%arg11 : memref<32x128xf32, #tpu.memory_space<vmem>>)
    %dma_wait3A_26 = arith.constant 0 : i32
    %dma_wait3A_27 = arith.constant 0 : i32
    %dma_wait3A_28 = tpu.memref_slice %arg3[%dma_wait3A_26, %dma_wait3A_27] : memref<100000x128xf32, #tpu.memory_space<hbm>> -> memref<100000x128xf32, #tpu.memory_space<hbm>>
    tpu.wait_indirect_dma semaphore(%arg16 : memref<!tpu.dma_semaphore, #tpu.memory_space<semaphore_mem>>) src(%dma_wait3A_28 : memref<100000x128xf32, #tpu.memory_space<hbm>>) dst(%arg12 : memref<32x128xf32, #tpu.memory_space<vmem>>)
    %dma_wait3A_29 = arith.constant 0 : i32
    %dma_wait3A_30 = arith.constant 0 : i32
    %dma_wait3A_31 = tpu.memref_slice %arg3[%dma_wait3A_29, %dma_wait3A_30] : memref<100000x128xf32, #tpu.memory_space<hbm>> -> memref<100000x128xf32, #tpu.memory_space<hbm>>
    tpu.wait_indirect_dma semaphore(%arg16 : memref<!tpu.dma_semaphore, #tpu.memory_space<semaphore_mem>>) src(%dma_wait3A_31 : memref<100000x128xf32, #tpu.memory_space<hbm>>) dst(%arg13 : memref<32x128xf32, #tpu.memory_space<vmem>>)
    %dma_wait3A_32 = arith.constant 0 : i32
    %dma_wait3A_33 = arith.constant 0 : i32
    %dma_wait3A_34 = tpu.memref_slice %arg3[%dma_wait3A_32, %dma_wait3A_33] : memref<100000x128xf32, #tpu.memory_space<hbm>> -> memref<100000x128xf32, #tpu.memory_space<hbm>>
    tpu.wait_indirect_dma semaphore(%arg16 : memref<!tpu.dma_semaphore, #tpu.memory_space<semaphore_mem>>) src(%dma_wait3A_34 : memref<100000x128xf32, #tpu.memory_space<hbm>>) dst(%arg14 : memref<32x128xf32, #tpu.memory_space<vmem>>)
    %scan3A = arith.constant 0 : i32
    %scan3A_35 = arith.constant 0 : i32
    %scan3A_36 = arith.constant 32 : i32
    %scan3A_37 = arith.addi %scan3A_35, %scan3A_36 : i32
    %scan3A_38 = arith.constant 1 : i32
    scf.for %scan3A_40 = %scan3A_35 to %scan3A_37 step %scan3A_38  : i32 {
      %get3A = arith.index_cast %scan3A_40 : i32 to index
      %get3A_41 = arith.constant 0 : index
      %get3A_42 = tpu.vector_load %arg10[%get3A, %get3A_41] {strides = array<i32>} : memref<32x128xf32, #tpu.memory_space<vmem>>, vector<1x16xf32>,
      %get3A_43 = vector.shape_cast %get3A_42 : vector<1x16xf32> to vector<16xf32>
      %get3A_44 = arith.index_cast %scan3A_40 : i32 to index
      %get3A_45 = arith.constant 0 : index
      %get3A_46 = tpu.vector_load %arg11[%get3A_44, %get3A_45] {strides = array<i32>} : memref<32x128xf32, #tpu.memory_space<vmem>>, vector<1x16xf32>,
      %get3A_47 = vector.shape_cast %get3A_46 : vector<1x16xf32> to vector<16xf32>
      %add3A_48 = arith.addf %get3A_43, %get3A_47 : vector<16xf32>
      %get3A_49 = arith.index_cast %scan3A_40 : i32 to index
      %get3A_50 = arith.constant 0 : index
      %get3A_51 = tpu.vector_load %arg12[%get3A_49, %get3A_50] {strides = array<i32>} : memref<32x128xf32, #tpu.memory_space<vmem>>, vector<1x16xf32>,
      %get3A_52 = vector.shape_cast %get3A_51 : vector<1x16xf32> to vector<16xf32>
      %add3A_53 = arith.addf %add3A_48, %get3A_52 : vector<16xf32>
      %get3A_54 = arith.index_cast %scan3A_40 : i32 to index
      %get3A_55 = arith.constant 0 : index
      %get3A_56 = tpu.vector_load %arg13[%get3A_54, %get3A_55] {strides = array<i32>} : memref<32x128xf32, #tpu.memory_space<vmem>>, vector<1x16xf32>,
      %get3A_57 = vector.shape_cast %get3A_56 : vector<1x16xf32> to vector<16xf32>
      %add3A_58 = arith.addf %add3A_53, %get3A_57 : vector<16xf32>
      %get3A_59 = arith.index_cast %scan3A_40 : i32 to index
      %get3A_60 = arith.constant 0 : index
      %get3A_61 = tpu.vector_load %arg14[%get3A_59, %get3A_60] {strides = array<i32>} : memref<32x128xf32, #tpu.memory_space<vmem>>, vector<1x16xf32>,
      %get3A_62 = vector.shape_cast %get3A_61 : vector<1x16xf32> to vector<16xf32>
      %add3A_63 = arith.addf %add3A_58, %get3A_62 : vector<16xf32>
      %mul3A_64 = arith.constant 2.000000e-01 : f32
      %mul3A_65 = vector.broadcast %mul3A_64 : f32 to vector<16xf32>
      %mul3A_66 = arith.mulf %add3A_63, %mul3A_65 : vector<16xf32>
      %swap3A = arith.index_cast %scan3A_40 : i32 to index
      %swap3A_67 = arith.constant 0 : index
      %swap3A_68 = tpu.vector_load %arg15[%swap3A, %swap3A_67] {strides = array<i32>} : memref<32x128xf32, #tpu.memory_space<vmem>>, vector<1x16xf32>,
      %swap3A_69 = vector.shape_cast %swap3A_68 : vector<1x16xf32> to vector<16xf32>
      %swap3A_70 = vector.shape_cast %mul3A_66 : vector<16xf32> to vector<1x16xf32>
      tpu.vector_store %arg15[%swap3A, %swap3A_67], %swap3A_70 {strides = array<i32>} : memref<32x128xf32, #tpu.memory_space<vmem>>, vector<1x16xf32>,
      %get3A_71 = arith.index_cast %scan3A_40 : i32 to index
      %get3A_72 = arith.constant 16 : index
      %get3A_73 = tpu.vector_load %arg10[%get3A_71, %get3A_72] {strides = array<i32>} : memref<32x128xf32, #tpu.memory_space<vmem>>, vector<1x16xf32>,
      %get3A_74 = vector.shape_cast %get3A_73 : vector<1x16xf32> to vector<16xf32>
      %get3A_75 = arith.index_cast %scan3A_40 : i32 to index
      %get3A_76 = arith.constant 16 : index
      %get3A_77 = tpu.vector_load %arg11[%get3A_75, %get3A_76] {strides = array<i32>} : memref<32x128xf32, #tpu.memory_space<vmem>>, vector<1x16xf32>,
      %get3A_78 = vector.shape_cast %get3A_77 : vector<1x16xf32> to vector<16xf32>
      %add3A_79 = arith.addf %get3A_74, %get3A_78 : vector<16xf32>
      %get3A_80 = arith.index_cast %scan3A_40 : i32 to index
      %get3A_81 = arith.constant 16 : index
      %get3A_82 = tpu.vector_load %arg12[%get3A_80, %get3A_81] {strides = array<i32>} : memref<32x128xf32, #tpu.memory_space<vmem>>, vector<1x16xf32>,
      %get3A_83 = vector.shape_cast %get3A_82 : vector<1x16xf32> to vector<16xf32>
      %add3A_84 = arith.addf %add3A_79, %get3A_83 : vector<16xf32>
      %get3A_85 = arith.index_cast %scan3A_40 : i32 to index
      %get3A_86 = arith.constant 16 : index
      %get3A_87 = tpu.vector_load %arg13[%get3A_85, %get3A_86] {strides = array<i32>} : memref<32x128xf32, #tpu.memory_space<vmem>>, vector<1x16xf32>,
      %get3A_88 = vector.shape_cast %get3A_87 : vector<1x16xf32> to vector<16xf32>
      %add3A_89 = arith.addf %add3A_84, %get3A_88 : vector<16xf32>
      %get3A_90 = arith.index_cast %scan3A_40 : i32 to index
      %get3A_91 = arith.constant 16 : index
      %get3A_92 = tpu.vector_load %arg14[%get3A_90, %get3A_91] {strides = array<i32>} : memref<32x128xf32, #tpu.memory_space<vmem>>, vector<1x16xf32>,
      %get3A_93 = vector.shape_cast %get3A_92 : vector<1x16xf32> to vector<16xf32>
      %add3A_94 = arith.addf %add3A_89, %get3A_93 : vector<16xf32>
      %mul3A_95 = arith.constant 2.000000e-01 : f32
      %mul3A_96 = vector.broadcast %mul3A_95 : f32 to vector<16xf32>
      %mul3A_97 = arith.mulf %add3A_94, %mul3A_96 : vector<16xf32>
      %swap3A_98 = arith.index_cast %scan3A_40 : i32 to index
      %swap3A_99 = arith.constant 16 : index
      %swap3A_100 = tpu.vector_load %arg15[%swap3A_98, %swap3A_99] {strides = array<i32>} : memref<32x128xf32, #tpu.memory_space<vmem>>, vector<1x16xf32>,
      %swap3A_101 = vector.shape_cast %swap3A_100 : vector<1x16xf32> to vector<16xf32>
      %swap3A_102 = vector.shape_cast %mul3A_97 : vector<16xf32> to vector<1x16xf32>
      tpu.vector_store %arg15[%swap3A_98, %swap3A_99], %swap3A_102 {strides = array<i32>} : memref<32x128xf32, #tpu.memory_space<vmem>>, vector<1x16xf32>,
      %get3A_103 = arith.index_cast %scan3A_40 : i32 to index
      %get3A_104 = arith.constant 32 : index
      %get3A_105 = tpu.vector_load %arg10[%get3A_103, %get3A_104] {strides = array<i32>} : memref<32x128xf32, #tpu.memory_space<vmem>>, vector<1x16xf32>,
      %get3A_106 = vector.shape_cast %get3A_105 : vector<1x16xf32> to vector<16xf32>
      %get3A_107 = arith.index_cast %scan3A_40 : i32 to index
      %get3A_108 = arith.constant 32 : index
      %get3A_109 = tpu.vector_load %arg11[%get3A_107, %get3A_108] {strides = array<i32>} : memref<32x128xf32, #tpu.memory_space<vmem>>, vector<1x16xf32>,
      %get3A_110 = vector.shape_cast %get3A_109 : vector<1x16xf32> to vector<16xf32>
      %add3A_111 = arith.addf %get3A_106, %get3A_110 : vector<16xf32>
      %get3A_112 = arith.index_cast %scan3A_40 : i32 to index
      %get3A_113 = arith.constant 32 : index
      %get3A_114 = tpu.vector_load %arg12[%get3A_112, %get3A_113] {strides = array<i32>} : memref<32x128xf32, #tpu.memory_space<vmem>>, vector<1x16xf32>,
      %get3A_115 = vector.shape_cast %get3A_114 : vector<1x16xf32> to vector<16xf32>
      %add3A_116 = arith.addf %add3A_111, %get3A_115 : vector<16xf32>
      %get3A_117 = arith.index_cast %scan3A_40 : i32 to index
      %get3A_118 = arith.constant 32 : index
      %get3A_119 = tpu.vector_load %arg13[%get3A_117, %get3A_118] {strides = array<i32>} : memref<32x128xf32, #tpu.memory_space<vmem>>, vector<1x16xf32>,
      %get3A_120 = vector.shape_cast %get3A_119 : vector<1x16xf32> to vector<16xf32>
      %add3A_121 = arith.addf %add3A_116, %get3A_120 : vector<16xf32>
      %get3A_122 = arith.index_cast %scan3A_40 : i32 to index
      %get3A_123 = arith.constant 32 : index
      %get3A_124 = tpu.vector_load %arg14[%get3A_122, %get3A_123] {strides = array<i32>} : memref<32x128xf32, #tpu.memory_space<vmem>>, vector<1x16xf32>,
      %get3A_125 = vector.shape_cast %get3A_124 : vector<1x16xf32> to vector<16xf32>
      %add3A_126 = arith.addf %add3A_121, %get3A_125 : vector<16xf32>
      %mul3A_127 = arith.constant 2.000000e-01 : f32
      %mul3A_128 = vector.broadcast %mul3A_127 : f32 to vector<16xf32>
      %mul3A_129 = arith.mulf %add3A_126, %mul3A_128 : vector<16xf32>
      %swap3A_130 = arith.index_cast %scan3A_40 : i32 to index
      %swap3A_131 = arith.constant 32 : index
      %swap3A_132 = tpu.vector_load %arg15[%swap3A_130, %swap3A_131] {strides = array<i32>} : memref<32x128xf32, #tpu.memory_space<vmem>>, vector<1x16xf32>,
      %swap3A_133 = vector.shape_cast %swap3A_132 : vector<1x16xf32> to vector<16xf32>
      %swap3A_134 = vector.shape_cast %mul3A_129 : vector<16xf32> to vector<1x16xf32>
      tpu.vector_store %arg15[%swap3A_130, %swap3A_131], %swap3A_134 {strides = array<i32>} : memref<32x128xf32, #tpu.memory_space<vmem>>, vector<1x16xf32>,
      %get3A_135 = arith.index_cast %scan3A_40 : i32 to index
      %get3A_136 = arith.constant 48 : index
      %get3A_137 = tpu.vector_load %arg10[%get3A_135, %get3A_136] {strides = array<i32>} : memref<32x128xf32, #tpu.memory_space<vmem>>, vector<1x16xf32>,
      %get3A_138 = vector.shape_cast %get3A_137 : vector<1x16xf32> to vector<16xf32>
      %get3A_139 = arith.index_cast %scan3A_40 : i32 to index
      %get3A_140 = arith.constant 48 : index
      %get3A_141 = tpu.vector_load %arg11[%get3A_139, %get3A_140] {strides = array<i32>} : memref<32x128xf32, #tpu.memory_space<vmem>>, vector<1x16xf32>,
      %get3A_142 = vector.shape_cast %get3A_141 : vector<1x16xf32> to vector<16xf32>
      %add3A_143 = arith.addf %get3A_138, %get3A_142 : vector<16xf32>
      %get3A_144 = arith.index_cast %scan3A_40 : i32 to index
      %get3A_145 = arith.constant 48 : index
      %get3A_146 = tpu.vector_load %arg12[%get3A_144, %get3A_145] {strides = array<i32>} : memref<32x128xf32, #tpu.memory_space<vmem>>, vector<1x16xf32>,
      %get3A_147 = vector.shape_cast %get3A_146 : vector<1x16xf32> to vector<16xf32>
      %add3A_148 = arith.addf %add3A_143, %get3A_147 : vector<16xf32>
      %get3A_149 = arith.index_cast %scan3A_40 : i32 to index
      %get3A_150 = arith.constant 48 : index
      %get3A_151 = tpu.vector_load %arg13[%get3A_149, %get3A_150] {strides = array<i32>} : memref<32x128xf32, #tpu.memory_space<vmem>>, vector<1x16xf32>,
      %get3A_152 = vector.shape_cast %get3A_151 : vector<1x16xf32> to vector<16xf32>
      %add3A_153 = arith.addf %add3A_148, %get3A_152 : vector<16xf32>
      %get3A_154 = arith.index_cast %scan3A_40 : i32 to index
      %get3A_155 = arith.constant 48 : index
      %get3A_156 = tpu.vector_load %arg14[%get3A_154, %get3A_155] {strides = array<i32>} : memref<32x128xf32, #tpu.memory_space<vmem>>, vector<1x16xf32>,
      %get3A_157 = vector.shape_cast %get3A_156 : vector<1x16xf32> to vector<16xf32>
      %add3A_158 = arith.addf %add3A_153, %get3A_157 : vector<16xf32>
      %mul3A_159 = arith.constant 2.000000e-01 : f32
      %mul3A_160 = vector.broadcast %mul3A_159 : f32 to vector<16xf32>
      %mul3A_161 = arith.mulf %add3A_158, %mul3A_160 : vector<16xf32>
      %swap3A_162 = arith.index_cast %scan3A_40 : i32 to index
      %swap3A_163 = arith.constant 48 : index
      %swap3A_164 = tpu.vector_load %arg15[%swap3A_162, %swap3A_163] {strides = array<i32>} : memref<32x128xf32, #tpu.memory_space<vmem>>, vector<1x16xf32>,
      %swap3A_165 = vector.shape_cast %swap3A_164 : vector<1x16xf32> to vector<16xf32>
      %swap3A_166 = vector.shape_cast %mul3A_161 : vector<16xf32> to vector<1x16xf32>
      tpu.vector_store %arg15[%swap3A_162, %swap3A_163], %swap3A_166 {strides = array<i32>} : memref<32x128xf32, #tpu.memory_space<vmem>>, vector<1x16xf32>,
      %get3A_167 = arith.index_cast %scan3A_40 : i32 to index
      %get3A_168 = arith.constant 64 : index
      %get3A_169 = tpu.vector_load %arg10[%get3A_167, %get3A_168] {strides = array<i32>} : memref<32x128xf32, #tpu.memory_space<vmem>>, vector<1x16xf32>,
      %get3A_170 = vector.shape_cast %get3A_169 : vector<1x16xf32> to vector<16xf32>
      %get3A_171 = arith.index_cast %scan3A_40 : i32 to index
      %get3A_172 = arith.constant 64 : index
      %get3A_173 = tpu.vector_load %arg11[%get3A_171, %get3A_172] {strides = array<i32>} : memref<32x128xf32, #tpu.memory_space<vmem>>, vector<1x16xf32>,
      %get3A_174 = vector.shape_cast %get3A_173 : vector<1x16xf32> to vector<16xf32>
      %add3A_175 = arith.addf %get3A_170, %get3A_174 : vector<16xf32>
      %get3A_176 = arith.index_cast %scan3A_40 : i32 to index
      %get3A_177 = arith.constant 64 : index
      %get3A_178 = tpu.vector_load %arg12[%get3A_176, %get3A_177] {strides = array<i32>} : memref<32x128xf32, #tpu.memory_space<vmem>>, vector<1x16xf32>,
      %get3A_179 = vector.shape_cast %get3A_178 : vector<1x16xf32> to vector<16xf32>
      %add3A_180 = arith.addf %add3A_175, %get3A_179 : vector<16xf32>
      %get3A_181 = arith.index_cast %scan3A_40 : i32 to index
      %get3A_182 = arith.constant 64 : index
      %get3A_183 = tpu.vector_load %arg13[%get3A_181, %get3A_182] {strides = array<i32>} : memref<32x128xf32, #tpu.memory_space<vmem>>, vector<1x16xf32>,
      %get3A_184 = vector.shape_cast %get3A_183 : vector<1x16xf32> to vector<16xf32>
      %add3A_185 = arith.addf %add3A_180, %get3A_184 : vector<16xf32>
      %get3A_186 = arith.index_cast %scan3A_40 : i32 to index
      %get3A_187 = arith.constant 64 : index
      %get3A_188 = tpu.vector_load %arg14[%get3A_186, %get3A_187] {strides = array<i32>} : memref<32x128xf32, #tpu.memory_space<vmem>>, vector<1x16xf32>,
      %get3A_189 = vector.shape_cast %get3A_188 : vector<1x16xf32> to vector<16xf32>
      %add3A_190 = arith.addf %add3A_185, %get3A_189 : vector<16xf32>
      %mul3A_191 = arith.constant 2.000000e-01 : f32
      %mul3A_192 = vector.broadcast %mul3A_191 : f32 to vector<16xf32>
      %mul3A_193 = arith.mulf %add3A_190, %mul3A_192 : vector<16xf32>
      %swap3A_194 = arith.index_cast %scan3A_40 : i32 to index
      %swap3A_195 = arith.constant 64 : index
      %swap3A_196 = tpu.vector_load %arg15[%swap3A_194, %swap3A_195] {strides = array<i32>} : memref<32x128xf32, #tpu.memory_space<vmem>>, vector<1x16xf32>,
      %swap3A_197 = vector.shape_cast %swap3A_196 : vector<1x16xf32> to vector<16xf32>
      %swap3A_198 = vector.shape_cast %mul3A_193 : vector<16xf32> to vector<1x16xf32>
      tpu.vector_store %arg15[%swap3A_194, %swap3A_195], %swap3A_198 {strides = array<i32>} : memref<32x128xf32, #tpu.memory_space<vmem>>, vector<1x16xf32>,
      %get3A_199 = arith.index_cast %scan3A_40 : i32 to index
      %get3A_200 = arith.constant 80 : index
      %get3A_201 = tpu.vector_load %arg10[%get3A_199, %get3A_200] {strides = array<i32>} : memref<32x128xf32, #tpu.memory_space<vmem>>, vector<1x16xf32>,
      %get3A_202 = vector.shape_cast %get3A_201 : vector<1x16xf32> to vector<16xf32>
      %get3A_203 = arith.index_cast %scan3A_40 : i32 to index
      %get3A_204 = arith.constant 80 : index
      %get3A_205 = tpu.vector_load %arg11[%get3A_203, %get3A_204] {strides = array<i32>} : memref<32x128xf32, #tpu.memory_space<vmem>>, vector<1x16xf32>,
      %get3A_206 = vector.shape_cast %get3A_205 : vector<1x16xf32> to vector<16xf32>
      %add3A_207 = arith.addf %get3A_202, %get3A_206 : vector<16xf32>
      %get3A_208 = arith.index_cast %scan3A_40 : i32 to index
      %get3A_209 = arith.constant 80 : index
      %get3A_210 = tpu.vector_load %arg12[%get3A_208, %get3A_209] {strides = array<i32>} : memref<32x128xf32, #tpu.memory_space<vmem>>, vector<1x16xf32>,
      %get3A_211 = vector.shape_cast %get3A_210 : vector<1x16xf32> to vector<16xf32>
      %add3A_212 = arith.addf %add3A_207, %get3A_211 : vector<16xf32>
      %get3A_213 = arith.index_cast %scan3A_40 : i32 to index
      %get3A_214 = arith.constant 80 : index
      %get3A_215 = tpu.vector_load %arg13[%get3A_213, %get3A_214] {strides = array<i32>} : memref<32x128xf32, #tpu.memory_space<vmem>>, vector<1x16xf32>,
      %get3A_216 = vector.shape_cast %get3A_215 : vector<1x16xf32> to vector<16xf32>
      %add3A_217 = arith.addf %add3A_212, %get3A_216 : vector<16xf32>
      %get3A_218 = arith.index_cast %scan3A_40 : i32 to index
      %get3A_219 = arith.constant 80 : index
      %get3A_220 = tpu.vector_load %arg14[%get3A_218, %get3A_219] {strides = array<i32>} : memref<32x128xf32, #tpu.memory_space<vmem>>, vector<1x16xf32>,
      %get3A_221 = vector.shape_cast %get3A_220 : vector<1x16xf32> to vector<16xf32>
      %add3A_222 = arith.addf %add3A_217, %get3A_221 : vector<16xf32>
      %mul3A_223 = arith.constant 2.000000e-01 : f32
      %mul3A_224 = vector.broadcast %mul3A_223 : f32 to vector<16xf32>
      %mul3A_225 = arith.mulf %add3A_222, %mul3A_224 : vector<16xf32>
      %swap3A_226 = arith.index_cast %scan3A_40 : i32 to index
      %swap3A_227 = arith.constant 80 : index
      %swap3A_228 = tpu.vector_load %arg15[%swap3A_226, %swap3A_227] {strides = array<i32>} : memref<32x128xf32, #tpu.memory_space<vmem>>, vector<1x16xf32>,
      %swap3A_229 = vector.shape_cast %swap3A_228 : vector<1x16xf32> to vector<16xf32>
      %swap3A_230 = vector.shape_cast %mul3A_225 : vector<16xf32> to vector<1x16xf32>
      tpu.vector_store %arg15[%swap3A_226, %swap3A_227], %swap3A_230 {strides = array<i32>} : memref<32x128xf32, #tpu.memory_space<vmem>>, vector<1x16xf32>,
      %get3A_231 = arith.index_cast %scan3A_40 : i32 to index
      %get3A_232 = arith.constant 96 : index
      %get3A_233 = tpu.vector_load %arg10[%get3A_231, %get3A_232] {strides = array<i32>} : memref<32x128xf32, #tpu.memory_space<vmem>>, vector<1x16xf32>,
      %get3A_234 = vector.shape_cast %get3A_233 : vector<1x16xf32> to vector<16xf32>
      %get3A_235 = arith.index_cast %scan3A_40 : i32 to index
      %get3A_236 = arith.constant 96 : index
      %get3A_237 = tpu.vector_load %arg11[%get3A_235, %get3A_236] {strides = array<i32>} : memref<32x128xf32, #tpu.memory_space<vmem>>, vector<1x16xf32>,
      %get3A_238 = vector.shape_cast %get3A_237 : vector<1x16xf32> to vector<16xf32>
      %add3A_239 = arith.addf %get3A_234, %get3A_238 : vector<16xf32>
      %get3A_240 = arith.index_cast %scan3A_40 : i32 to index
      %get3A_241 = arith.constant 96 : index
      %get3A_242 = tpu.vector_load %arg12[%get3A_240, %get3A_241] {strides = array<i32>} : memref<32x128xf32, #tpu.memory_space<vmem>>, vector<1x16xf32>,
      %get3A_243 = vector.shape_cast %get3A_242 : vector<1x16xf32> to vector<16xf32>
      %add3A_244 = arith.addf %add3A_239, %get3A_243 : vector<16xf32>
      %get3A_245 = arith.index_cast %scan3A_40 : i32 to index
      %get3A_246 = arith.constant 96 : index
      %get3A_247 = tpu.vector_load %arg13[%get3A_245, %get3A_246] {strides = array<i32>} : memref<32x128xf32, #tpu.memory_space<vmem>>, vector<1x16xf32>,
      %get3A_248 = vector.shape_cast %get3A_247 : vector<1x16xf32> to vector<16xf32>
      %add3A_249 = arith.addf %add3A_244, %get3A_248 : vector<16xf32>
      %get3A_250 = arith.index_cast %scan3A_40 : i32 to index
      %get3A_251 = arith.constant 96 : index
      %get3A_252 = tpu.vector_load %arg14[%get3A_250, %get3A_251] {strides = array<i32>} : memref<32x128xf32, #tpu.memory_space<vmem>>, vector<1x16xf32>,
      %get3A_253 = vector.shape_cast %get3A_252 : vector<1x16xf32> to vector<16xf32>
      %add3A_254 = arith.addf %add3A_249, %get3A_253 : vector<16xf32>
      %mul3A_255 = arith.constant 2.000000e-01 : f32
      %mul3A_256 = vector.broadcast %mul3A_255 : f32 to vector<16xf32>
      %mul3A_257 = arith.mulf %add3A_254, %mul3A_256 : vector<16xf32>
      %swap3A_258 = arith.index_cast %scan3A_40 : i32 to index
      %swap3A_259 = arith.constant 96 : index
      %swap3A_260 = tpu.vector_load %arg15[%swap3A_258, %swap3A_259] {strides = array<i32>} : memref<32x128xf32, #tpu.memory_space<vmem>>, vector<1x16xf32>,
      %swap3A_261 = vector.shape_cast %swap3A_260 : vector<1x16xf32> to vector<16xf32>
      %swap3A_262 = vector.shape_cast %mul3A_257 : vector<16xf32> to vector<1x16xf32>
      tpu.vector_store %arg15[%swap3A_258, %swap3A_259], %swap3A_262 {strides = array<i32>} : memref<32x128xf32, #tpu.memory_space<vmem>>, vector<1x16xf32>,
      %get3A_263 = arith.index_cast %scan3A_40 : i32 to index
      %get3A_264 = arith.constant 112 : index
      %get3A_265 = tpu.vector_load %arg10[%get3A_263, %get3A_264] {strides = array<i32>} : memref<32x128xf32, #tpu.memory_space<vmem>>, vector<1x16xf32>,
      %get3A_266 = vector.shape_cast %get3A_265 : vector<1x16xf32> to vector<16xf32>
      %get3A_267 = arith.index_cast %scan3A_40 : i32 to index
      %get3A_268 = arith.constant 112 : index
      %get3A_269 = tpu.vector_load %arg11[%get3A_267, %get3A_268] {strides = array<i32>} : memref<32x128xf32, #tpu.memory_space<vmem>>, vector<1x16xf32>,
      %get3A_270 = vector.shape_cast %get3A_269 : vector<1x16xf32> to vector<16xf32>
      %add3A_271 = arith.addf %get3A_266, %get3A_270 : vector<16xf32>
      %get3A_272 = arith.index_cast %scan3A_40 : i32 to index
      %get3A_273 = arith.constant 112 : index
      %get3A_274 = tpu.vector_load %arg12[%get3A_272, %get3A_273] {strides = array<i32>} : memref<32x128xf32, #tpu.memory_space<vmem>>, vector<1x16xf32>,
      %get3A_275 = vector.shape_cast %get3A_274 : vector<1x16xf32> to vector<16xf32>
      %add3A_276 = arith.addf %add3A_271, %get3A_275 : vector<16xf32>
      %get3A_277 = arith.index_cast %scan3A_40 : i32 to index
      %get3A_278 = arith.constant 112 : index
      %get3A_279 = tpu.vector_load %arg13[%get3A_277, %get3A_278] {strides = array<i32>} : memref<32x128xf32, #tpu.memory_space<vmem>>, vector<1x16xf32>,
      %get3A_280 = vector.shape_cast %get3A_279 : vector<1x16xf32> to vector<16xf32>
      %add3A_281 = arith.addf %add3A_276, %get3A_280 : vector<16xf32>
      %get3A_282 = arith.index_cast %scan3A_40 : i32 to index
      %get3A_283 = arith.constant 112 : index
      %get3A_284 = tpu.vector_load %arg14[%get3A_282, %get3A_283] {strides = array<i32>} : memref<32x128xf32, #tpu.memory_space<vmem>>, vector<1x16xf32>,
      %get3A_285 = vector.shape_cast %get3A_284 : vector<1x16xf32> to vector<16xf32>
      %add3A_286 = arith.addf %add3A_281, %get3A_285 : vector<16xf32>
      %mul3A_287 = arith.constant 2.000000e-01 : f32
      %mul3A_288 = vector.broadcast %mul3A_287 : f32 to vector<16xf32>
      %mul3A_289 = arith.mulf %add3A_286, %mul3A_288 : vector<16xf32>
      %swap3A_290 = arith.index_cast %scan3A_40 : i32 to index
      %swap3A_291 = arith.constant 112 : index
      %swap3A_292 = tpu.vector_load %arg15[%swap3A_290, %swap3A_291] {strides = array<i32>} : memref<32x128xf32, #tpu.memory_space<vmem>>, vector<1x16xf32>,
      %swap3A_293 = vector.shape_cast %swap3A_292 : vector<1x16xf32> to vector<16xf32>
      %swap3A_294 = vector.shape_cast %mul3A_289 : vector<16xf32> to vector<1x16xf32>
      tpu.vector_store %arg15[%swap3A_290, %swap3A_291], %swap3A_294 {strides = array<i32>} : memref<32x128xf32, #tpu.memory_space<vmem>>, vector<1x16xf32>,
    }
    %scan3A_39 = arith.constant 32 : i32
    "tpu.region"() ({
      %run_scoped3A_40 = tpu.sem_alloc : memref<!tpu.dma_semaphore, #tpu.memory_space<semaphore_mem>>
      %dma_start3A_41 = arith.constant 0 : i32
      %dma_start3A_42 = tpu.memref_slice %arg4[%mul3A_2, %dma_start3A_41] : memref<1024x128xf32, #tpu.memory_space<hbm>> -> memref<32x128xf32, #tpu.memory_space<hbm>>
      %dma_start3A_43 = arith.constant 0 : i32
      %dma_start3A_44 = tpu.memref_slice %arg4[%mul3A_2, %dma_start3A_43] : memref<1024x128xf32, #tpu.memory_space<hbm>> -> memref<32x128xf32, #tpu.memory_space<hbm>>
      tpu.enqueue_dma source(%arg15 : memref<32x128xf32, #tpu.memory_space<vmem>>) target(%dma_start3A_44 : memref<32x128xf32, #tpu.memory_space<hbm>>) target_semaphore(%run_scoped3A_40 : memref<!tpu.dma_semaphore, #tpu.memory_space<semaphore_mem>>)
      %dma_wait3A_45 = arith.constant 0 : i32
      %dma_wait3A_46 = tpu.memref_slice %arg4[%mul3A_2, %dma_wait3A_45] : memref<1024x128xf32, #tpu.memory_space<hbm>> -> memref<32x128xf32, #tpu.memory_space<hbm>>
      %dma_wait3A_47 = arith.constant 0 : i32
      %dma_wait3A_48 = tpu.memref_slice %arg4[%mul3A_2, %dma_wait3A_47] : memref<1024x128xf32, #tpu.memory_space<hbm>> -> memref<32x128xf32, #tpu.memory_space<hbm>>
      tpu.wait_dma2 semaphore(%run_scoped3A_40 : memref<!tpu.dma_semaphore, #tpu.memory_space<semaphore_mem>>) src(%arg15 : memref<32x128xf32, #tpu.memory_space<vmem>>) dst(%dma_wait3A_48 : memref<32x128xf32, #tpu.memory_space<hbm>>)
      tpu.yield
    }) : () -> ()
    return
  }
}

module attributes {stable_mosaic.version = 14 : i64} {
  func.func @_mobius_body(%arg0: memref<1024x128xf32, #tpu.memory_space<vmem>>, %arg1: memref<1024x128xf32, #tpu.memory_space<vmem>>, %arg2: memref<1024x128xf32, #tpu.memory_space<vmem>>) attributes {dimension_semantics = [], scalar_prefetch = 0 : i64, scratch_operands = 0 : i64, tpu.core_type = #tpu.core_type<tc>} {
    %get3A = arith.constant 0 : index
    %get3A_0 = arith.constant 0 : index
    %get3A_1 = vector.load %arg0[%get3A, %get3A_0] : memref<1024x128xf32, #tpu.memory_space<vmem>>, vector<1024x128xf32>
    %get3A_2 = arith.constant 0 : index
    %get3A_3 = arith.constant 0 : index
    %get3A_4 = vector.load %arg1[%get3A_2, %get3A_3] : memref<1024x128xf32, #tpu.memory_space<vmem>>, vector<1024x128xf32>
    %mul3A = arith.mulf %get3A_1, %get3A_4 : vector<1024x128xf32>
    %reduce_sum3A = arith.constant dense<0.000000e+00> : vector<1024xf32>
    %reduce_sum3A_5 = vector.multi_reduction <add>, %mul3A, %reduce_sum3A [1] : vector<1024x128xf32> to vector<1024xf32>
    %broadcast_in_dim3A = vector.shape_cast %reduce_sum3A_5 : vector<1024xf32> to vector<1024x1xf32>
    %mul3A_6 = arith.mulf %get3A_1, %get3A_1 : vector<1024x128xf32>
    %reduce_sum3A_7 = arith.constant dense<0.000000e+00> : vector<1024xf32>
    %reduce_sum3A_8 = vector.multi_reduction <add>, %mul3A_6, %reduce_sum3A_7 [1] : vector<1024x128xf32> to vector<1024xf32>
    %broadcast_in_dim3A_9 = vector.shape_cast %reduce_sum3A_8 : vector<1024xf32> to vector<1024x1xf32>
    %mul3A_10 = arith.mulf %get3A_4, %get3A_4 : vector<1024x128xf32>
    %reduce_sum3A_11 = arith.constant dense<0.000000e+00> : vector<1024xf32>
    %reduce_sum3A_12 = vector.multi_reduction <add>, %mul3A_10, %reduce_sum3A_11 [1] : vector<1024x128xf32> to vector<1024xf32>
    %broadcast_in_dim3A_13 = vector.shape_cast %reduce_sum3A_12 : vector<1024xf32> to vector<1024x1xf32>
    %mul3A_14 = arith.constant 2.000000e+00 : f32
    %mul3A_15 = vector.broadcast %mul3A_14 : f32 to vector<1024x1xf32>
    %mul3A_16 = arith.mulf %mul3A_15, %broadcast_in_dim3A : vector<1024x1xf32>
    %add3A = arith.constant 1.000000e+00 : f32
    %add3A_17 = vector.broadcast %add3A : f32 to vector<1024x1xf32>
    %add3A_18 = arith.addf %add3A_17, %mul3A_16 : vector<1024x1xf32>
    %add3A_19 = arith.addf %add3A_18, %broadcast_in_dim3A_13 : vector<1024x1xf32>
    %mul3A_20 = vector.broadcast %add3A_19 : vector<1024x1xf32> to vector<1024x128xf32>
    %mul3A_21 = arith.mulf %mul3A_20, %get3A_1 : vector<1024x128xf32>
    %sub3A = arith.constant 1.000000e+00 : f32
    %sub3A_22 = vector.broadcast %sub3A : f32 to vector<1024x1xf32>
    %sub3A_23 = arith.subf %sub3A_22, %broadcast_in_dim3A_9 : vector<1024x1xf32>
    %mul3A_24 = vector.broadcast %sub3A_23 : vector<1024x1xf32> to vector<1024x128xf32>
    %mul3A_25 = arith.mulf %mul3A_24, %get3A_4 : vector<1024x128xf32>
    %add3A_26 = arith.addf %mul3A_21, %mul3A_25 : vector<1024x128xf32>
    %mul3A_27 = arith.constant 2.000000e+00 : f32
    %mul3A_28 = vector.broadcast %mul3A_27 : f32 to vector<1024x1xf32>
    %mul3A_29 = arith.mulf %mul3A_28, %broadcast_in_dim3A : vector<1024x1xf32>
    %add3A_30 = arith.constant 1.000000e+00 : f32
    %add3A_31 = vector.broadcast %add3A_30 : f32 to vector<1024x1xf32>
    %add3A_32 = arith.addf %add3A_31, %mul3A_29 : vector<1024x1xf32>
    %mul3A_33 = arith.mulf %broadcast_in_dim3A_9, %broadcast_in_dim3A_13 : vector<1024x1xf32>
    %add3A_34 = arith.addf %add3A_32, %mul3A_33 : vector<1024x1xf32>
    %max3A = arith.constant 1.000000e-15 : f32
    %max3A_35 = vector.broadcast %max3A : f32 to vector<1024x1xf32>
    %max3A_36 = arith.maximumf %add3A_34, %max3A_35 : vector<1024x1xf32>
    %div3A = vector.broadcast %max3A_36 : vector<1024x1xf32> to vector<1024x128xf32>
    %div3A_37 = arith.divf %add3A_26, %div3A : vector<1024x128xf32>
    %swap3A = arith.constant 0 : index
    %swap3A_38 = arith.constant 0 : index
    %swap3A_39 = vector.load %arg2[%swap3A, %swap3A_38] : memref<1024x128xf32, #tpu.memory_space<vmem>>, vector<1024x128xf32>
    tpu.vector_store %arg2[%swap3A, %swap3A_38], %div3A_37 {strides = array<i32>} : memref<1024x128xf32, #tpu.memory_space<vmem>>, vector<1024x128xf32>,
    return
  }
}

module attributes {stable_mosaic.version = 14 : i64} {
  func.func @_topk_body(%arg0: i32, %arg1: memref<1024x768xf32, #tpu.memory_space<vmem>>, %arg2: memref<128x768xf32, #tpu.memory_space<vmem>>, %arg3: memref<1x128xf32, #tpu.memory_space<vmem>>, %arg4: memref<2000x128xf32, #tpu.memory_space<vmem>>, %arg5: memref<1024x128xf32, #tpu.memory_space<vmem>>, %arg6: memref<5x1024xi32, #tpu.memory_space<vmem>>, %arg7: memref<1024x128xf32, #tpu.memory_space<vmem>>, %arg8: memref<2000x1024xi32, #tpu.memory_space<vmem>>, %arg9: memref<50x8x1024xf32, #tpu.memory_space<vmem>>) attributes {dimension_semantics = [#tpu.dimension_semantics<arbitrary>], iteration_bounds = array<i64: 50>, scalar_prefetch = 0 : i64, scratch_operands = 3 : i64, tpu.core_type = #tpu.core_type<tc>, window_params = [{pipeline_mode = #tpu.pipeline_mode<synchronous>, transform_indices = @transform_0, window_bounds = array<i64: 1024, 768>}, {pipeline_mode = #tpu.pipeline_mode<synchronous>, transform_indices = @transform_1, window_bounds = array<i64: 128, 768>}, {pipeline_mode = #tpu.pipeline_mode<synchronous>, transform_indices = @transform_2, window_bounds = array<i64: 1, 128>}, {transform_indices = @transform_3, window_bounds = array<i64: 2000, 128>}, {pipeline_mode = #tpu.pipeline_mode<synchronous>, transform_indices = @transform_4, window_bounds = array<i64: 1024, 128>}, {pipeline_mode = #tpu.pipeline_mode<synchronous>, transform_indices = @transform_5, window_bounds = array<i64: 5, 1024>}]} {
    %eq3A = arith.constant 0 : i32
    %eq3A_0 = arith.cmpi eq, %arg0, %eq3A : i32
    %convert_element_type3A = arith.extui %eq3A_0 : i1 to i32
    %cond3A = arith.constant 0 : i32
    %cond3A_1 = arith.cmpi ne, %convert_element_type3A, %cond3A : i32
    scf.if %cond3A_1 {
      %get3A_1841 = arith.constant 0 : index
      %get3A_1842 = arith.constant 0 : index
      %get3A_1843 = vector.load %arg1[%get3A_1841, %get3A_1842] : memref<1024x768xf32, #tpu.memory_space<vmem>>, vector<1024x768xf32>
      %get3A_1844 = arith.constant 0 : index
      %get3A_1845 = arith.constant 0 : index
      %get3A_1846 = vector.load %arg2[%get3A_1844, %get3A_1845] : memref<128x768xf32, #tpu.memory_space<vmem>>, vector<128x768xf32>
      %dot_general3A_1847 = arith.constant dense<0.000000e+00> : vector<1024x128xf32>
      %dot_general3A_1848 = tpu.matmul %get3A_1843, %get3A_1846, %dot_general3A_1847 {dimension_numbers = #tpu.dot_dimension_numbers<[1], [1], [0], [0], [0, 0, 1, 0], [], []>, transpose_lhs_hint = false} : vector<1024x768xf32>, vector<128x768xf32>, vector<1024x128xf32> -> vector<1024x128xf32>
      %get3A_1849 = arith.constant 0 : index
      %get3A_1850 = arith.constant 0 : index
      %get3A_1851 = vector.load %arg3[%get3A_1849, %get3A_1850] : memref<1x128xf32, #tpu.memory_space<vmem>>, vector<1x128xf32>
      %add3A_1852 = vector.broadcast %get3A_1851 : vector<1x128xf32> to vector<1024x128xf32>
      %add3A_1853 = arith.addf %dot_general3A_1848, %add3A_1852 : vector<1024x128xf32>
      %mul3A_1854 = arith.mulf %add3A_1853, %add3A_1853 : vector<1024x128xf32>
      %reduce_sum3A_1855 = arith.constant dense<0.000000e+00> : vector<1024xf32>
      %reduce_sum3A_1856 = vector.multi_reduction <add>, %mul3A_1854, %reduce_sum3A_1855 [1] : vector<1024x128xf32> to vector<1024xf32>
      %broadcast_in_dim3A_1857 = vector.shape_cast %reduce_sum3A_1856 : vector<1024xf32> to vector<1024x1xf32>
      %sqrt3A_1858 = math.sqrt %broadcast_in_dim3A_1857 : vector<1024x1xf32>
      %max3A_1859 = arith.constant 1.000000e-15 : f32
      %max3A_1860 = vector.broadcast %max3A_1859 : f32 to vector<1024x1xf32>
      %max3A_1861 = arith.maximumf %sqrt3A_1858, %max3A_1860 : vector<1024x1xf32>
      %tanh3A = math.tanh %max3A_1861 : vector<1024x1xf32>
      %mul3A_1862 = vector.broadcast %tanh3A : vector<1024x1xf32> to vector<1024x128xf32>
      %mul3A_1863 = arith.mulf %mul3A_1862, %add3A_1853 : vector<1024x128xf32>
      %div3A_1864 = vector.broadcast %max3A_1861 : vector<1024x1xf32> to vector<1024x128xf32>
      %div3A_1865 = arith.divf %mul3A_1863, %div3A_1864 : vector<1024x128xf32>
      %swap3A_1866 = arith.constant 0 : index
      %swap3A_1867 = arith.constant 0 : index
      %swap3A_1868 = vector.load %arg5[%swap3A_1866, %swap3A_1867] : memref<1024x128xf32, #tpu.memory_space<vmem>>, vector<1024x128xf32>
      tpu.vector_store %arg5[%swap3A_1866, %swap3A_1867], %div3A_1865 {strides = array<i32>} : memref<1024x128xf32, #tpu.memory_space<vmem>>, vector<1024x128xf32>,
      %mul3A_1869 = arith.mulf %div3A_1865, %div3A_1865 : vector<1024x128xf32>
      %reduce_sum3A_1870 = arith.constant dense<0.000000e+00> : vector<1024xf32>
      %reduce_sum3A_1871 = vector.multi_reduction <add>, %mul3A_1869, %reduce_sum3A_1870 [1] : vector<1024x128xf32> to vector<1024xf32>
      %broadcast_in_dim3A_1872 = vector.shape_cast %reduce_sum3A_1871 : vector<1024xf32> to vector<1024x1xf32>
      %sqrt3A_1873 = math.sqrt %broadcast_in_dim3A_1872 : vector<1024x1xf32>
      %max3A_1874 = arith.constant 1.000000e-15 : f32
      %max3A_1875 = vector.broadcast %max3A_1874 : f32 to vector<1024x1xf32>
      %max3A_1876 = arith.maximumf %sqrt3A_1873, %max3A_1875 : vector<1024x1xf32>
      %jit3A_1877 = arith.constant 1.000000e-15 : f32
      %jit3A_1878 = arith.constant 0.999989986 : f32
      %max3A_1879 = vector.broadcast %jit3A_1877 : f32 to vector<1024x1xf32>
      %max3A_1880 = arith.maximumf %max3A_1879, %max3A_1876 : vector<1024x1xf32>
      %min3A_1881 = vector.broadcast %jit3A_1878 : f32 to vector<1024x1xf32>
      %min3A_1882 = arith.minimumf %min3A_1881, %max3A_1880 : vector<1024x1xf32>
      %add3A_1883 = arith.constant 1.000000e+00 : f32
      %add3A_1884 = vector.broadcast %add3A_1883 : f32 to vector<1024x1xf32>
      %add3A_1885 = arith.addf %add3A_1884, %min3A_1882 : vector<1024x1xf32>
      %sub3A_1886 = arith.constant 1.000000e+00 : f32
      %sub3A_1887 = vector.broadcast %sub3A_1886 : f32 to vector<1024x1xf32>
      %sub3A_1888 = arith.subf %sub3A_1887, %min3A_1882 : vector<1024x1xf32>
      %div3A_1889 = arith.divf %add3A_1885, %sub3A_1888 : vector<1024x1xf32>
      %log3A_1890 = math.log %div3A_1889 : vector<1024x1xf32>
      %mul3A_1891 = arith.constant 5.000000e-01 : f32
      %mul3A_1892 = vector.broadcast %mul3A_1891 : f32 to vector<1024x1xf32>
      %mul3A_1893 = arith.mulf %mul3A_1892, %log3A_1890 : vector<1024x1xf32>
      %mul3A_1894 = arith.constant -2.000000e+00 : f32
      %mul3A_1895 = vector.broadcast %mul3A_1894 : f32 to vector<1024x1xf32>
      %mul3A_1896 = arith.mulf %mul3A_1895, %mul3A_1893 : vector<1024x1xf32>
      %div3A_1897 = arith.divf %mul3A_1896, %max3A_1876 : vector<1024x1xf32>
      %mul3A_1898 = vector.broadcast %div3A_1897 : vector<1024x1xf32> to vector<1024x128xf32>
      %mul3A_1899 = arith.mulf %mul3A_1898, %div3A_1865 : vector<1024x128xf32>
      %swap3A_1900 = arith.constant 0 : index
      %swap3A_1901 = arith.constant 0 : index
      %swap3A_1902 = vector.load %arg7[%swap3A_1900, %swap3A_1901] : memref<1024x128xf32, #tpu.memory_space<vmem>>, vector<1024x128xf32>
      tpu.vector_store %arg7[%swap3A_1900, %swap3A_1901], %mul3A_1899 {strides = array<i32>} : memref<1024x128xf32, #tpu.memory_space<vmem>>, vector<1024x128xf32>,
      %iota3A = tpu.iota {dimensions = array<i32: 0>} : vector<2000x1024xi32>
      %swap3A_1903 = arith.constant 0 : index
      %swap3A_1904 = arith.constant 0 : index
      %swap3A_1905 = vector.load %arg8[%swap3A_1903, %swap3A_1904] : memref<2000x1024xi32, #tpu.memory_space<vmem>>, vector<2000x1024xi32>
      tpu.vector_store %arg8[%swap3A_1903, %swap3A_1904], %iota3A {strides = array<i32>} : memref<2000x1024xi32, #tpu.memory_space<vmem>>, vector<2000x1024xi32>,
    } else {
    }
    %get3A = arith.constant 0 : index
    %get3A_2 = arith.constant 0 : index
    %get3A_3 = vector.load %arg4[%get3A, %get3A_2] : memref<2000x128xf32, #tpu.memory_space<vmem>>, vector<2000x128xf32>
    %mul3A = arith.mulf %get3A_3, %get3A_3 : vector<2000x128xf32>
    %reduce_sum3A = arith.constant dense<0.000000e+00> : vector<2000xf32>
    %reduce_sum3A_4 = vector.multi_reduction <add>, %mul3A, %reduce_sum3A [1] : vector<2000x128xf32> to vector<2000xf32>
    %broadcast_in_dim3A = vector.shape_cast %reduce_sum3A_4 : vector<2000xf32> to vector<2000x1xf32>
    %sqrt3A = math.sqrt %broadcast_in_dim3A : vector<2000x1xf32>
    %max3A = arith.constant 1.000000e-15 : f32
    %max3A_5 = vector.broadcast %max3A : f32 to vector<2000x1xf32>
    %max3A_6 = arith.maximumf %sqrt3A, %max3A_5 : vector<2000x1xf32>
    %jit3A = arith.constant 1.000000e-15 : f32
    %jit3A_7 = arith.constant 0.999989986 : f32
    %max3A_8 = vector.broadcast %jit3A : f32 to vector<2000x1xf32>
    %max3A_9 = arith.maximumf %max3A_8, %max3A_6 : vector<2000x1xf32>
    %min3A = vector.broadcast %jit3A_7 : f32 to vector<2000x1xf32>
    %min3A_10 = arith.minimumf %min3A, %max3A_9 : vector<2000x1xf32>
    %add3A = arith.constant 1.000000e+00 : f32
    %add3A_11 = vector.broadcast %add3A : f32 to vector<2000x1xf32>
    %add3A_12 = arith.addf %add3A_11, %min3A_10 : vector<2000x1xf32>
    %sub3A = arith.constant 1.000000e+00 : f32
    %sub3A_13 = vector.broadcast %sub3A : f32 to vector<2000x1xf32>
    %sub3A_14 = arith.subf %sub3A_13, %min3A_10 : vector<2000x1xf32>
    %div3A = arith.divf %add3A_12, %sub3A_14 : vector<2000x1xf32>
    %log3A = math.log %div3A : vector<2000x1xf32>
    %mul3A_15 = arith.constant 5.000000e-01 : f32
    %mul3A_16 = vector.broadcast %mul3A_15 : f32 to vector<2000x1xf32>
    %mul3A_17 = arith.mulf %mul3A_16, %log3A : vector<2000x1xf32>
    %div3A_18 = arith.divf %mul3A_17, %max3A_6 : vector<2000x1xf32>
    %mul3A_19 = vector.broadcast %div3A_18 : vector<2000x1xf32> to vector<2000x128xf32>
    %mul3A_20 = arith.mulf %get3A_3, %mul3A_19 : vector<2000x128xf32>
    %get3A_21 = arith.constant 0 : index
    %get3A_22 = arith.constant 0 : index
    %get3A_23 = vector.load %arg7[%get3A_21, %get3A_22] : memref<1024x128xf32, #tpu.memory_space<vmem>>, vector<1024x128xf32>
    %dot_general3A = arith.constant dense<0.000000e+00> : vector<2000x1024xf32>
    %dot_general3A_24 = tpu.matmul %mul3A_20, %get3A_23, %dot_general3A {dimension_numbers = #tpu.dot_dimension_numbers<[1], [1], [0], [0], [0, 0, 1, 0], [], []>, transpose_lhs_hint = false} : vector<2000x128xf32>, vector<1024x128xf32>, vector<2000x1024xf32> -> vector<2000x1024xf32>
    %mul3A_25 = arith.mulf %mul3A_17, %mul3A_17 : vector<2000x1xf32>
    %add3A_26 = vector.broadcast %mul3A_25 : vector<2000x1xf32> to vector<2000x1024xf32>
    %add3A_27 = arith.addf %add3A_26, %dot_general3A_24 : vector<2000x1024xf32>
    %bitcast_convert_type3A = tpu.bitcast %add3A_27 : vector<2000x1024xf32> -> vector<2000x1024xi32>
    %and3A = arith.constant -2048 : i32
    %and3A_28 = vector.broadcast %and3A : i32 to vector<2000x1024xi32>
    %and3A_29 = arith.andi %bitcast_convert_type3A, %and3A_28 : vector<2000x1024xi32>
    %get3A_30 = arith.constant 0 : index
    %get3A_31 = arith.constant 0 : index
    %get3A_32 = vector.load %arg8[%get3A_30, %get3A_31] : memref<2000x1024xi32, #tpu.memory_space<vmem>>, vector<2000x1024xi32>
    %or3A = arith.ori %and3A_29, %get3A_32 : vector<2000x1024xi32>
    %bitcast_convert_type3A_33 = tpu.bitcast %or3A : vector<2000x1024xi32> -> vector<2000x1024xf32>
    %broadcast_in_dim3A_34 = arith.constant 0x7F800000 : f32
    %broadcast_in_dim3A_35 = vector.broadcast %broadcast_in_dim3A_34 : f32 to vector<8x1024xf32>
    %broadcast_in_dim3A_36 = arith.constant 0x7F800000 : f32
    %broadcast_in_dim3A_37 = vector.broadcast %broadcast_in_dim3A_36 : f32 to vector<8x1024xf32>
    %broadcast_in_dim3A_38 = arith.constant 0x7F800000 : f32
    %broadcast_in_dim3A_39 = vector.broadcast %broadcast_in_dim3A_38 : f32 to vector<8x1024xf32>
    %broadcast_in_dim3A_40 = arith.constant 0x7F800000 : f32
    %broadcast_in_dim3A_41 = vector.broadcast %broadcast_in_dim3A_40 : f32 to vector<8x1024xf32>
    %broadcast_in_dim3A_42 = arith.constant 0x7F800000 : f32
    %broadcast_in_dim3A_43 = vector.broadcast %broadcast_in_dim3A_42 : f32 to vector<8x1024xf32>
    %slice3A = vector.extract_strided_slice %bitcast_convert_type3A_33 {offsets = [0, 0], sizes = [8, 1024], strides = [1, 1]} : vector<2000x1024xf32> to vector<8x1024xf32>
    %slice3A_44 = vector.extract_strided_slice %bitcast_convert_type3A_33 {offsets = [8, 0], sizes = [8, 1024], strides = [1, 1]} : vector<2000x1024xf32> to vector<8x1024xf32>
    %slice3A_45 = vector.extract_strided_slice %bitcast_convert_type3A_33 {offsets = [16, 0], sizes = [8, 1024], strides = [1, 1]} : vector<2000x1024xf32> to vector<8x1024xf32>
    %slice3A_46 = vector.extract_strided_slice %bitcast_convert_type3A_33 {offsets = [24, 0], sizes = [8, 1024], strides = [1, 1]} : vector<2000x1024xf32> to vector<8x1024xf32>
    %min3A_47 = arith.minimumf %slice3A, %slice3A_45 : vector<8x1024xf32>
    %max3A_48 = arith.maximumf %slice3A, %slice3A_45 : vector<8x1024xf32>
    %min3A_49 = arith.minimumf %slice3A_44, %slice3A_46 : vector<8x1024xf32>
    %max3A_50 = arith.maximumf %slice3A_44, %slice3A_46 : vector<8x1024xf32>
    %min3A_51 = arith.minimumf %min3A_47, %min3A_49 : vector<8x1024xf32>
    %max3A_52 = arith.maximumf %min3A_47, %min3A_49 : vector<8x1024xf32>
    %min3A_53 = arith.minimumf %max3A_48, %max3A_50 : vector<8x1024xf32>
    %max3A_54 = arith.maximumf %max3A_48, %max3A_50 : vector<8x1024xf32>
    %min3A_55 = arith.minimumf %max3A_52, %min3A_53 : vector<8x1024xf32>
    %max3A_56 = arith.maximumf %max3A_52, %min3A_53 : vector<8x1024xf32>
    %min3A_57 = arith.minimumf %min3A_51, %broadcast_in_dim3A_35 : vector<8x1024xf32>
    %max3A_58 = arith.maximumf %min3A_51, %broadcast_in_dim3A_35 : vector<8x1024xf32>
    %min3A_59 = arith.minimumf %max3A_58, %broadcast_in_dim3A_43 : vector<8x1024xf32>
    %min3A_60 = arith.minimumf %broadcast_in_dim3A_39, %max3A_56 : vector<8x1024xf32>
    %min3A_61 = arith.minimumf %min3A_60, %min3A_59 : vector<8x1024xf32>
    %max3A_62 = arith.maximumf %min3A_60, %min3A_59 : vector<8x1024xf32>
    %min3A_63 = arith.minimumf %broadcast_in_dim3A_37, %min3A_55 : vector<8x1024xf32>
    %max3A_64 = arith.maximumf %broadcast_in_dim3A_37, %min3A_55 : vector<8x1024xf32>
    %min3A_65 = arith.minimumf %broadcast_in_dim3A_41, %max3A_54 : vector<8x1024xf32>
    %min3A_66 = arith.minimumf %min3A_65, %max3A_64 : vector<8x1024xf32>
    %min3A_67 = arith.minimumf %min3A_63, %min3A_61 : vector<8x1024xf32>
    %max3A_68 = arith.maximumf %min3A_63, %min3A_61 : vector<8x1024xf32>
    %min3A_69 = arith.minimumf %min3A_66, %max3A_62 : vector<8x1024xf32>
    %max3A_70 = arith.maximumf %min3A_66, %max3A_62 : vector<8x1024xf32>
    %slice3A_71 = vector.extract_strided_slice %bitcast_convert_type3A_33 {offsets = [32, 0], sizes = [8, 1024], strides = [1, 1]} : vector<2000x1024xf32> to vector<8x1024xf32>
    %slice3A_72 = vector.extract_strided_slice %bitcast_convert_type3A_33 {offsets = [40, 0], sizes = [8, 1024], strides = [1, 1]} : vector<2000x1024xf32> to vector<8x1024xf32>
    %slice3A_73 = vector.extract_strided_slice %bitcast_convert_type3A_33 {offsets = [48, 0], sizes = [8, 1024], strides = [1, 1]} : vector<2000x1024xf32> to vector<8x1024xf32>
    %slice3A_74 = vector.extract_strided_slice %bitcast_convert_type3A_33 {offsets = [56, 0], sizes = [8, 1024], strides = [1, 1]} : vector<2000x1024xf32> to vector<8x1024xf32>
    %min3A_75 = arith.minimumf %slice3A_71, %slice3A_73 : vector<8x1024xf32>
    %max3A_76 = arith.maximumf %slice3A_71, %slice3A_73 : vector<8x1024xf32>
    %min3A_77 = arith.minimumf %slice3A_72, %slice3A_74 : vector<8x1024xf32>
    %max3A_78 = arith.maximumf %slice3A_72, %slice3A_74 : vector<8x1024xf32>
    %min3A_79 = arith.minimumf %min3A_75, %min3A_77 : vector<8x1024xf32>
    %max3A_80 = arith.maximumf %min3A_75, %min3A_77 : vector<8x1024xf32>
    %min3A_81 = arith.minimumf %max3A_76, %max3A_78 : vector<8x1024xf32>
    %max3A_82 = arith.maximumf %max3A_76, %max3A_78 : vector<8x1024xf32>
    %min3A_83 = arith.minimumf %max3A_80, %min3A_81 : vector<8x1024xf32>
    %max3A_84 = arith.maximumf %max3A_80, %min3A_81 : vector<8x1024xf32>
    %min3A_85 = arith.minimumf %min3A_79, %min3A_57 : vector<8x1024xf32>
    %max3A_86 = arith.maximumf %min3A_79, %min3A_57 : vector<8x1024xf32>
    %min3A_87 = arith.minimumf %max3A_86, %max3A_70 : vector<8x1024xf32>
    %min3A_88 = arith.minimumf %max3A_68, %max3A_84 : vector<8x1024xf32>
    %min3A_89 = arith.minimumf %min3A_88, %min3A_87 : vector<8x1024xf32>
    %max3A_90 = arith.maximumf %min3A_88, %min3A_87 : vector<8x1024xf32>
    %min3A_91 = arith.minimumf %min3A_67, %min3A_83 : vector<8x1024xf32>
    %max3A_92 = arith.maximumf %min3A_67, %min3A_83 : vector<8x1024xf32>
    %min3A_93 = arith.minimumf %min3A_69, %max3A_82 : vector<8x1024xf32>
    %min3A_94 = arith.minimumf %min3A_93, %max3A_92 : vector<8x1024xf32>
    %min3A_95 = arith.minimumf %min3A_91, %min3A_89 : vector<8x1024xf32>
    %max3A_96 = arith.maximumf %min3A_91, %min3A_89 : vector<8x1024xf32>
    %min3A_97 = arith.minimumf %min3A_94, %max3A_90 : vector<8x1024xf32>
    %max3A_98 = arith.maximumf %min3A_94, %max3A_90 : vector<8x1024xf32>
    %slice3A_99 = vector.extract_strided_slice %bitcast_convert_type3A_33 {offsets = [64, 0], sizes = [8, 1024], strides = [1, 1]} : vector<2000x1024xf32> to vector<8x1024xf32>
    %slice3A_100 = vector.extract_strided_slice %bitcast_convert_type3A_33 {offsets = [72, 0], sizes = [8, 1024], strides = [1, 1]} : vector<2000x1024xf32> to vector<8x1024xf32>
    %slice3A_101 = vector.extract_strided_slice %bitcast_convert_type3A_33 {offsets = [80, 0], sizes = [8, 1024], strides = [1, 1]} : vector<2000x1024xf32> to vector<8x1024xf32>
    %slice3A_102 = vector.extract_strided_slice %bitcast_convert_type3A_33 {offsets = [88, 0], sizes = [8, 1024], strides = [1, 1]} : vector<2000x1024xf32> to vector<8x1024xf32>
    %min3A_103 = arith.minimumf %slice3A_99, %slice3A_101 : vector<8x1024xf32>
    %max3A_104 = arith.maximumf %slice3A_99, %slice3A_101 : vector<8x1024xf32>
    %min3A_105 = arith.minimumf %slice3A_100, %slice3A_102 : vector<8x1024xf32>
    %max3A_106 = arith.maximumf %slice3A_100, %slice3A_102 : vector<8x1024xf32>
    %min3A_107 = arith.minimumf %min3A_103, %min3A_105 : vector<8x1024xf32>
    %max3A_108 = arith.maximumf %min3A_103, %min3A_105 : vector<8x1024xf32>
    %min3A_109 = arith.minimumf %max3A_104, %max3A_106 : vector<8x1024xf32>
    %max3A_110 = arith.maximumf %max3A_104, %max3A_106 : vector<8x1024xf32>
    %min3A_111 = arith.minimumf %max3A_108, %min3A_109 : vector<8x1024xf32>
    %max3A_112 = arith.maximumf %max3A_108, %min3A_109 : vector<8x1024xf32>
    %min3A_113 = arith.minimumf %min3A_107, %min3A_85 : vector<8x1024xf32>
    %max3A_114 = arith.maximumf %min3A_107, %min3A_85 : vector<8x1024xf32>
    %min3A_115 = arith.minimumf %max3A_114, %max3A_98 : vector<8x1024xf32>
    %min3A_116 = arith.minimumf %max3A_96, %max3A_112 : vector<8x1024xf32>
    %min3A_117 = arith.minimumf %min3A_116, %min3A_115 : vector<8x1024xf32>
    %max3A_118 = arith.maximumf %min3A_116, %min3A_115 : vector<8x1024xf32>
    %min3A_119 = arith.minimumf %min3A_95, %min3A_111 : vector<8x1024xf32>
    %max3A_120 = arith.maximumf %min3A_95, %min3A_111 : vector<8x1024xf32>
    %min3A_121 = arith.minimumf %min3A_97, %max3A_110 : vector<8x1024xf32>
    %min3A_122 = arith.minimumf %min3A_121, %max3A_120 : vector<8x1024xf32>
    %min3A_123 = arith.minimumf %min3A_119, %min3A_117 : vector<8x1024xf32>
    %max3A_124 = arith.maximumf %min3A_119, %min3A_117 : vector<8x1024xf32>
    %min3A_125 = arith.minimumf %min3A_122, %max3A_118 : vector<8x1024xf32>
    %max3A_126 = arith.maximumf %min3A_122, %max3A_118 : vector<8x1024xf32>
    %slice3A_127 = vector.extract_strided_slice %bitcast_convert_type3A_33 {offsets = [96, 0], sizes = [8, 1024], strides = [1, 1]} : vector<2000x1024xf32> to vector<8x1024xf32>
    %slice3A_128 = vector.extract_strided_slice %bitcast_convert_type3A_33 {offsets = [104, 0], sizes = [8, 1024], strides = [1, 1]} : vector<2000x1024xf32> to vector<8x1024xf32>
    %slice3A_129 = vector.extract_strided_slice %bitcast_convert_type3A_33 {offsets = [112, 0], sizes = [8, 1024], strides = [1, 1]} : vector<2000x1024xf32> to vector<8x1024xf32>
    %slice3A_130 = vector.extract_strided_slice %bitcast_convert_type3A_33 {offsets = [120, 0], sizes = [8, 1024], strides = [1, 1]} : vector<2000x1024xf32> to vector<8x1024xf32>
    %min3A_131 = arith.minimumf %slice3A_127, %slice3A_129 : vector<8x1024xf32>
    %max3A_132 = arith.maximumf %slice3A_127, %slice3A_129 : vector<8x1024xf32>
    %min3A_133 = arith.minimumf %slice3A_128, %slice3A_130 : vector<8x1024xf32>
    %max3A_134 = arith.maximumf %slice3A_128, %slice3A_130 : vector<8x1024xf32>
    %min3A_135 = arith.minimumf %min3A_131, %min3A_133 : vector<8x1024xf32>
    %max3A_136 = arith.maximumf %min3A_131, %min3A_133 : vector<8x1024xf32>
    %min3A_137 = arith.minimumf %max3A_132, %max3A_134 : vector<8x1024xf32>
    %max3A_138 = arith.maximumf %max3A_132, %max3A_134 : vector<8x1024xf32>
    %min3A_139 = arith.minimumf %max3A_136, %min3A_137 : vector<8x1024xf32>
    %max3A_140 = arith.maximumf %max3A_136, %min3A_137 : vector<8x1024xf32>
    %min3A_141 = arith.minimumf %min3A_135, %min3A_113 : vector<8x1024xf32>
    %max3A_142 = arith.maximumf %min3A_135, %min3A_113 : vector<8x1024xf32>
    %min3A_143 = arith.minimumf %max3A_142, %max3A_126 : vector<8x1024xf32>
    %min3A_144 = arith.minimumf %max3A_124, %max3A_140 : vector<8x1024xf32>
    %min3A_145 = arith.minimumf %min3A_144, %min3A_143 : vector<8x1024xf32>
    %max3A_146 = arith.maximumf %min3A_144, %min3A_143 : vector<8x1024xf32>
    %min3A_147 = arith.minimumf %min3A_123, %min3A_139 : vector<8x1024xf32>
    %max3A_148 = arith.maximumf %min3A_123, %min3A_139 : vector<8x1024xf32>
    %min3A_149 = arith.minimumf %min3A_125, %max3A_138 : vector<8x1024xf32>
    %min3A_150 = arith.minimumf %min3A_149, %max3A_148 : vector<8x1024xf32>
    %min3A_151 = arith.minimumf %min3A_147, %min3A_145 : vector<8x1024xf32>
    %max3A_152 = arith.maximumf %min3A_147, %min3A_145 : vector<8x1024xf32>
    %min3A_153 = arith.minimumf %min3A_150, %max3A_146 : vector<8x1024xf32>
    %max3A_154 = arith.maximumf %min3A_150, %max3A_146 : vector<8x1024xf32>
    %slice3A_155 = vector.extract_strided_slice %bitcast_convert_type3A_33 {offsets = [128, 0], sizes = [8, 1024], strides = [1, 1]} : vector<2000x1024xf32> to vector<8x1024xf32>
    %slice3A_156 = vector.extract_strided_slice %bitcast_convert_type3A_33 {offsets = [136, 0], sizes = [8, 1024], strides = [1, 1]} : vector<2000x1024xf32> to vector<8x1024xf32>
    %slice3A_157 = vector.extract_strided_slice %bitcast_convert_type3A_33 {offsets = [144, 0], sizes = [8, 1024], strides = [1, 1]} : vector<2000x1024xf32> to vector<8x1024xf32>
    %slice3A_158 = vector.extract_strided_slice %bitcast_convert_type3A_33 {offsets = [152, 0], sizes = [8, 1024], strides = [1, 1]} : vector<2000x1024xf32> to vector<8x1024xf32>
    %min3A_159 = arith.minimumf %slice3A_155, %slice3A_157 : vector<8x1024xf32>
    %max3A_160 = arith.maximumf %slice3A_155, %slice3A_157 : vector<8x1024xf32>
    %min3A_161 = arith.minimumf %slice3A_156, %slice3A_158 : vector<8x1024xf32>
    %max3A_162 = arith.maximumf %slice3A_156, %slice3A_158 : vector<8x1024xf32>
    %min3A_163 = arith.minimumf %min3A_159, %min3A_161 : vector<8x1024xf32>
    %max3A_164 = arith.maximumf %min3A_159, %min3A_161 : vector<8x1024xf32>
    %min3A_165 = arith.minimumf %max3A_160, %max3A_162 : vector<8x1024xf32>
    %max3A_166 = arith.maximumf %max3A_160, %max3A_162 : vector<8x1024xf32>
    %min3A_167 = arith.minimumf %max3A_164, %min3A_165 : vector<8x1024xf32>
    %max3A_168 = arith.maximumf %max3A_164, %min3A_165 : vector<8x1024xf32>
    %min3A_169 = arith.minimumf %min3A_163, %min3A_141 : vector<8x1024xf32>
    %max3A_170 = arith.maximumf %min3A_163, %min3A_141 : vector<8x1024xf32>
    %min3A_171 = arith.minimumf %max3A_170, %max3A_154 : vector<8x1024xf32>
    %min3A_172 = arith.minimumf %max3A_152, %max3A_168 : vector<8x1024xf32>
    %min3A_173 = arith.minimumf %min3A_172, %min3A_171 : vector<8x1024xf32>
    %max3A_174 = arith.maximumf %min3A_172, %min3A_171 : vector<8x1024xf32>
    %min3A_175 = arith.minimumf %min3A_151, %min3A_167 : vector<8x1024xf32>
    %max3A_176 = arith.maximumf %min3A_151, %min3A_167 : vector<8x1024xf32>
    %min3A_177 = arith.minimumf %min3A_153, %max3A_166 : vector<8x1024xf32>
    %min3A_178 = arith.minimumf %min3A_177, %max3A_176 : vector<8x1024xf32>
    %min3A_179 = arith.minimumf %min3A_175, %min3A_173 : vector<8x1024xf32>
    %max3A_180 = arith.maximumf %min3A_175, %min3A_173 : vector<8x1024xf32>
    %min3A_181 = arith.minimumf %min3A_178, %max3A_174 : vector<8x1024xf32>
    %max3A_182 = arith.maximumf %min3A_178, %max3A_174 : vector<8x1024xf32>
    %slice3A_183 = vector.extract_strided_slice %bitcast_convert_type3A_33 {offsets = [160, 0], sizes = [8, 1024], strides = [1, 1]} : vector<2000x1024xf32> to vector<8x1024xf32>
    %slice3A_184 = vector.extract_strided_slice %bitcast_convert_type3A_33 {offsets = [168, 0], sizes = [8, 1024], strides = [1, 1]} : vector<2000x1024xf32> to vector<8x1024xf32>
    %slice3A_185 = vector.extract_strided_slice %bitcast_convert_type3A_33 {offsets = [176, 0], sizes = [8, 1024], strides = [1, 1]} : vector<2000x1024xf32> to vector<8x1024xf32>
    %slice3A_186 = vector.extract_strided_slice %bitcast_convert_type3A_33 {offsets = [184, 0], sizes = [8, 1024], strides = [1, 1]} : vector<2000x1024xf32> to vector<8x1024xf32>
    %min3A_187 = arith.minimumf %slice3A_183, %slice3A_185 : vector<8x1024xf32>
    %max3A_188 = arith.maximumf %slice3A_183, %slice3A_185 : vector<8x1024xf32>
    %min3A_189 = arith.minimumf %slice3A_184, %slice3A_186 : vector<8x1024xf32>
    %max3A_190 = arith.maximumf %slice3A_184, %slice3A_186 : vector<8x1024xf32>
    %min3A_191 = arith.minimumf %min3A_187, %min3A_189 : vector<8x1024xf32>
    %max3A_192 = arith.maximumf %min3A_187, %min3A_189 : vector<8x1024xf32>
    %min3A_193 = arith.minimumf %max3A_188, %max3A_190 : vector<8x1024xf32>
    %max3A_194 = arith.maximumf %max3A_188, %max3A_190 : vector<8x1024xf32>
    %min3A_195 = arith.minimumf %max3A_192, %min3A_193 : vector<8x1024xf32>
    %max3A_196 = arith.maximumf %max3A_192, %min3A_193 : vector<8x1024xf32>
    %min3A_197 = arith.minimumf %min3A_191, %min3A_169 : vector<8x1024xf32>
    %max3A_198 = arith.maximumf %min3A_191, %min3A_169 : vector<8x1024xf32>
    %min3A_199 = arith.minimumf %max3A_198, %max3A_182 : vector<8x1024xf32>
    %min3A_200 = arith.minimumf %max3A_180, %max3A_196 : vector<8x1024xf32>
    %min3A_201 = arith.minimumf %min3A_200, %min3A_199 : vector<8x1024xf32>
    %max3A_202 = arith.maximumf %min3A_200, %min3A_199 : vector<8x1024xf32>
    %min3A_203 = arith.minimumf %min3A_179, %min3A_195 : vector<8x1024xf32>
    %max3A_204 = arith.maximumf %min3A_179, %min3A_195 : vector<8x1024xf32>
    %min3A_205 = arith.minimumf %min3A_181, %max3A_194 : vector<8x1024xf32>
    %min3A_206 = arith.minimumf %min3A_205, %max3A_204 : vector<8x1024xf32>
    %min3A_207 = arith.minimumf %min3A_203, %min3A_201 : vector<8x1024xf32>
    %max3A_208 = arith.maximumf %min3A_203, %min3A_201 : vector<8x1024xf32>
    %min3A_209 = arith.minimumf %min3A_206, %max3A_202 : vector<8x1024xf32>
    %max3A_210 = arith.maximumf %min3A_206, %max3A_202 : vector<8x1024xf32>
    %slice3A_211 = vector.extract_strided_slice %bitcast_convert_type3A_33 {offsets = [192, 0], sizes = [8, 1024], strides = [1, 1]} : vector<2000x1024xf32> to vector<8x1024xf32>
    %slice3A_212 = vector.extract_strided_slice %bitcast_convert_type3A_33 {offsets = [200, 0], sizes = [8, 1024], strides = [1, 1]} : vector<2000x1024xf32> to vector<8x1024xf32>
    %slice3A_213 = vector.extract_strided_slice %bitcast_convert_type3A_33 {offsets = [208, 0], sizes = [8, 1024], strides = [1, 1]} : vector<2000x1024xf32> to vector<8x1024xf32>
    %slice3A_214 = vector.extract_strided_slice %bitcast_convert_type3A_33 {offsets = [216, 0], sizes = [8, 1024], strides = [1, 1]} : vector<2000x1024xf32> to vector<8x1024xf32>
    %min3A_215 = arith.minimumf %slice3A_211, %slice3A_213 : vector<8x1024xf32>
    %max3A_216 = arith.maximumf %slice3A_211, %slice3A_213 : vector<8x1024xf32>
    %min3A_217 = arith.minimumf %slice3A_212, %slice3A_214 : vector<8x1024xf32>
    %max3A_218 = arith.maximumf %slice3A_212, %slice3A_214 : vector<8x1024xf32>
    %min3A_219 = arith.minimumf %min3A_215, %min3A_217 : vector<8x1024xf32>
    %max3A_220 = arith.maximumf %min3A_215, %min3A_217 : vector<8x1024xf32>
    %min3A_221 = arith.minimumf %max3A_216, %max3A_218 : vector<8x1024xf32>
    %max3A_222 = arith.maximumf %max3A_216, %max3A_218 : vector<8x1024xf32>
    %min3A_223 = arith.minimumf %max3A_220, %min3A_221 : vector<8x1024xf32>
    %max3A_224 = arith.maximumf %max3A_220, %min3A_221 : vector<8x1024xf32>
    %min3A_225 = arith.minimumf %min3A_219, %min3A_197 : vector<8x1024xf32>
    %max3A_226 = arith.maximumf %min3A_219, %min3A_197 : vector<8x1024xf32>
    %min3A_227 = arith.minimumf %max3A_226, %max3A_210 : vector<8x1024xf32>
    %min3A_228 = arith.minimumf %max3A_208, %max3A_224 : vector<8x1024xf32>
    %min3A_229 = arith.minimumf %min3A_228, %min3A_227 : vector<8x1024xf32>
    %max3A_230 = arith.maximumf %min3A_228, %min3A_227 : vector<8x1024xf32>
    %min3A_231 = arith.minimumf %min3A_207, %min3A_223 : vector<8x1024xf32>
    %max3A_232 = arith.maximumf %min3A_207, %min3A_223 : vector<8x1024xf32>
    %min3A_233 = arith.minimumf %min3A_209, %max3A_222 : vector<8x1024xf32>
    %min3A_234 = arith.minimumf %min3A_233, %max3A_232 : vector<8x1024xf32>
    %min3A_235 = arith.minimumf %min3A_231, %min3A_229 : vector<8x1024xf32>
    %max3A_236 = arith.maximumf %min3A_231, %min3A_229 : vector<8x1024xf32>
    %min3A_237 = arith.minimumf %min3A_234, %max3A_230 : vector<8x1024xf32>
    %max3A_238 = arith.maximumf %min3A_234, %max3A_230 : vector<8x1024xf32>
    %slice3A_239 = vector.extract_strided_slice %bitcast_convert_type3A_33 {offsets = [224, 0], sizes = [8, 1024], strides = [1, 1]} : vector<2000x1024xf32> to vector<8x1024xf32>
    %slice3A_240 = vector.extract_strided_slice %bitcast_convert_type3A_33 {offsets = [232, 0], sizes = [8, 1024], strides = [1, 1]} : vector<2000x1024xf32> to vector<8x1024xf32>
    %slice3A_241 = vector.extract_strided_slice %bitcast_convert_type3A_33 {offsets = [240, 0], sizes = [8, 1024], strides = [1, 1]} : vector<2000x1024xf32> to vector<8x1024xf32>
    %slice3A_242 = vector.extract_strided_slice %bitcast_convert_type3A_33 {offsets = [248, 0], sizes = [8, 1024], strides = [1, 1]} : vector<2000x1024xf32> to vector<8x1024xf32>
    %min3A_243 = arith.minimumf %slice3A_239, %slice3A_241 : vector<8x1024xf32>
    %max3A_244 = arith.maximumf %slice3A_239, %slice3A_241 : vector<8x1024xf32>
    %min3A_245 = arith.minimumf %slice3A_240, %slice3A_242 : vector<8x1024xf32>
    %max3A_246 = arith.maximumf %slice3A_240, %slice3A_242 : vector<8x1024xf32>
    %min3A_247 = arith.minimumf %min3A_243, %min3A_245 : vector<8x1024xf32>
    %max3A_248 = arith.maximumf %min3A_243, %min3A_245 : vector<8x1024xf32>
    %min3A_249 = arith.minimumf %max3A_244, %max3A_246 : vector<8x1024xf32>
    %max3A_250 = arith.maximumf %max3A_244, %max3A_246 : vector<8x1024xf32>
    %min3A_251 = arith.minimumf %max3A_248, %min3A_249 : vector<8x1024xf32>
    %max3A_252 = arith.maximumf %max3A_248, %min3A_249 : vector<8x1024xf32>
    %min3A_253 = arith.minimumf %min3A_247, %min3A_225 : vector<8x1024xf32>
    %max3A_254 = arith.maximumf %min3A_247, %min3A_225 : vector<8x1024xf32>
    %min3A_255 = arith.minimumf %max3A_254, %max3A_238 : vector<8x1024xf32>
    %min3A_256 = arith.minimumf %max3A_236, %max3A_252 : vector<8x1024xf32>
    %min3A_257 = arith.minimumf %min3A_256, %min3A_255 : vector<8x1024xf32>
    %max3A_258 = arith.maximumf %min3A_256, %min3A_255 : vector<8x1024xf32>
    %min3A_259 = arith.minimumf %min3A_235, %min3A_251 : vector<8x1024xf32>
    %max3A_260 = arith.maximumf %min3A_235, %min3A_251 : vector<8x1024xf32>
    %min3A_261 = arith.minimumf %min3A_237, %max3A_250 : vector<8x1024xf32>
    %min3A_262 = arith.minimumf %min3A_261, %max3A_260 : vector<8x1024xf32>
    %min3A_263 = arith.minimumf %min3A_259, %min3A_257 : vector<8x1024xf32>
    %max3A_264 = arith.maximumf %min3A_259, %min3A_257 : vector<8x1024xf32>
    %min3A_265 = arith.minimumf %min3A_262, %max3A_258 : vector<8x1024xf32>
    %max3A_266 = arith.maximumf %min3A_262, %max3A_258 : vector<8x1024xf32>
    %slice3A_267 = vector.extract_strided_slice %bitcast_convert_type3A_33 {offsets = [256, 0], sizes = [8, 1024], strides = [1, 1]} : vector<2000x1024xf32> to vector<8x1024xf32>
    %slice3A_268 = vector.extract_strided_slice %bitcast_convert_type3A_33 {offsets = [264, 0], sizes = [8, 1024], strides = [1, 1]} : vector<2000x1024xf32> to vector<8x1024xf32>
    %slice3A_269 = vector.extract_strided_slice %bitcast_convert_type3A_33 {offsets = [272, 0], sizes = [8, 1024], strides = [1, 1]} : vector<2000x1024xf32> to vector<8x1024xf32>
    %slice3A_270 = vector.extract_strided_slice %bitcast_convert_type3A_33 {offsets = [280, 0], sizes = [8, 1024], strides = [1, 1]} : vector<2000x1024xf32> to vector<8x1024xf32>
    %min3A_271 = arith.minimumf %slice3A_267, %slice3A_269 : vector<8x1024xf32>
    %max3A_272 = arith.maximumf %slice3A_267, %slice3A_269 : vector<8x1024xf32>
    %min3A_273 = arith.minimumf %slice3A_268, %slice3A_270 : vector<8x1024xf32>
    %max3A_274 = arith.maximumf %slice3A_268, %slice3A_270 : vector<8x1024xf32>
    %min3A_275 = arith.minimumf %min3A_271, %min3A_273 : vector<8x1024xf32>
    %max3A_276 = arith.maximumf %min3A_271, %min3A_273 : vector<8x1024xf32>
    %min3A_277 = arith.minimumf %max3A_272, %max3A_274 : vector<8x1024xf32>
    %max3A_278 = arith.maximumf %max3A_272, %max3A_274 : vector<8x1024xf32>
    %min3A_279 = arith.minimumf %max3A_276, %min3A_277 : vector<8x1024xf32>
    %max3A_280 = arith.maximumf %max3A_276, %min3A_277 : vector<8x1024xf32>
    %min3A_281 = arith.minimumf %min3A_275, %min3A_253 : vector<8x1024xf32>
    %max3A_282 = arith.maximumf %min3A_275, %min3A_253 : vector<8x1024xf32>
    %min3A_283 = arith.minimumf %max3A_282, %max3A_266 : vector<8x1024xf32>
    %min3A_284 = arith.minimumf %max3A_264, %max3A_280 : vector<8x1024xf32>
    %min3A_285 = arith.minimumf %min3A_284, %min3A_283 : vector<8x1024xf32>
    %max3A_286 = arith.maximumf %min3A_284, %min3A_283 : vector<8x1024xf32>
    %min3A_287 = arith.minimumf %min3A_263, %min3A_279 : vector<8x1024xf32>
    %max3A_288 = arith.maximumf %min3A_263, %min3A_279 : vector<8x1024xf32>
    %min3A_289 = arith.minimumf %min3A_265, %max3A_278 : vector<8x1024xf32>
    %min3A_290 = arith.minimumf %min3A_289, %max3A_288 : vector<8x1024xf32>
    %min3A_291 = arith.minimumf %min3A_287, %min3A_285 : vector<8x1024xf32>
    %max3A_292 = arith.maximumf %min3A_287, %min3A_285 : vector<8x1024xf32>
    %min3A_293 = arith.minimumf %min3A_290, %max3A_286 : vector<8x1024xf32>
    %max3A_294 = arith.maximumf %min3A_290, %max3A_286 : vector<8x1024xf32>
    %slice3A_295 = vector.extract_strided_slice %bitcast_convert_type3A_33 {offsets = [288, 0], sizes = [8, 1024], strides = [1, 1]} : vector<2000x1024xf32> to vector<8x1024xf32>
    %slice3A_296 = vector.extract_strided_slice %bitcast_convert_type3A_33 {offsets = [296, 0], sizes = [8, 1024], strides = [1, 1]} : vector<2000x1024xf32> to vector<8x1024xf32>
    %slice3A_297 = vector.extract_strided_slice %bitcast_convert_type3A_33 {offsets = [304, 0], sizes = [8, 1024], strides = [1, 1]} : vector<2000x1024xf32> to vector<8x1024xf32>
    %slice3A_298 = vector.extract_strided_slice %bitcast_convert_type3A_33 {offsets = [312, 0], sizes = [8, 1024], strides = [1, 1]} : vector<2000x1024xf32> to vector<8x1024xf32>
    %min3A_299 = arith.minimumf %slice3A_295, %slice3A_297 : vector<8x1024xf32>
    %max3A_300 = arith.maximumf %slice3A_295, %slice3A_297 : vector<8x1024xf32>
    %min3A_301 = arith.minimumf %slice3A_296, %slice3A_298 : vector<8x1024xf32>
    %max3A_302 = arith.maximumf %slice3A_296, %slice3A_298 : vector<8x1024xf32>
    %min3A_303 = arith.minimumf %min3A_299, %min3A_301 : vector<8x1024xf32>
    %max3A_304 = arith.maximumf %min3A_299, %min3A_301 : vector<8x1024xf32>
    %min3A_305 = arith.minimumf %max3A_300, %max3A_302 : vector<8x1024xf32>
    %max3A_306 = arith.maximumf %max3A_300, %max3A_302 : vector<8x1024xf32>
    %min3A_307 = arith.minimumf %max3A_304, %min3A_305 : vector<8x1024xf32>
    %max3A_308 = arith.maximumf %max3A_304, %min3A_305 : vector<8x1024xf32>
    %min3A_309 = arith.minimumf %min3A_303, %min3A_281 : vector<8x1024xf32>
    %max3A_310 = arith.maximumf %min3A_303, %min3A_281 : vector<8x1024xf32>
    %min3A_311 = arith.minimumf %max3A_310, %max3A_294 : vector<8x1024xf32>
    %min3A_312 = arith.minimumf %max3A_292, %max3A_308 : vector<8x1024xf32>
    %min3A_313 = arith.minimumf %min3A_312, %min3A_311 : vector<8x1024xf32>
    %max3A_314 = arith.maximumf %min3A_312, %min3A_311 : vector<8x1024xf32>
    %min3A_315 = arith.minimumf %min3A_291, %min3A_307 : vector<8x1024xf32>
    %max3A_316 = arith.maximumf %min3A_291, %min3A_307 : vector<8x1024xf32>
    %min3A_317 = arith.minimumf %min3A_293, %max3A_306 : vector<8x1024xf32>
    %min3A_318 = arith.minimumf %min3A_317, %max3A_316 : vector<8x1024xf32>
    %min3A_319 = arith.minimumf %min3A_315, %min3A_313 : vector<8x1024xf32>
    %max3A_320 = arith.maximumf %min3A_315, %min3A_313 : vector<8x1024xf32>
    %min3A_321 = arith.minimumf %min3A_318, %max3A_314 : vector<8x1024xf32>
    %max3A_322 = arith.maximumf %min3A_318, %max3A_314 : vector<8x1024xf32>
    %slice3A_323 = vector.extract_strided_slice %bitcast_convert_type3A_33 {offsets = [320, 0], sizes = [8, 1024], strides = [1, 1]} : vector<2000x1024xf32> to vector<8x1024xf32>
    %slice3A_324 = vector.extract_strided_slice %bitcast_convert_type3A_33 {offsets = [328, 0], sizes = [8, 1024], strides = [1, 1]} : vector<2000x1024xf32> to vector<8x1024xf32>
    %slice3A_325 = vector.extract_strided_slice %bitcast_convert_type3A_33 {offsets = [336, 0], sizes = [8, 1024], strides = [1, 1]} : vector<2000x1024xf32> to vector<8x1024xf32>
    %slice3A_326 = vector.extract_strided_slice %bitcast_convert_type3A_33 {offsets = [344, 0], sizes = [8, 1024], strides = [1, 1]} : vector<2000x1024xf32> to vector<8x1024xf32>
    %min3A_327 = arith.minimumf %slice3A_323, %slice3A_325 : vector<8x1024xf32>
    %max3A_328 = arith.maximumf %slice3A_323, %slice3A_325 : vector<8x1024xf32>
    %min3A_329 = arith.minimumf %slice3A_324, %slice3A_326 : vector<8x1024xf32>
    %max3A_330 = arith.maximumf %slice3A_324, %slice3A_326 : vector<8x1024xf32>
    %min3A_331 = arith.minimumf %min3A_327, %min3A_329 : vector<8x1024xf32>
    %max3A_332 = arith.maximumf %min3A_327, %min3A_329 : vector<8x1024xf32>
    %min3A_333 = arith.minimumf %max3A_328, %max3A_330 : vector<8x1024xf32>
    %max3A_334 = arith.maximumf %max3A_328, %max3A_330 : vector<8x1024xf32>
    %min3A_335 = arith.minimumf %max3A_332, %min3A_333 : vector<8x1024xf32>
    %max3A_336 = arith.maximumf %max3A_332, %min3A_333 : vector<8x1024xf32>
    %min3A_337 = arith.minimumf %min3A_331, %min3A_309 : vector<8x1024xf32>
    %max3A_338 = arith.maximumf %min3A_331, %min3A_309 : vector<8x1024xf32>
    %min3A_339 = arith.minimumf %max3A_338, %max3A_322 : vector<8x1024xf32>
    %min3A_340 = arith.minimumf %max3A_320, %max3A_336 : vector<8x1024xf32>
    %min3A_341 = arith.minimumf %min3A_340, %min3A_339 : vector<8x1024xf32>
    %max3A_342 = arith.maximumf %min3A_340, %min3A_339 : vector<8x1024xf32>
    %min3A_343 = arith.minimumf %min3A_319, %min3A_335 : vector<8x1024xf32>
    %max3A_344 = arith.maximumf %min3A_319, %min3A_335 : vector<8x1024xf32>
    %min3A_345 = arith.minimumf %min3A_321, %max3A_334 : vector<8x1024xf32>
    %min3A_346 = arith.minimumf %min3A_345, %max3A_344 : vector<8x1024xf32>
    %min3A_347 = arith.minimumf %min3A_343, %min3A_341 : vector<8x1024xf32>
    %max3A_348 = arith.maximumf %min3A_343, %min3A_341 : vector<8x1024xf32>
    %min3A_349 = arith.minimumf %min3A_346, %max3A_342 : vector<8x1024xf32>
    %max3A_350 = arith.maximumf %min3A_346, %max3A_342 : vector<8x1024xf32>
    %slice3A_351 = vector.extract_strided_slice %bitcast_convert_type3A_33 {offsets = [352, 0], sizes = [8, 1024], strides = [1, 1]} : vector<2000x1024xf32> to vector<8x1024xf32>
    %slice3A_352 = vector.extract_strided_slice %bitcast_convert_type3A_33 {offsets = [360, 0], sizes = [8, 1024], strides = [1, 1]} : vector<2000x1024xf32> to vector<8x1024xf32>
    %slice3A_353 = vector.extract_strided_slice %bitcast_convert_type3A_33 {offsets = [368, 0], sizes = [8, 1024], strides = [1, 1]} : vector<2000x1024xf32> to vector<8x1024xf32>
    %slice3A_354 = vector.extract_strided_slice %bitcast_convert_type3A_33 {offsets = [376, 0], sizes = [8, 1024], strides = [1, 1]} : vector<2000x1024xf32> to vector<8x1024xf32>
    %min3A_355 = arith.minimumf %slice3A_351, %slice3A_353 : vector<8x1024xf32>
    %max3A_356 = arith.maximumf %slice3A_351, %slice3A_353 : vector<8x1024xf32>
    %min3A_357 = arith.minimumf %slice3A_352, %slice3A_354 : vector<8x1024xf32>
    %max3A_358 = arith.maximumf %slice3A_352, %slice3A_354 : vector<8x1024xf32>
    %min3A_359 = arith.minimumf %min3A_355, %min3A_357 : vector<8x1024xf32>
    %max3A_360 = arith.maximumf %min3A_355, %min3A_357 : vector<8x1024xf32>
    %min3A_361 = arith.minimumf %max3A_356, %max3A_358 : vector<8x1024xf32>
    %max3A_362 = arith.maximumf %max3A_356, %max3A_358 : vector<8x1024xf32>
    %min3A_363 = arith.minimumf %max3A_360, %min3A_361 : vector<8x1024xf32>
    %max3A_364 = arith.maximumf %max3A_360, %min3A_361 : vector<8x1024xf32>
    %min3A_365 = arith.minimumf %min3A_359, %min3A_337 : vector<8x1024xf32>
    %max3A_366 = arith.maximumf %min3A_359, %min3A_337 : vector<8x1024xf32>
    %min3A_367 = arith.minimumf %max3A_366, %max3A_350 : vector<8x1024xf32>
    %min3A_368 = arith.minimumf %max3A_348, %max3A_364 : vector<8x1024xf32>
    %min3A_369 = arith.minimumf %min3A_368, %min3A_367 : vector<8x1024xf32>
    %max3A_370 = arith.maximumf %min3A_368, %min3A_367 : vector<8x1024xf32>
    %min3A_371 = arith.minimumf %min3A_347, %min3A_363 : vector<8x1024xf32>
    %max3A_372 = arith.maximumf %min3A_347, %min3A_363 : vector<8x1024xf32>
    %min3A_373 = arith.minimumf %min3A_349, %max3A_362 : vector<8x1024xf32>
    %min3A_374 = arith.minimumf %min3A_373, %max3A_372 : vector<8x1024xf32>
    %min3A_375 = arith.minimumf %min3A_371, %min3A_369 : vector<8x1024xf32>
    %max3A_376 = arith.maximumf %min3A_371, %min3A_369 : vector<8x1024xf32>
    %min3A_377 = arith.minimumf %min3A_374, %max3A_370 : vector<8x1024xf32>
    %max3A_378 = arith.maximumf %min3A_374, %max3A_370 : vector<8x1024xf32>
    %slice3A_379 = vector.extract_strided_slice %bitcast_convert_type3A_33 {offsets = [384, 0], sizes = [8, 1024], strides = [1, 1]} : vector<2000x1024xf32> to vector<8x1024xf32>
    %slice3A_380 = vector.extract_strided_slice %bitcast_convert_type3A_33 {offsets = [392, 0], sizes = [8, 1024], strides = [1, 1]} : vector<2000x1024xf32> to vector<8x1024xf32>
    %slice3A_381 = vector.extract_strided_slice %bitcast_convert_type3A_33 {offsets = [400, 0], sizes = [8, 1024], strides = [1, 1]} : vector<2000x1024xf32> to vector<8x1024xf32>
    %slice3A_382 = vector.extract_strided_slice %bitcast_convert_type3A_33 {offsets = [408, 0], sizes = [8, 1024], strides = [1, 1]} : vector<2000x1024xf32> to vector<8x1024xf32>
    %min3A_383 = arith.minimumf %slice3A_379, %slice3A_381 : vector<8x1024xf32>
    %max3A_384 = arith.maximumf %slice3A_379, %slice3A_381 : vector<8x1024xf32>
    %min3A_385 = arith.minimumf %slice3A_380, %slice3A_382 : vector<8x1024xf32>
    %max3A_386 = arith.maximumf %slice3A_380, %slice3A_382 : vector<8x1024xf32>
    %min3A_387 = arith.minimumf %min3A_383, %min3A_385 : vector<8x1024xf32>
    %max3A_388 = arith.maximumf %min3A_383, %min3A_385 : vector<8x1024xf32>
    %min3A_389 = arith.minimumf %max3A_384, %max3A_386 : vector<8x1024xf32>
    %max3A_390 = arith.maximumf %max3A_384, %max3A_386 : vector<8x1024xf32>
    %min3A_391 = arith.minimumf %max3A_388, %min3A_389 : vector<8x1024xf32>
    %max3A_392 = arith.maximumf %max3A_388, %min3A_389 : vector<8x1024xf32>
    %min3A_393 = arith.minimumf %min3A_387, %min3A_365 : vector<8x1024xf32>
    %max3A_394 = arith.maximumf %min3A_387, %min3A_365 : vector<8x1024xf32>
    %min3A_395 = arith.minimumf %max3A_394, %max3A_378 : vector<8x1024xf32>
    %min3A_396 = arith.minimumf %max3A_376, %max3A_392 : vector<8x1024xf32>
    %min3A_397 = arith.minimumf %min3A_396, %min3A_395 : vector<8x1024xf32>
    %max3A_398 = arith.maximumf %min3A_396, %min3A_395 : vector<8x1024xf32>
    %min3A_399 = arith.minimumf %min3A_375, %min3A_391 : vector<8x1024xf32>
    %max3A_400 = arith.maximumf %min3A_375, %min3A_391 : vector<8x1024xf32>
    %min3A_401 = arith.minimumf %min3A_377, %max3A_390 : vector<8x1024xf32>
    %min3A_402 = arith.minimumf %min3A_401, %max3A_400 : vector<8x1024xf32>
    %min3A_403 = arith.minimumf %min3A_399, %min3A_397 : vector<8x1024xf32>
    %max3A_404 = arith.maximumf %min3A_399, %min3A_397 : vector<8x1024xf32>
    %min3A_405 = arith.minimumf %min3A_402, %max3A_398 : vector<8x1024xf32>
    %max3A_406 = arith.maximumf %min3A_402, %max3A_398 : vector<8x1024xf32>
    %slice3A_407 = vector.extract_strided_slice %bitcast_convert_type3A_33 {offsets = [416, 0], sizes = [8, 1024], strides = [1, 1]} : vector<2000x1024xf32> to vector<8x1024xf32>
    %slice3A_408 = vector.extract_strided_slice %bitcast_convert_type3A_33 {offsets = [424, 0], sizes = [8, 1024], strides = [1, 1]} : vector<2000x1024xf32> to vector<8x1024xf32>
    %slice3A_409 = vector.extract_strided_slice %bitcast_convert_type3A_33 {offsets = [432, 0], sizes = [8, 1024], strides = [1, 1]} : vector<2000x1024xf32> to vector<8x1024xf32>
    %slice3A_410 = vector.extract_strided_slice %bitcast_convert_type3A_33 {offsets = [440, 0], sizes = [8, 1024], strides = [1, 1]} : vector<2000x1024xf32> to vector<8x1024xf32>
    %min3A_411 = arith.minimumf %slice3A_407, %slice3A_409 : vector<8x1024xf32>
    %max3A_412 = arith.maximumf %slice3A_407, %slice3A_409 : vector<8x1024xf32>
    %min3A_413 = arith.minimumf %slice3A_408, %slice3A_410 : vector<8x1024xf32>
    %max3A_414 = arith.maximumf %slice3A_408, %slice3A_410 : vector<8x1024xf32>
    %min3A_415 = arith.minimumf %min3A_411, %min3A_413 : vector<8x1024xf32>
    %max3A_416 = arith.maximumf %min3A_411, %min3A_413 : vector<8x1024xf32>
    %min3A_417 = arith.minimumf %max3A_412, %max3A_414 : vector<8x1024xf32>
    %max3A_418 = arith.maximumf %max3A_412, %max3A_414 : vector<8x1024xf32>
    %min3A_419 = arith.minimumf %max3A_416, %min3A_417 : vector<8x1024xf32>
    %max3A_420 = arith.maximumf %max3A_416, %min3A_417 : vector<8x1024xf32>
    %min3A_421 = arith.minimumf %min3A_415, %min3A_393 : vector<8x1024xf32>
    %max3A_422 = arith.maximumf %min3A_415, %min3A_393 : vector<8x1024xf32>
    %min3A_423 = arith.minimumf %max3A_422, %max3A_406 : vector<8x1024xf32>
    %min3A_424 = arith.minimumf %max3A_404, %max3A_420 : vector<8x1024xf32>
    %min3A_425 = arith.minimumf %min3A_424, %min3A_423 : vector<8x1024xf32>
    %max3A_426 = arith.maximumf %min3A_424, %min3A_423 : vector<8x1024xf32>
    %min3A_427 = arith.minimumf %min3A_403, %min3A_419 : vector<8x1024xf32>
    %max3A_428 = arith.maximumf %min3A_403, %min3A_419 : vector<8x1024xf32>
    %min3A_429 = arith.minimumf %min3A_405, %max3A_418 : vector<8x1024xf32>
    %min3A_430 = arith.minimumf %min3A_429, %max3A_428 : vector<8x1024xf32>
    %min3A_431 = arith.minimumf %min3A_427, %min3A_425 : vector<8x1024xf32>
    %max3A_432 = arith.maximumf %min3A_427, %min3A_425 : vector<8x1024xf32>
    %min3A_433 = arith.minimumf %min3A_430, %max3A_426 : vector<8x1024xf32>
    %max3A_434 = arith.maximumf %min3A_430, %max3A_426 : vector<8x1024xf32>
    %slice3A_435 = vector.extract_strided_slice %bitcast_convert_type3A_33 {offsets = [448, 0], sizes = [8, 1024], strides = [1, 1]} : vector<2000x1024xf32> to vector<8x1024xf32>
    %slice3A_436 = vector.extract_strided_slice %bitcast_convert_type3A_33 {offsets = [456, 0], sizes = [8, 1024], strides = [1, 1]} : vector<2000x1024xf32> to vector<8x1024xf32>
    %slice3A_437 = vector.extract_strided_slice %bitcast_convert_type3A_33 {offsets = [464, 0], sizes = [8, 1024], strides = [1, 1]} : vector<2000x1024xf32> to vector<8x1024xf32>
    %slice3A_438 = vector.extract_strided_slice %bitcast_convert_type3A_33 {offsets = [472, 0], sizes = [8, 1024], strides = [1, 1]} : vector<2000x1024xf32> to vector<8x1024xf32>
    %min3A_439 = arith.minimumf %slice3A_435, %slice3A_437 : vector<8x1024xf32>
    %max3A_440 = arith.maximumf %slice3A_435, %slice3A_437 : vector<8x1024xf32>
    %min3A_441 = arith.minimumf %slice3A_436, %slice3A_438 : vector<8x1024xf32>
    %max3A_442 = arith.maximumf %slice3A_436, %slice3A_438 : vector<8x1024xf32>
    %min3A_443 = arith.minimumf %min3A_439, %min3A_441 : vector<8x1024xf32>
    %max3A_444 = arith.maximumf %min3A_439, %min3A_441 : vector<8x1024xf32>
    %min3A_445 = arith.minimumf %max3A_440, %max3A_442 : vector<8x1024xf32>
    %max3A_446 = arith.maximumf %max3A_440, %max3A_442 : vector<8x1024xf32>
    %min3A_447 = arith.minimumf %max3A_444, %min3A_445 : vector<8x1024xf32>
    %max3A_448 = arith.maximumf %max3A_444, %min3A_445 : vector<8x1024xf32>
    %min3A_449 = arith.minimumf %min3A_443, %min3A_421 : vector<8x1024xf32>
    %max3A_450 = arith.maximumf %min3A_443, %min3A_421 : vector<8x1024xf32>
    %min3A_451 = arith.minimumf %max3A_450, %max3A_434 : vector<8x1024xf32>
    %min3A_452 = arith.minimumf %max3A_432, %max3A_448 : vector<8x1024xf32>
    %min3A_453 = arith.minimumf %min3A_452, %min3A_451 : vector<8x1024xf32>
    %max3A_454 = arith.maximumf %min3A_452, %min3A_451 : vector<8x1024xf32>
    %min3A_455 = arith.minimumf %min3A_431, %min3A_447 : vector<8x1024xf32>
    %max3A_456 = arith.maximumf %min3A_431, %min3A_447 : vector<8x1024xf32>
    %min3A_457 = arith.minimumf %min3A_433, %max3A_446 : vector<8x1024xf32>
    %min3A_458 = arith.minimumf %min3A_457, %max3A_456 : vector<8x1024xf32>
    %min3A_459 = arith.minimumf %min3A_455, %min3A_453 : vector<8x1024xf32>
    %max3A_460 = arith.maximumf %min3A_455, %min3A_453 : vector<8x1024xf32>
    %min3A_461 = arith.minimumf %min3A_458, %max3A_454 : vector<8x1024xf32>
    %max3A_462 = arith.maximumf %min3A_458, %max3A_454 : vector<8x1024xf32>
    %slice3A_463 = vector.extract_strided_slice %bitcast_convert_type3A_33 {offsets = [480, 0], sizes = [8, 1024], strides = [1, 1]} : vector<2000x1024xf32> to vector<8x1024xf32>
    %slice3A_464 = vector.extract_strided_slice %bitcast_convert_type3A_33 {offsets = [488, 0], sizes = [8, 1024], strides = [1, 1]} : vector<2000x1024xf32> to vector<8x1024xf32>
    %slice3A_465 = vector.extract_strided_slice %bitcast_convert_type3A_33 {offsets = [496, 0], sizes = [8, 1024], strides = [1, 1]} : vector<2000x1024xf32> to vector<8x1024xf32>
    %slice3A_466 = vector.extract_strided_slice %bitcast_convert_type3A_33 {offsets = [504, 0], sizes = [8, 1024], strides = [1, 1]} : vector<2000x1024xf32> to vector<8x1024xf32>
    %min3A_467 = arith.minimumf %slice3A_463, %slice3A_465 : vector<8x1024xf32>
    %max3A_468 = arith.maximumf %slice3A_463, %slice3A_465 : vector<8x1024xf32>
    %min3A_469 = arith.minimumf %slice3A_464, %slice3A_466 : vector<8x1024xf32>
    %max3A_470 = arith.maximumf %slice3A_464, %slice3A_466 : vector<8x1024xf32>
    %min3A_471 = arith.minimumf %min3A_467, %min3A_469 : vector<8x1024xf32>
    %max3A_472 = arith.maximumf %min3A_467, %min3A_469 : vector<8x1024xf32>
    %min3A_473 = arith.minimumf %max3A_468, %max3A_470 : vector<8x1024xf32>
    %max3A_474 = arith.maximumf %max3A_468, %max3A_470 : vector<8x1024xf32>
    %min3A_475 = arith.minimumf %max3A_472, %min3A_473 : vector<8x1024xf32>
    %max3A_476 = arith.maximumf %max3A_472, %min3A_473 : vector<8x1024xf32>
    %min3A_477 = arith.minimumf %min3A_471, %min3A_449 : vector<8x1024xf32>
    %max3A_478 = arith.maximumf %min3A_471, %min3A_449 : vector<8x1024xf32>
    %min3A_479 = arith.minimumf %max3A_478, %max3A_462 : vector<8x1024xf32>
    %min3A_480 = arith.minimumf %max3A_460, %max3A_476 : vector<8x1024xf32>
    %min3A_481 = arith.minimumf %min3A_480, %min3A_479 : vector<8x1024xf32>
    %max3A_482 = arith.maximumf %min3A_480, %min3A_479 : vector<8x1024xf32>
    %min3A_483 = arith.minimumf %min3A_459, %min3A_475 : vector<8x1024xf32>
    %max3A_484 = arith.maximumf %min3A_459, %min3A_475 : vector<8x1024xf32>
    %min3A_485 = arith.minimumf %min3A_461, %max3A_474 : vector<8x1024xf32>
    %min3A_486 = arith.minimumf %min3A_485, %max3A_484 : vector<8x1024xf32>
    %min3A_487 = arith.minimumf %min3A_483, %min3A_481 : vector<8x1024xf32>
    %max3A_488 = arith.maximumf %min3A_483, %min3A_481 : vector<8x1024xf32>
    %min3A_489 = arith.minimumf %min3A_486, %max3A_482 : vector<8x1024xf32>
    %max3A_490 = arith.maximumf %min3A_486, %max3A_482 : vector<8x1024xf32>
    %slice3A_491 = vector.extract_strided_slice %bitcast_convert_type3A_33 {offsets = [512, 0], sizes = [8, 1024], strides = [1, 1]} : vector<2000x1024xf32> to vector<8x1024xf32>
    %slice3A_492 = vector.extract_strided_slice %bitcast_convert_type3A_33 {offsets = [520, 0], sizes = [8, 1024], strides = [1, 1]} : vector<2000x1024xf32> to vector<8x1024xf32>
    %slice3A_493 = vector.extract_strided_slice %bitcast_convert_type3A_33 {offsets = [528, 0], sizes = [8, 1024], strides = [1, 1]} : vector<2000x1024xf32> to vector<8x1024xf32>
    %slice3A_494 = vector.extract_strided_slice %bitcast_convert_type3A_33 {offsets = [536, 0], sizes = [8, 1024], strides = [1, 1]} : vector<2000x1024xf32> to vector<8x1024xf32>
    %min3A_495 = arith.minimumf %slice3A_491, %slice3A_493 : vector<8x1024xf32>
    %max3A_496 = arith.maximumf %slice3A_491, %slice3A_493 : vector<8x1024xf32>
    %min3A_497 = arith.minimumf %slice3A_492, %slice3A_494 : vector<8x1024xf32>
    %max3A_498 = arith.maximumf %slice3A_492, %slice3A_494 : vector<8x1024xf32>
    %min3A_499 = arith.minimumf %min3A_495, %min3A_497 : vector<8x1024xf32>
    %max3A_500 = arith.maximumf %min3A_495, %min3A_497 : vector<8x1024xf32>
    %min3A_501 = arith.minimumf %max3A_496, %max3A_498 : vector<8x1024xf32>
    %max3A_502 = arith.maximumf %max3A_496, %max3A_498 : vector<8x1024xf32>
    %min3A_503 = arith.minimumf %max3A_500, %min3A_501 : vector<8x1024xf32>
    %max3A_504 = arith.maximumf %max3A_500, %min3A_501 : vector<8x1024xf32>
    %min3A_505 = arith.minimumf %min3A_499, %min3A_477 : vector<8x1024xf32>
    %max3A_506 = arith.maximumf %min3A_499, %min3A_477 : vector<8x1024xf32>
    %min3A_507 = arith.minimumf %max3A_506, %max3A_490 : vector<8x1024xf32>
    %min3A_508 = arith.minimumf %max3A_488, %max3A_504 : vector<8x1024xf32>
    %min3A_509 = arith.minimumf %min3A_508, %min3A_507 : vector<8x1024xf32>
    %max3A_510 = arith.maximumf %min3A_508, %min3A_507 : vector<8x1024xf32>
    %min3A_511 = arith.minimumf %min3A_487, %min3A_503 : vector<8x1024xf32>
    %max3A_512 = arith.maximumf %min3A_487, %min3A_503 : vector<8x1024xf32>
    %min3A_513 = arith.minimumf %min3A_489, %max3A_502 : vector<8x1024xf32>
    %min3A_514 = arith.minimumf %min3A_513, %max3A_512 : vector<8x1024xf32>
    %min3A_515 = arith.minimumf %min3A_511, %min3A_509 : vector<8x1024xf32>
    %max3A_516 = arith.maximumf %min3A_511, %min3A_509 : vector<8x1024xf32>
    %min3A_517 = arith.minimumf %min3A_514, %max3A_510 : vector<8x1024xf32>
    %max3A_518 = arith.maximumf %min3A_514, %max3A_510 : vector<8x1024xf32>
    %slice3A_519 = vector.extract_strided_slice %bitcast_convert_type3A_33 {offsets = [544, 0], sizes = [8, 1024], strides = [1, 1]} : vector<2000x1024xf32> to vector<8x1024xf32>
    %slice3A_520 = vector.extract_strided_slice %bitcast_convert_type3A_33 {offsets = [552, 0], sizes = [8, 1024], strides = [1, 1]} : vector<2000x1024xf32> to vector<8x1024xf32>
    %slice3A_521 = vector.extract_strided_slice %bitcast_convert_type3A_33 {offsets = [560, 0], sizes = [8, 1024], strides = [1, 1]} : vector<2000x1024xf32> to vector<8x1024xf32>
    %slice3A_522 = vector.extract_strided_slice %bitcast_convert_type3A_33 {offsets = [568, 0], sizes = [8, 1024], strides = [1, 1]} : vector<2000x1024xf32> to vector<8x1024xf32>
    %min3A_523 = arith.minimumf %slice3A_519, %slice3A_521 : vector<8x1024xf32>
    %max3A_524 = arith.maximumf %slice3A_519, %slice3A_521 : vector<8x1024xf32>
    %min3A_525 = arith.minimumf %slice3A_520, %slice3A_522 : vector<8x1024xf32>
    %max3A_526 = arith.maximumf %slice3A_520, %slice3A_522 : vector<8x1024xf32>
    %min3A_527 = arith.minimumf %min3A_523, %min3A_525 : vector<8x1024xf32>
    %max3A_528 = arith.maximumf %min3A_523, %min3A_525 : vector<8x1024xf32>
    %min3A_529 = arith.minimumf %max3A_524, %max3A_526 : vector<8x1024xf32>
    %max3A_530 = arith.maximumf %max3A_524, %max3A_526 : vector<8x1024xf32>
    %min3A_531 = arith.minimumf %max3A_528, %min3A_529 : vector<8x1024xf32>
    %max3A_532 = arith.maximumf %max3A_528, %min3A_529 : vector<8x1024xf32>
    %min3A_533 = arith.minimumf %min3A_527, %min3A_505 : vector<8x1024xf32>
    %max3A_534 = arith.maximumf %min3A_527, %min3A_505 : vector<8x1024xf32>
    %min3A_535 = arith.minimumf %max3A_534, %max3A_518 : vector<8x1024xf32>
    %min3A_536 = arith.minimumf %max3A_516, %max3A_532 : vector<8x1024xf32>
    %min3A_537 = arith.minimumf %min3A_536, %min3A_535 : vector<8x1024xf32>
    %max3A_538 = arith.maximumf %min3A_536, %min3A_535 : vector<8x1024xf32>
    %min3A_539 = arith.minimumf %min3A_515, %min3A_531 : vector<8x1024xf32>
    %max3A_540 = arith.maximumf %min3A_515, %min3A_531 : vector<8x1024xf32>
    %min3A_541 = arith.minimumf %min3A_517, %max3A_530 : vector<8x1024xf32>
    %min3A_542 = arith.minimumf %min3A_541, %max3A_540 : vector<8x1024xf32>
    %min3A_543 = arith.minimumf %min3A_539, %min3A_537 : vector<8x1024xf32>
    %max3A_544 = arith.maximumf %min3A_539, %min3A_537 : vector<8x1024xf32>
    %min3A_545 = arith.minimumf %min3A_542, %max3A_538 : vector<8x1024xf32>
    %max3A_546 = arith.maximumf %min3A_542, %max3A_538 : vector<8x1024xf32>
    %slice3A_547 = vector.extract_strided_slice %bitcast_convert_type3A_33 {offsets = [576, 0], sizes = [8, 1024], strides = [1, 1]} : vector<2000x1024xf32> to vector<8x1024xf32>
    %slice3A_548 = vector.extract_strided_slice %bitcast_convert_type3A_33 {offsets = [584, 0], sizes = [8, 1024], strides = [1, 1]} : vector<2000x1024xf32> to vector<8x1024xf32>
    %slice3A_549 = vector.extract_strided_slice %bitcast_convert_type3A_33 {offsets = [592, 0], sizes = [8, 1024], strides = [1, 1]} : vector<2000x1024xf32> to vector<8x1024xf32>
    %slice3A_550 = vector.extract_strided_slice %bitcast_convert_type3A_33 {offsets = [600, 0], sizes = [8, 1024], strides = [1, 1]} : vector<2000x1024xf32> to vector<8x1024xf32>
    %min3A_551 = arith.minimumf %slice3A_547, %slice3A_549 : vector<8x1024xf32>
    %max3A_552 = arith.maximumf %slice3A_547, %slice3A_549 : vector<8x1024xf32>
    %min3A_553 = arith.minimumf %slice3A_548, %slice3A_550 : vector<8x1024xf32>
    %max3A_554 = arith.maximumf %slice3A_548, %slice3A_550 : vector<8x1024xf32>
    %min3A_555 = arith.minimumf %min3A_551, %min3A_553 : vector<8x1024xf32>
    %max3A_556 = arith.maximumf %min3A_551, %min3A_553 : vector<8x1024xf32>
    %min3A_557 = arith.minimumf %max3A_552, %max3A_554 : vector<8x1024xf32>
    %max3A_558 = arith.maximumf %max3A_552, %max3A_554 : vector<8x1024xf32>
    %min3A_559 = arith.minimumf %max3A_556, %min3A_557 : vector<8x1024xf32>
    %max3A_560 = arith.maximumf %max3A_556, %min3A_557 : vector<8x1024xf32>
    %min3A_561 = arith.minimumf %min3A_555, %min3A_533 : vector<8x1024xf32>
    %max3A_562 = arith.maximumf %min3A_555, %min3A_533 : vector<8x1024xf32>
    %min3A_563 = arith.minimumf %max3A_562, %max3A_546 : vector<8x1024xf32>
    %min3A_564 = arith.minimumf %max3A_544, %max3A_560 : vector<8x1024xf32>
    %min3A_565 = arith.minimumf %min3A_564, %min3A_563 : vector<8x1024xf32>
    %max3A_566 = arith.maximumf %min3A_564, %min3A_563 : vector<8x1024xf32>
    %min3A_567 = arith.minimumf %min3A_543, %min3A_559 : vector<8x1024xf32>
    %max3A_568 = arith.maximumf %min3A_543, %min3A_559 : vector<8x1024xf32>
    %min3A_569 = arith.minimumf %min3A_545, %max3A_558 : vector<8x1024xf32>
    %min3A_570 = arith.minimumf %min3A_569, %max3A_568 : vector<8x1024xf32>
    %min3A_571 = arith.minimumf %min3A_567, %min3A_565 : vector<8x1024xf32>
    %max3A_572 = arith.maximumf %min3A_567, %min3A_565 : vector<8x1024xf32>
    %min3A_573 = arith.minimumf %min3A_570, %max3A_566 : vector<8x1024xf32>
    %max3A_574 = arith.maximumf %min3A_570, %max3A_566 : vector<8x1024xf32>
    %slice3A_575 = vector.extract_strided_slice %bitcast_convert_type3A_33 {offsets = [608, 0], sizes = [8, 1024], strides = [1, 1]} : vector<2000x1024xf32> to vector<8x1024xf32>
    %slice3A_576 = vector.extract_strided_slice %bitcast_convert_type3A_33 {offsets = [616, 0], sizes = [8, 1024], strides = [1, 1]} : vector<2000x1024xf32> to vector<8x1024xf32>
    %slice3A_577 = vector.extract_strided_slice %bitcast_convert_type3A_33 {offsets = [624, 0], sizes = [8, 1024], strides = [1, 1]} : vector<2000x1024xf32> to vector<8x1024xf32>
    %slice3A_578 = vector.extract_strided_slice %bitcast_convert_type3A_33 {offsets = [632, 0], sizes = [8, 1024], strides = [1, 1]} : vector<2000x1024xf32> to vector<8x1024xf32>
    %min3A_579 = arith.minimumf %slice3A_575, %slice3A_577 : vector<8x1024xf32>
    %max3A_580 = arith.maximumf %slice3A_575, %slice3A_577 : vector<8x1024xf32>
    %min3A_581 = arith.minimumf %slice3A_576, %slice3A_578 : vector<8x1024xf32>
    %max3A_582 = arith.maximumf %slice3A_576, %slice3A_578 : vector<8x1024xf32>
    %min3A_583 = arith.minimumf %min3A_579, %min3A_581 : vector<8x1024xf32>
    %max3A_584 = arith.maximumf %min3A_579, %min3A_581 : vector<8x1024xf32>
    %min3A_585 = arith.minimumf %max3A_580, %max3A_582 : vector<8x1024xf32>
    %max3A_586 = arith.maximumf %max3A_580, %max3A_582 : vector<8x1024xf32>
    %min3A_587 = arith.minimumf %max3A_584, %min3A_585 : vector<8x1024xf32>
    %max3A_588 = arith.maximumf %max3A_584, %min3A_585 : vector<8x1024xf32>
    %min3A_589 = arith.minimumf %min3A_583, %min3A_561 : vector<8x1024xf32>
    %max3A_590 = arith.maximumf %min3A_583, %min3A_561 : vector<8x1024xf32>
    %min3A_591 = arith.minimumf %max3A_590, %max3A_574 : vector<8x1024xf32>
    %min3A_592 = arith.minimumf %max3A_572, %max3A_588 : vector<8x1024xf32>
    %min3A_593 = arith.minimumf %min3A_592, %min3A_591 : vector<8x1024xf32>
    %max3A_594 = arith.maximumf %min3A_592, %min3A_591 : vector<8x1024xf32>
    %min3A_595 = arith.minimumf %min3A_571, %min3A_587 : vector<8x1024xf32>
    %max3A_596 = arith.maximumf %min3A_571, %min3A_587 : vector<8x1024xf32>
    %min3A_597 = arith.minimumf %min3A_573, %max3A_586 : vector<8x1024xf32>
    %min3A_598 = arith.minimumf %min3A_597, %max3A_596 : vector<8x1024xf32>
    %min3A_599 = arith.minimumf %min3A_595, %min3A_593 : vector<8x1024xf32>
    %max3A_600 = arith.maximumf %min3A_595, %min3A_593 : vector<8x1024xf32>
    %min3A_601 = arith.minimumf %min3A_598, %max3A_594 : vector<8x1024xf32>
    %max3A_602 = arith.maximumf %min3A_598, %max3A_594 : vector<8x1024xf32>
    %slice3A_603 = vector.extract_strided_slice %bitcast_convert_type3A_33 {offsets = [640, 0], sizes = [8, 1024], strides = [1, 1]} : vector<2000x1024xf32> to vector<8x1024xf32>
    %slice3A_604 = vector.extract_strided_slice %bitcast_convert_type3A_33 {offsets = [648, 0], sizes = [8, 1024], strides = [1, 1]} : vector<2000x1024xf32> to vector<8x1024xf32>
    %slice3A_605 = vector.extract_strided_slice %bitcast_convert_type3A_33 {offsets = [656, 0], sizes = [8, 1024], strides = [1, 1]} : vector<2000x1024xf32> to vector<8x1024xf32>
    %slice3A_606 = vector.extract_strided_slice %bitcast_convert_type3A_33 {offsets = [664, 0], sizes = [8, 1024], strides = [1, 1]} : vector<2000x1024xf32> to vector<8x1024xf32>
    %min3A_607 = arith.minimumf %slice3A_603, %slice3A_605 : vector<8x1024xf32>
    %max3A_608 = arith.maximumf %slice3A_603, %slice3A_605 : vector<8x1024xf32>
    %min3A_609 = arith.minimumf %slice3A_604, %slice3A_606 : vector<8x1024xf32>
    %max3A_610 = arith.maximumf %slice3A_604, %slice3A_606 : vector<8x1024xf32>
    %min3A_611 = arith.minimumf %min3A_607, %min3A_609 : vector<8x1024xf32>
    %max3A_612 = arith.maximumf %min3A_607, %min3A_609 : vector<8x1024xf32>
    %min3A_613 = arith.minimumf %max3A_608, %max3A_610 : vector<8x1024xf32>
    %max3A_614 = arith.maximumf %max3A_608, %max3A_610 : vector<8x1024xf32>
    %min3A_615 = arith.minimumf %max3A_612, %min3A_613 : vector<8x1024xf32>
    %max3A_616 = arith.maximumf %max3A_612, %min3A_613 : vector<8x1024xf32>
    %min3A_617 = arith.minimumf %min3A_611, %min3A_589 : vector<8x1024xf32>
    %max3A_618 = arith.maximumf %min3A_611, %min3A_589 : vector<8x1024xf32>
    %min3A_619 = arith.minimumf %max3A_618, %max3A_602 : vector<8x1024xf32>
    %min3A_620 = arith.minimumf %max3A_600, %max3A_616 : vector<8x1024xf32>
    %min3A_621 = arith.minimumf %min3A_620, %min3A_619 : vector<8x1024xf32>
    %max3A_622 = arith.maximumf %min3A_620, %min3A_619 : vector<8x1024xf32>
    %min3A_623 = arith.minimumf %min3A_599, %min3A_615 : vector<8x1024xf32>
    %max3A_624 = arith.maximumf %min3A_599, %min3A_615 : vector<8x1024xf32>
    %min3A_625 = arith.minimumf %min3A_601, %max3A_614 : vector<8x1024xf32>
    %min3A_626 = arith.minimumf %min3A_625, %max3A_624 : vector<8x1024xf32>
    %min3A_627 = arith.minimumf %min3A_623, %min3A_621 : vector<8x1024xf32>
    %max3A_628 = arith.maximumf %min3A_623, %min3A_621 : vector<8x1024xf32>
    %min3A_629 = arith.minimumf %min3A_626, %max3A_622 : vector<8x1024xf32>
    %max3A_630 = arith.maximumf %min3A_626, %max3A_622 : vector<8x1024xf32>
    %slice3A_631 = vector.extract_strided_slice %bitcast_convert_type3A_33 {offsets = [672, 0], sizes = [8, 1024], strides = [1, 1]} : vector<2000x1024xf32> to vector<8x1024xf32>
    %slice3A_632 = vector.extract_strided_slice %bitcast_convert_type3A_33 {offsets = [680, 0], sizes = [8, 1024], strides = [1, 1]} : vector<2000x1024xf32> to vector<8x1024xf32>
    %slice3A_633 = vector.extract_strided_slice %bitcast_convert_type3A_33 {offsets = [688, 0], sizes = [8, 1024], strides = [1, 1]} : vector<2000x1024xf32> to vector<8x1024xf32>
    %slice3A_634 = vector.extract_strided_slice %bitcast_convert_type3A_33 {offsets = [696, 0], sizes = [8, 1024], strides = [1, 1]} : vector<2000x1024xf32> to vector<8x1024xf32>
    %min3A_635 = arith.minimumf %slice3A_631, %slice3A_633 : vector<8x1024xf32>
    %max3A_636 = arith.maximumf %slice3A_631, %slice3A_633 : vector<8x1024xf32>
    %min3A_637 = arith.minimumf %slice3A_632, %slice3A_634 : vector<8x1024xf32>
    %max3A_638 = arith.maximumf %slice3A_632, %slice3A_634 : vector<8x1024xf32>
    %min3A_639 = arith.minimumf %min3A_635, %min3A_637 : vector<8x1024xf32>
    %max3A_640 = arith.maximumf %min3A_635, %min3A_637 : vector<8x1024xf32>
    %min3A_641 = arith.minimumf %max3A_636, %max3A_638 : vector<8x1024xf32>
    %max3A_642 = arith.maximumf %max3A_636, %max3A_638 : vector<8x1024xf32>
    %min3A_643 = arith.minimumf %max3A_640, %min3A_641 : vector<8x1024xf32>
    %max3A_644 = arith.maximumf %max3A_640, %min3A_641 : vector<8x1024xf32>
    %min3A_645 = arith.minimumf %min3A_639, %min3A_617 : vector<8x1024xf32>
    %max3A_646 = arith.maximumf %min3A_639, %min3A_617 : vector<8x1024xf32>
    %min3A_647 = arith.minimumf %max3A_646, %max3A_630 : vector<8x1024xf32>
    %min3A_648 = arith.minimumf %max3A_628, %max3A_644 : vector<8x1024xf32>
    %min3A_649 = arith.minimumf %min3A_648, %min3A_647 : vector<8x1024xf32>
    %max3A_650 = arith.maximumf %min3A_648, %min3A_647 : vector<8x1024xf32>
    %min3A_651 = arith.minimumf %min3A_627, %min3A_643 : vector<8x1024xf32>
    %max3A_652 = arith.maximumf %min3A_627, %min3A_643 : vector<8x1024xf32>
    %min3A_653 = arith.minimumf %min3A_629, %max3A_642 : vector<8x1024xf32>
    %min3A_654 = arith.minimumf %min3A_653, %max3A_652 : vector<8x1024xf32>
    %min3A_655 = arith.minimumf %min3A_651, %min3A_649 : vector<8x1024xf32>
    %max3A_656 = arith.maximumf %min3A_651, %min3A_649 : vector<8x1024xf32>
    %min3A_657 = arith.minimumf %min3A_654, %max3A_650 : vector<8x1024xf32>
    %max3A_658 = arith.maximumf %min3A_654, %max3A_650 : vector<8x1024xf32>
    %slice3A_659 = vector.extract_strided_slice %bitcast_convert_type3A_33 {offsets = [704, 0], sizes = [8, 1024], strides = [1, 1]} : vector<2000x1024xf32> to vector<8x1024xf32>
    %slice3A_660 = vector.extract_strided_slice %bitcast_convert_type3A_33 {offsets = [712, 0], sizes = [8, 1024], strides = [1, 1]} : vector<2000x1024xf32> to vector<8x1024xf32>
    %slice3A_661 = vector.extract_strided_slice %bitcast_convert_type3A_33 {offsets = [720, 0], sizes = [8, 1024], strides = [1, 1]} : vector<2000x1024xf32> to vector<8x1024xf32>
    %slice3A_662 = vector.extract_strided_slice %bitcast_convert_type3A_33 {offsets = [728, 0], sizes = [8, 1024], strides = [1, 1]} : vector<2000x1024xf32> to vector<8x1024xf32>
    %min3A_663 = arith.minimumf %slice3A_659, %slice3A_661 : vector<8x1024xf32>
    %max3A_664 = arith.maximumf %slice3A_659, %slice3A_661 : vector<8x1024xf32>
    %min3A_665 = arith.minimumf %slice3A_660, %slice3A_662 : vector<8x1024xf32>
    %max3A_666 = arith.maximumf %slice3A_660, %slice3A_662 : vector<8x1024xf32>
    %min3A_667 = arith.minimumf %min3A_663, %min3A_665 : vector<8x1024xf32>
    %max3A_668 = arith.maximumf %min3A_663, %min3A_665 : vector<8x1024xf32>
    %min3A_669 = arith.minimumf %max3A_664, %max3A_666 : vector<8x1024xf32>
    %max3A_670 = arith.maximumf %max3A_664, %max3A_666 : vector<8x1024xf32>
    %min3A_671 = arith.minimumf %max3A_668, %min3A_669 : vector<8x1024xf32>
    %max3A_672 = arith.maximumf %max3A_668, %min3A_669 : vector<8x1024xf32>
    %min3A_673 = arith.minimumf %min3A_667, %min3A_645 : vector<8x1024xf32>
    %max3A_674 = arith.maximumf %min3A_667, %min3A_645 : vector<8x1024xf32>
    %min3A_675 = arith.minimumf %max3A_674, %max3A_658 : vector<8x1024xf32>
    %min3A_676 = arith.minimumf %max3A_656, %max3A_672 : vector<8x1024xf32>
    %min3A_677 = arith.minimumf %min3A_676, %min3A_675 : vector<8x1024xf32>
    %max3A_678 = arith.maximumf %min3A_676, %min3A_675 : vector<8x1024xf32>
    %min3A_679 = arith.minimumf %min3A_655, %min3A_671 : vector<8x1024xf32>
    %max3A_680 = arith.maximumf %min3A_655, %min3A_671 : vector<8x1024xf32>
    %min3A_681 = arith.minimumf %min3A_657, %max3A_670 : vector<8x1024xf32>
    %min3A_682 = arith.minimumf %min3A_681, %max3A_680 : vector<8x1024xf32>
    %min3A_683 = arith.minimumf %min3A_679, %min3A_677 : vector<8x1024xf32>
    %max3A_684 = arith.maximumf %min3A_679, %min3A_677 : vector<8x1024xf32>
    %min3A_685 = arith.minimumf %min3A_682, %max3A_678 : vector<8x1024xf32>
    %max3A_686 = arith.maximumf %min3A_682, %max3A_678 : vector<8x1024xf32>
    %slice3A_687 = vector.extract_strided_slice %bitcast_convert_type3A_33 {offsets = [736, 0], sizes = [8, 1024], strides = [1, 1]} : vector<2000x1024xf32> to vector<8x1024xf32>
    %slice3A_688 = vector.extract_strided_slice %bitcast_convert_type3A_33 {offsets = [744, 0], sizes = [8, 1024], strides = [1, 1]} : vector<2000x1024xf32> to vector<8x1024xf32>
    %slice3A_689 = vector.extract_strided_slice %bitcast_convert_type3A_33 {offsets = [752, 0], sizes = [8, 1024], strides = [1, 1]} : vector<2000x1024xf32> to vector<8x1024xf32>
    %slice3A_690 = vector.extract_strided_slice %bitcast_convert_type3A_33 {offsets = [760, 0], sizes = [8, 1024], strides = [1, 1]} : vector<2000x1024xf32> to vector<8x1024xf32>
    %min3A_691 = arith.minimumf %slice3A_687, %slice3A_689 : vector<8x1024xf32>
    %max3A_692 = arith.maximumf %slice3A_687, %slice3A_689 : vector<8x1024xf32>
    %min3A_693 = arith.minimumf %slice3A_688, %slice3A_690 : vector<8x1024xf32>
    %max3A_694 = arith.maximumf %slice3A_688, %slice3A_690 : vector<8x1024xf32>
    %min3A_695 = arith.minimumf %min3A_691, %min3A_693 : vector<8x1024xf32>
    %max3A_696 = arith.maximumf %min3A_691, %min3A_693 : vector<8x1024xf32>
    %min3A_697 = arith.minimumf %max3A_692, %max3A_694 : vector<8x1024xf32>
    %max3A_698 = arith.maximumf %max3A_692, %max3A_694 : vector<8x1024xf32>
    %min3A_699 = arith.minimumf %max3A_696, %min3A_697 : vector<8x1024xf32>
    %max3A_700 = arith.maximumf %max3A_696, %min3A_697 : vector<8x1024xf32>
    %min3A_701 = arith.minimumf %min3A_695, %min3A_673 : vector<8x1024xf32>
    %max3A_702 = arith.maximumf %min3A_695, %min3A_673 : vector<8x1024xf32>
    %min3A_703 = arith.minimumf %max3A_702, %max3A_686 : vector<8x1024xf32>
    %min3A_704 = arith.minimumf %max3A_684, %max3A_700 : vector<8x1024xf32>
    %min3A_705 = arith.minimumf %min3A_704, %min3A_703 : vector<8x1024xf32>
    %max3A_706 = arith.maximumf %min3A_704, %min3A_703 : vector<8x1024xf32>
    %min3A_707 = arith.minimumf %min3A_683, %min3A_699 : vector<8x1024xf32>
    %max3A_708 = arith.maximumf %min3A_683, %min3A_699 : vector<8x1024xf32>
    %min3A_709 = arith.minimumf %min3A_685, %max3A_698 : vector<8x1024xf32>
    %min3A_710 = arith.minimumf %min3A_709, %max3A_708 : vector<8x1024xf32>
    %min3A_711 = arith.minimumf %min3A_707, %min3A_705 : vector<8x1024xf32>
    %max3A_712 = arith.maximumf %min3A_707, %min3A_705 : vector<8x1024xf32>
    %min3A_713 = arith.minimumf %min3A_710, %max3A_706 : vector<8x1024xf32>
    %max3A_714 = arith.maximumf %min3A_710, %max3A_706 : vector<8x1024xf32>
    %slice3A_715 = vector.extract_strided_slice %bitcast_convert_type3A_33 {offsets = [768, 0], sizes = [8, 1024], strides = [1, 1]} : vector<2000x1024xf32> to vector<8x1024xf32>
    %slice3A_716 = vector.extract_strided_slice %bitcast_convert_type3A_33 {offsets = [776, 0], sizes = [8, 1024], strides = [1, 1]} : vector<2000x1024xf32> to vector<8x1024xf32>
    %slice3A_717 = vector.extract_strided_slice %bitcast_convert_type3A_33 {offsets = [784, 0], sizes = [8, 1024], strides = [1, 1]} : vector<2000x1024xf32> to vector<8x1024xf32>
    %slice3A_718 = vector.extract_strided_slice %bitcast_convert_type3A_33 {offsets = [792, 0], sizes = [8, 1024], strides = [1, 1]} : vector<2000x1024xf32> to vector<8x1024xf32>
    %min3A_719 = arith.minimumf %slice3A_715, %slice3A_717 : vector<8x1024xf32>
    %max3A_720 = arith.maximumf %slice3A_715, %slice3A_717 : vector<8x1024xf32>
    %min3A_721 = arith.minimumf %slice3A_716, %slice3A_718 : vector<8x1024xf32>
    %max3A_722 = arith.maximumf %slice3A_716, %slice3A_718 : vector<8x1024xf32>
    %min3A_723 = arith.minimumf %min3A_719, %min3A_721 : vector<8x1024xf32>
    %max3A_724 = arith.maximumf %min3A_719, %min3A_721 : vector<8x1024xf32>
    %min3A_725 = arith.minimumf %max3A_720, %max3A_722 : vector<8x1024xf32>
    %max3A_726 = arith.maximumf %max3A_720, %max3A_722 : vector<8x1024xf32>
    %min3A_727 = arith.minimumf %max3A_724, %min3A_725 : vector<8x1024xf32>
    %max3A_728 = arith.maximumf %max3A_724, %min3A_725 : vector<8x1024xf32>
    %min3A_729 = arith.minimumf %min3A_723, %min3A_701 : vector<8x1024xf32>
    %max3A_730 = arith.maximumf %min3A_723, %min3A_701 : vector<8x1024xf32>
    %min3A_731 = arith.minimumf %max3A_730, %max3A_714 : vector<8x1024xf32>
    %min3A_732 = arith.minimumf %max3A_712, %max3A_728 : vector<8x1024xf32>
    %min3A_733 = arith.minimumf %min3A_732, %min3A_731 : vector<8x1024xf32>
    %max3A_734 = arith.maximumf %min3A_732, %min3A_731 : vector<8x1024xf32>
    %min3A_735 = arith.minimumf %min3A_711, %min3A_727 : vector<8x1024xf32>
    %max3A_736 = arith.maximumf %min3A_711, %min3A_727 : vector<8x1024xf32>
    %min3A_737 = arith.minimumf %min3A_713, %max3A_726 : vector<8x1024xf32>
    %min3A_738 = arith.minimumf %min3A_737, %max3A_736 : vector<8x1024xf32>
    %min3A_739 = arith.minimumf %min3A_735, %min3A_733 : vector<8x1024xf32>
    %max3A_740 = arith.maximumf %min3A_735, %min3A_733 : vector<8x1024xf32>
    %min3A_741 = arith.minimumf %min3A_738, %max3A_734 : vector<8x1024xf32>
    %max3A_742 = arith.maximumf %min3A_738, %max3A_734 : vector<8x1024xf32>
    %slice3A_743 = vector.extract_strided_slice %bitcast_convert_type3A_33 {offsets = [800, 0], sizes = [8, 1024], strides = [1, 1]} : vector<2000x1024xf32> to vector<8x1024xf32>
    %slice3A_744 = vector.extract_strided_slice %bitcast_convert_type3A_33 {offsets = [808, 0], sizes = [8, 1024], strides = [1, 1]} : vector<2000x1024xf32> to vector<8x1024xf32>
    %slice3A_745 = vector.extract_strided_slice %bitcast_convert_type3A_33 {offsets = [816, 0], sizes = [8, 1024], strides = [1, 1]} : vector<2000x1024xf32> to vector<8x1024xf32>
    %slice3A_746 = vector.extract_strided_slice %bitcast_convert_type3A_33 {offsets = [824, 0], sizes = [8, 1024], strides = [1, 1]} : vector<2000x1024xf32> to vector<8x1024xf32>
    %min3A_747 = arith.minimumf %slice3A_743, %slice3A_745 : vector<8x1024xf32>
    %max3A_748 = arith.maximumf %slice3A_743, %slice3A_745 : vector<8x1024xf32>
    %min3A_749 = arith.minimumf %slice3A_744, %slice3A_746 : vector<8x1024xf32>
    %max3A_750 = arith.maximumf %slice3A_744, %slice3A_746 : vector<8x1024xf32>
    %min3A_751 = arith.minimumf %min3A_747, %min3A_749 : vector<8x1024xf32>
    %max3A_752 = arith.maximumf %min3A_747, %min3A_749 : vector<8x1024xf32>
    %min3A_753 = arith.minimumf %max3A_748, %max3A_750 : vector<8x1024xf32>
    %max3A_754 = arith.maximumf %max3A_748, %max3A_750 : vector<8x1024xf32>
    %min3A_755 = arith.minimumf %max3A_752, %min3A_753 : vector<8x1024xf32>
    %max3A_756 = arith.maximumf %max3A_752, %min3A_753 : vector<8x1024xf32>
    %min3A_757 = arith.minimumf %min3A_751, %min3A_729 : vector<8x1024xf32>
    %max3A_758 = arith.maximumf %min3A_751, %min3A_729 : vector<8x1024xf32>
    %min3A_759 = arith.minimumf %max3A_758, %max3A_742 : vector<8x1024xf32>
    %min3A_760 = arith.minimumf %max3A_740, %max3A_756 : vector<8x1024xf32>
    %min3A_761 = arith.minimumf %min3A_760, %min3A_759 : vector<8x1024xf32>
    %max3A_762 = arith.maximumf %min3A_760, %min3A_759 : vector<8x1024xf32>
    %min3A_763 = arith.minimumf %min3A_739, %min3A_755 : vector<8x1024xf32>
    %max3A_764 = arith.maximumf %min3A_739, %min3A_755 : vector<8x1024xf32>
    %min3A_765 = arith.minimumf %min3A_741, %max3A_754 : vector<8x1024xf32>
    %min3A_766 = arith.minimumf %min3A_765, %max3A_764 : vector<8x1024xf32>
    %min3A_767 = arith.minimumf %min3A_763, %min3A_761 : vector<8x1024xf32>
    %max3A_768 = arith.maximumf %min3A_763, %min3A_761 : vector<8x1024xf32>
    %min3A_769 = arith.minimumf %min3A_766, %max3A_762 : vector<8x1024xf32>
    %max3A_770 = arith.maximumf %min3A_766, %max3A_762 : vector<8x1024xf32>
    %slice3A_771 = vector.extract_strided_slice %bitcast_convert_type3A_33 {offsets = [832, 0], sizes = [8, 1024], strides = [1, 1]} : vector<2000x1024xf32> to vector<8x1024xf32>
    %slice3A_772 = vector.extract_strided_slice %bitcast_convert_type3A_33 {offsets = [840, 0], sizes = [8, 1024], strides = [1, 1]} : vector<2000x1024xf32> to vector<8x1024xf32>
    %slice3A_773 = vector.extract_strided_slice %bitcast_convert_type3A_33 {offsets = [848, 0], sizes = [8, 1024], strides = [1, 1]} : vector<2000x1024xf32> to vector<8x1024xf32>
    %slice3A_774 = vector.extract_strided_slice %bitcast_convert_type3A_33 {offsets = [856, 0], sizes = [8, 1024], strides = [1, 1]} : vector<2000x1024xf32> to vector<8x1024xf32>
    %min3A_775 = arith.minimumf %slice3A_771, %slice3A_773 : vector<8x1024xf32>
    %max3A_776 = arith.maximumf %slice3A_771, %slice3A_773 : vector<8x1024xf32>
    %min3A_777 = arith.minimumf %slice3A_772, %slice3A_774 : vector<8x1024xf32>
    %max3A_778 = arith.maximumf %slice3A_772, %slice3A_774 : vector<8x1024xf32>
    %min3A_779 = arith.minimumf %min3A_775, %min3A_777 : vector<8x1024xf32>
    %max3A_780 = arith.maximumf %min3A_775, %min3A_777 : vector<8x1024xf32>
    %min3A_781 = arith.minimumf %max3A_776, %max3A_778 : vector<8x1024xf32>
    %max3A_782 = arith.maximumf %max3A_776, %max3A_778 : vector<8x1024xf32>
    %min3A_783 = arith.minimumf %max3A_780, %min3A_781 : vector<8x1024xf32>
    %max3A_784 = arith.maximumf %max3A_780, %min3A_781 : vector<8x1024xf32>
    %min3A_785 = arith.minimumf %min3A_779, %min3A_757 : vector<8x1024xf32>
    %max3A_786 = arith.maximumf %min3A_779, %min3A_757 : vector<8x1024xf32>
    %min3A_787 = arith.minimumf %max3A_786, %max3A_770 : vector<8x1024xf32>
    %min3A_788 = arith.minimumf %max3A_768, %max3A_784 : vector<8x1024xf32>
    %min3A_789 = arith.minimumf %min3A_788, %min3A_787 : vector<8x1024xf32>
    %max3A_790 = arith.maximumf %min3A_788, %min3A_787 : vector<8x1024xf32>
    %min3A_791 = arith.minimumf %min3A_767, %min3A_783 : vector<8x1024xf32>
    %max3A_792 = arith.maximumf %min3A_767, %min3A_783 : vector<8x1024xf32>
    %min3A_793 = arith.minimumf %min3A_769, %max3A_782 : vector<8x1024xf32>
    %min3A_794 = arith.minimumf %min3A_793, %max3A_792 : vector<8x1024xf32>
    %min3A_795 = arith.minimumf %min3A_791, %min3A_789 : vector<8x1024xf32>
    %max3A_796 = arith.maximumf %min3A_791, %min3A_789 : vector<8x1024xf32>
    %min3A_797 = arith.minimumf %min3A_794, %max3A_790 : vector<8x1024xf32>
    %max3A_798 = arith.maximumf %min3A_794, %max3A_790 : vector<8x1024xf32>
    %slice3A_799 = vector.extract_strided_slice %bitcast_convert_type3A_33 {offsets = [864, 0], sizes = [8, 1024], strides = [1, 1]} : vector<2000x1024xf32> to vector<8x1024xf32>
    %slice3A_800 = vector.extract_strided_slice %bitcast_convert_type3A_33 {offsets = [872, 0], sizes = [8, 1024], strides = [1, 1]} : vector<2000x1024xf32> to vector<8x1024xf32>
    %slice3A_801 = vector.extract_strided_slice %bitcast_convert_type3A_33 {offsets = [880, 0], sizes = [8, 1024], strides = [1, 1]} : vector<2000x1024xf32> to vector<8x1024xf32>
    %slice3A_802 = vector.extract_strided_slice %bitcast_convert_type3A_33 {offsets = [888, 0], sizes = [8, 1024], strides = [1, 1]} : vector<2000x1024xf32> to vector<8x1024xf32>
    %min3A_803 = arith.minimumf %slice3A_799, %slice3A_801 : vector<8x1024xf32>
    %max3A_804 = arith.maximumf %slice3A_799, %slice3A_801 : vector<8x1024xf32>
    %min3A_805 = arith.minimumf %slice3A_800, %slice3A_802 : vector<8x1024xf32>
    %max3A_806 = arith.maximumf %slice3A_800, %slice3A_802 : vector<8x1024xf32>
    %min3A_807 = arith.minimumf %min3A_803, %min3A_805 : vector<8x1024xf32>
    %max3A_808 = arith.maximumf %min3A_803, %min3A_805 : vector<8x1024xf32>
    %min3A_809 = arith.minimumf %max3A_804, %max3A_806 : vector<8x1024xf32>
    %max3A_810 = arith.maximumf %max3A_804, %max3A_806 : vector<8x1024xf32>
    %min3A_811 = arith.minimumf %max3A_808, %min3A_809 : vector<8x1024xf32>
    %max3A_812 = arith.maximumf %max3A_808, %min3A_809 : vector<8x1024xf32>
    %min3A_813 = arith.minimumf %min3A_807, %min3A_785 : vector<8x1024xf32>
    %max3A_814 = arith.maximumf %min3A_807, %min3A_785 : vector<8x1024xf32>
    %min3A_815 = arith.minimumf %max3A_814, %max3A_798 : vector<8x1024xf32>
    %min3A_816 = arith.minimumf %max3A_796, %max3A_812 : vector<8x1024xf32>
    %min3A_817 = arith.minimumf %min3A_816, %min3A_815 : vector<8x1024xf32>
    %max3A_818 = arith.maximumf %min3A_816, %min3A_815 : vector<8x1024xf32>
    %min3A_819 = arith.minimumf %min3A_795, %min3A_811 : vector<8x1024xf32>
    %max3A_820 = arith.maximumf %min3A_795, %min3A_811 : vector<8x1024xf32>
    %min3A_821 = arith.minimumf %min3A_797, %max3A_810 : vector<8x1024xf32>
    %min3A_822 = arith.minimumf %min3A_821, %max3A_820 : vector<8x1024xf32>
    %min3A_823 = arith.minimumf %min3A_819, %min3A_817 : vector<8x1024xf32>
    %max3A_824 = arith.maximumf %min3A_819, %min3A_817 : vector<8x1024xf32>
    %min3A_825 = arith.minimumf %min3A_822, %max3A_818 : vector<8x1024xf32>
    %max3A_826 = arith.maximumf %min3A_822, %max3A_818 : vector<8x1024xf32>
    %slice3A_827 = vector.extract_strided_slice %bitcast_convert_type3A_33 {offsets = [896, 0], sizes = [8, 1024], strides = [1, 1]} : vector<2000x1024xf32> to vector<8x1024xf32>
    %slice3A_828 = vector.extract_strided_slice %bitcast_convert_type3A_33 {offsets = [904, 0], sizes = [8, 1024], strides = [1, 1]} : vector<2000x1024xf32> to vector<8x1024xf32>
    %slice3A_829 = vector.extract_strided_slice %bitcast_convert_type3A_33 {offsets = [912, 0], sizes = [8, 1024], strides = [1, 1]} : vector<2000x1024xf32> to vector<8x1024xf32>
    %slice3A_830 = vector.extract_strided_slice %bitcast_convert_type3A_33 {offsets = [920, 0], sizes = [8, 1024], strides = [1, 1]} : vector<2000x1024xf32> to vector<8x1024xf32>
    %min3A_831 = arith.minimumf %slice3A_827, %slice3A_829 : vector<8x1024xf32>
    %max3A_832 = arith.maximumf %slice3A_827, %slice3A_829 : vector<8x1024xf32>
    %min3A_833 = arith.minimumf %slice3A_828, %slice3A_830 : vector<8x1024xf32>
    %max3A_834 = arith.maximumf %slice3A_828, %slice3A_830 : vector<8x1024xf32>
    %min3A_835 = arith.minimumf %min3A_831, %min3A_833 : vector<8x1024xf32>
    %max3A_836 = arith.maximumf %min3A_831, %min3A_833 : vector<8x1024xf32>
    %min3A_837 = arith.minimumf %max3A_832, %max3A_834 : vector<8x1024xf32>
    %max3A_838 = arith.maximumf %max3A_832, %max3A_834 : vector<8x1024xf32>
    %min3A_839 = arith.minimumf %max3A_836, %min3A_837 : vector<8x1024xf32>
    %max3A_840 = arith.maximumf %max3A_836, %min3A_837 : vector<8x1024xf32>
    %min3A_841 = arith.minimumf %min3A_835, %min3A_813 : vector<8x1024xf32>
    %max3A_842 = arith.maximumf %min3A_835, %min3A_813 : vector<8x1024xf32>
    %min3A_843 = arith.minimumf %max3A_842, %max3A_826 : vector<8x1024xf32>
    %min3A_844 = arith.minimumf %max3A_824, %max3A_840 : vector<8x1024xf32>
    %min3A_845 = arith.minimumf %min3A_844, %min3A_843 : vector<8x1024xf32>
    %max3A_846 = arith.maximumf %min3A_844, %min3A_843 : vector<8x1024xf32>
    %min3A_847 = arith.minimumf %min3A_823, %min3A_839 : vector<8x1024xf32>
    %max3A_848 = arith.maximumf %min3A_823, %min3A_839 : vector<8x1024xf32>
    %min3A_849 = arith.minimumf %min3A_825, %max3A_838 : vector<8x1024xf32>
    %min3A_850 = arith.minimumf %min3A_849, %max3A_848 : vector<8x1024xf32>
    %min3A_851 = arith.minimumf %min3A_847, %min3A_845 : vector<8x1024xf32>
    %max3A_852 = arith.maximumf %min3A_847, %min3A_845 : vector<8x1024xf32>
    %min3A_853 = arith.minimumf %min3A_850, %max3A_846 : vector<8x1024xf32>
    %max3A_854 = arith.maximumf %min3A_850, %max3A_846 : vector<8x1024xf32>
    %slice3A_855 = vector.extract_strided_slice %bitcast_convert_type3A_33 {offsets = [928, 0], sizes = [8, 1024], strides = [1, 1]} : vector<2000x1024xf32> to vector<8x1024xf32>
    %slice3A_856 = vector.extract_strided_slice %bitcast_convert_type3A_33 {offsets = [936, 0], sizes = [8, 1024], strides = [1, 1]} : vector<2000x1024xf32> to vector<8x1024xf32>
    %slice3A_857 = vector.extract_strided_slice %bitcast_convert_type3A_33 {offsets = [944, 0], sizes = [8, 1024], strides = [1, 1]} : vector<2000x1024xf32> to vector<8x1024xf32>
    %slice3A_858 = vector.extract_strided_slice %bitcast_convert_type3A_33 {offsets = [952, 0], sizes = [8, 1024], strides = [1, 1]} : vector<2000x1024xf32> to vector<8x1024xf32>
    %min3A_859 = arith.minimumf %slice3A_855, %slice3A_857 : vector<8x1024xf32>
    %max3A_860 = arith.maximumf %slice3A_855, %slice3A_857 : vector<8x1024xf32>
    %min3A_861 = arith.minimumf %slice3A_856, %slice3A_858 : vector<8x1024xf32>
    %max3A_862 = arith.maximumf %slice3A_856, %slice3A_858 : vector<8x1024xf32>
    %min3A_863 = arith.minimumf %min3A_859, %min3A_861 : vector<8x1024xf32>
    %max3A_864 = arith.maximumf %min3A_859, %min3A_861 : vector<8x1024xf32>
    %min3A_865 = arith.minimumf %max3A_860, %max3A_862 : vector<8x1024xf32>
    %max3A_866 = arith.maximumf %max3A_860, %max3A_862 : vector<8x1024xf32>
    %min3A_867 = arith.minimumf %max3A_864, %min3A_865 : vector<8x1024xf32>
    %max3A_868 = arith.maximumf %max3A_864, %min3A_865 : vector<8x1024xf32>
    %min3A_869 = arith.minimumf %min3A_863, %min3A_841 : vector<8x1024xf32>
    %max3A_870 = arith.maximumf %min3A_863, %min3A_841 : vector<8x1024xf32>
    %min3A_871 = arith.minimumf %max3A_870, %max3A_854 : vector<8x1024xf32>
    %min3A_872 = arith.minimumf %max3A_852, %max3A_868 : vector<8x1024xf32>
    %min3A_873 = arith.minimumf %min3A_872, %min3A_871 : vector<8x1024xf32>
    %max3A_874 = arith.maximumf %min3A_872, %min3A_871 : vector<8x1024xf32>
    %min3A_875 = arith.minimumf %min3A_851, %min3A_867 : vector<8x1024xf32>
    %max3A_876 = arith.maximumf %min3A_851, %min3A_867 : vector<8x1024xf32>
    %min3A_877 = arith.minimumf %min3A_853, %max3A_866 : vector<8x1024xf32>
    %min3A_878 = arith.minimumf %min3A_877, %max3A_876 : vector<8x1024xf32>
    %min3A_879 = arith.minimumf %min3A_875, %min3A_873 : vector<8x1024xf32>
    %max3A_880 = arith.maximumf %min3A_875, %min3A_873 : vector<8x1024xf32>
    %min3A_881 = arith.minimumf %min3A_878, %max3A_874 : vector<8x1024xf32>
    %max3A_882 = arith.maximumf %min3A_878, %max3A_874 : vector<8x1024xf32>
    %slice3A_883 = vector.extract_strided_slice %bitcast_convert_type3A_33 {offsets = [960, 0], sizes = [8, 1024], strides = [1, 1]} : vector<2000x1024xf32> to vector<8x1024xf32>
    %slice3A_884 = vector.extract_strided_slice %bitcast_convert_type3A_33 {offsets = [968, 0], sizes = [8, 1024], strides = [1, 1]} : vector<2000x1024xf32> to vector<8x1024xf32>
    %slice3A_885 = vector.extract_strided_slice %bitcast_convert_type3A_33 {offsets = [976, 0], sizes = [8, 1024], strides = [1, 1]} : vector<2000x1024xf32> to vector<8x1024xf32>
    %slice3A_886 = vector.extract_strided_slice %bitcast_convert_type3A_33 {offsets = [984, 0], sizes = [8, 1024], strides = [1, 1]} : vector<2000x1024xf32> to vector<8x1024xf32>
    %min3A_887 = arith.minimumf %slice3A_883, %slice3A_885 : vector<8x1024xf32>
    %max3A_888 = arith.maximumf %slice3A_883, %slice3A_885 : vector<8x1024xf32>
    %min3A_889 = arith.minimumf %slice3A_884, %slice3A_886 : vector<8x1024xf32>
    %max3A_890 = arith.maximumf %slice3A_884, %slice3A_886 : vector<8x1024xf32>
    %min3A_891 = arith.minimumf %min3A_887, %min3A_889 : vector<8x1024xf32>
    %max3A_892 = arith.maximumf %min3A_887, %min3A_889 : vector<8x1024xf32>
    %min3A_893 = arith.minimumf %max3A_888, %max3A_890 : vector<8x1024xf32>
    %max3A_894 = arith.maximumf %max3A_888, %max3A_890 : vector<8x1024xf32>
    %min3A_895 = arith.minimumf %max3A_892, %min3A_893 : vector<8x1024xf32>
    %max3A_896 = arith.maximumf %max3A_892, %min3A_893 : vector<8x1024xf32>
    %min3A_897 = arith.minimumf %min3A_891, %min3A_869 : vector<8x1024xf32>
    %max3A_898 = arith.maximumf %min3A_891, %min3A_869 : vector<8x1024xf32>
    %min3A_899 = arith.minimumf %max3A_898, %max3A_882 : vector<8x1024xf32>
    %min3A_900 = arith.minimumf %max3A_880, %max3A_896 : vector<8x1024xf32>
    %min3A_901 = arith.minimumf %min3A_900, %min3A_899 : vector<8x1024xf32>
    %max3A_902 = arith.maximumf %min3A_900, %min3A_899 : vector<8x1024xf32>
    %min3A_903 = arith.minimumf %min3A_879, %min3A_895 : vector<8x1024xf32>
    %max3A_904 = arith.maximumf %min3A_879, %min3A_895 : vector<8x1024xf32>
    %min3A_905 = arith.minimumf %min3A_881, %max3A_894 : vector<8x1024xf32>
    %min3A_906 = arith.minimumf %min3A_905, %max3A_904 : vector<8x1024xf32>
    %min3A_907 = arith.minimumf %min3A_903, %min3A_901 : vector<8x1024xf32>
    %max3A_908 = arith.maximumf %min3A_903, %min3A_901 : vector<8x1024xf32>
    %min3A_909 = arith.minimumf %min3A_906, %max3A_902 : vector<8x1024xf32>
    %max3A_910 = arith.maximumf %min3A_906, %max3A_902 : vector<8x1024xf32>
    %slice3A_911 = vector.extract_strided_slice %bitcast_convert_type3A_33 {offsets = [992, 0], sizes = [8, 1024], strides = [1, 1]} : vector<2000x1024xf32> to vector<8x1024xf32>
    %slice3A_912 = vector.extract_strided_slice %bitcast_convert_type3A_33 {offsets = [1000, 0], sizes = [8, 1024], strides = [1, 1]} : vector<2000x1024xf32> to vector<8x1024xf32>
    %slice3A_913 = vector.extract_strided_slice %bitcast_convert_type3A_33 {offsets = [1008, 0], sizes = [8, 1024], strides = [1, 1]} : vector<2000x1024xf32> to vector<8x1024xf32>
    %slice3A_914 = vector.extract_strided_slice %bitcast_convert_type3A_33 {offsets = [1016, 0], sizes = [8, 1024], strides = [1, 1]} : vector<2000x1024xf32> to vector<8x1024xf32>
    %min3A_915 = arith.minimumf %slice3A_911, %slice3A_913 : vector<8x1024xf32>
    %max3A_916 = arith.maximumf %slice3A_911, %slice3A_913 : vector<8x1024xf32>
    %min3A_917 = arith.minimumf %slice3A_912, %slice3A_914 : vector<8x1024xf32>
    %max3A_918 = arith.maximumf %slice3A_912, %slice3A_914 : vector<8x1024xf32>
    %min3A_919 = arith.minimumf %min3A_915, %min3A_917 : vector<8x1024xf32>
    %max3A_920 = arith.maximumf %min3A_915, %min3A_917 : vector<8x1024xf32>
    %min3A_921 = arith.minimumf %max3A_916, %max3A_918 : vector<8x1024xf32>
    %max3A_922 = arith.maximumf %max3A_916, %max3A_918 : vector<8x1024xf32>
    %min3A_923 = arith.minimumf %max3A_920, %min3A_921 : vector<8x1024xf32>
    %max3A_924 = arith.maximumf %max3A_920, %min3A_921 : vector<8x1024xf32>
    %min3A_925 = arith.minimumf %min3A_919, %min3A_897 : vector<8x1024xf32>
    %max3A_926 = arith.maximumf %min3A_919, %min3A_897 : vector<8x1024xf32>
    %min3A_927 = arith.minimumf %max3A_926, %max3A_910 : vector<8x1024xf32>
    %min3A_928 = arith.minimumf %max3A_908, %max3A_924 : vector<8x1024xf32>
    %min3A_929 = arith.minimumf %min3A_928, %min3A_927 : vector<8x1024xf32>
    %max3A_930 = arith.maximumf %min3A_928, %min3A_927 : vector<8x1024xf32>
    %min3A_931 = arith.minimumf %min3A_907, %min3A_923 : vector<8x1024xf32>
    %max3A_932 = arith.maximumf %min3A_907, %min3A_923 : vector<8x1024xf32>
    %min3A_933 = arith.minimumf %min3A_909, %max3A_922 : vector<8x1024xf32>
    %min3A_934 = arith.minimumf %min3A_933, %max3A_932 : vector<8x1024xf32>
    %min3A_935 = arith.minimumf %min3A_931, %min3A_929 : vector<8x1024xf32>
    %max3A_936 = arith.maximumf %min3A_931, %min3A_929 : vector<8x1024xf32>
    %min3A_937 = arith.minimumf %min3A_934, %max3A_930 : vector<8x1024xf32>
    %max3A_938 = arith.maximumf %min3A_934, %max3A_930 : vector<8x1024xf32>
    %slice3A_939 = vector.extract_strided_slice %bitcast_convert_type3A_33 {offsets = [1024, 0], sizes = [8, 1024], strides = [1, 1]} : vector<2000x1024xf32> to vector<8x1024xf32>
    %slice3A_940 = vector.extract_strided_slice %bitcast_convert_type3A_33 {offsets = [1032, 0], sizes = [8, 1024], strides = [1, 1]} : vector<2000x1024xf32> to vector<8x1024xf32>
    %slice3A_941 = vector.extract_strided_slice %bitcast_convert_type3A_33 {offsets = [1040, 0], sizes = [8, 1024], strides = [1, 1]} : vector<2000x1024xf32> to vector<8x1024xf32>
    %slice3A_942 = vector.extract_strided_slice %bitcast_convert_type3A_33 {offsets = [1048, 0], sizes = [8, 1024], strides = [1, 1]} : vector<2000x1024xf32> to vector<8x1024xf32>
    %min3A_943 = arith.minimumf %slice3A_939, %slice3A_941 : vector<8x1024xf32>
    %max3A_944 = arith.maximumf %slice3A_939, %slice3A_941 : vector<8x1024xf32>
    %min3A_945 = arith.minimumf %slice3A_940, %slice3A_942 : vector<8x1024xf32>
    %max3A_946 = arith.maximumf %slice3A_940, %slice3A_942 : vector<8x1024xf32>
    %min3A_947 = arith.minimumf %min3A_943, %min3A_945 : vector<8x1024xf32>
    %max3A_948 = arith.maximumf %min3A_943, %min3A_945 : vector<8x1024xf32>
    %min3A_949 = arith.minimumf %max3A_944, %max3A_946 : vector<8x1024xf32>
    %max3A_950 = arith.maximumf %max3A_944, %max3A_946 : vector<8x1024xf32>
    %min3A_951 = arith.minimumf %max3A_948, %min3A_949 : vector<8x1024xf32>
    %max3A_952 = arith.maximumf %max3A_948, %min3A_949 : vector<8x1024xf32>
    %min3A_953 = arith.minimumf %min3A_947, %min3A_925 : vector<8x1024xf32>
    %max3A_954 = arith.maximumf %min3A_947, %min3A_925 : vector<8x1024xf32>
    %min3A_955 = arith.minimumf %max3A_954, %max3A_938 : vector<8x1024xf32>
    %min3A_956 = arith.minimumf %max3A_936, %max3A_952 : vector<8x1024xf32>
    %min3A_957 = arith.minimumf %min3A_956, %min3A_955 : vector<8x1024xf32>
    %max3A_958 = arith.maximumf %min3A_956, %min3A_955 : vector<8x1024xf32>
    %min3A_959 = arith.minimumf %min3A_935, %min3A_951 : vector<8x1024xf32>
    %max3A_960 = arith.maximumf %min3A_935, %min3A_951 : vector<8x1024xf32>
    %min3A_961 = arith.minimumf %min3A_937, %max3A_950 : vector<8x1024xf32>
    %min3A_962 = arith.minimumf %min3A_961, %max3A_960 : vector<8x1024xf32>
    %min3A_963 = arith.minimumf %min3A_959, %min3A_957 : vector<8x1024xf32>
    %max3A_964 = arith.maximumf %min3A_959, %min3A_957 : vector<8x1024xf32>
    %min3A_965 = arith.minimumf %min3A_962, %max3A_958 : vector<8x1024xf32>
    %max3A_966 = arith.maximumf %min3A_962, %max3A_958 : vector<8x1024xf32>
    %slice3A_967 = vector.extract_strided_slice %bitcast_convert_type3A_33 {offsets = [1056, 0], sizes = [8, 1024], strides = [1, 1]} : vector<2000x1024xf32> to vector<8x1024xf32>
    %slice3A_968 = vector.extract_strided_slice %bitcast_convert_type3A_33 {offsets = [1064, 0], sizes = [8, 1024], strides = [1, 1]} : vector<2000x1024xf32> to vector<8x1024xf32>
    %slice3A_969 = vector.extract_strided_slice %bitcast_convert_type3A_33 {offsets = [1072, 0], sizes = [8, 1024], strides = [1, 1]} : vector<2000x1024xf32> to vector<8x1024xf32>
    %slice3A_970 = vector.extract_strided_slice %bitcast_convert_type3A_33 {offsets = [1080, 0], sizes = [8, 1024], strides = [1, 1]} : vector<2000x1024xf32> to vector<8x1024xf32>
    %min3A_971 = arith.minimumf %slice3A_967, %slice3A_969 : vector<8x1024xf32>
    %max3A_972 = arith.maximumf %slice3A_967, %slice3A_969 : vector<8x1024xf32>
    %min3A_973 = arith.minimumf %slice3A_968, %slice3A_970 : vector<8x1024xf32>
    %max3A_974 = arith.maximumf %slice3A_968, %slice3A_970 : vector<8x1024xf32>
    %min3A_975 = arith.minimumf %min3A_971, %min3A_973 : vector<8x1024xf32>
    %max3A_976 = arith.maximumf %min3A_971, %min3A_973 : vector<8x1024xf32>
    %min3A_977 = arith.minimumf %max3A_972, %max3A_974 : vector<8x1024xf32>
    %max3A_978 = arith.maximumf %max3A_972, %max3A_974 : vector<8x1024xf32>
    %min3A_979 = arith.minimumf %max3A_976, %min3A_977 : vector<8x1024xf32>
    %max3A_980 = arith.maximumf %max3A_976, %min3A_977 : vector<8x1024xf32>
    %min3A_981 = arith.minimumf %min3A_975, %min3A_953 : vector<8x1024xf32>
    %max3A_982 = arith.maximumf %min3A_975, %min3A_953 : vector<8x1024xf32>
    %min3A_983 = arith.minimumf %max3A_982, %max3A_966 : vector<8x1024xf32>
    %min3A_984 = arith.minimumf %max3A_964, %max3A_980 : vector<8x1024xf32>
    %min3A_985 = arith.minimumf %min3A_984, %min3A_983 : vector<8x1024xf32>
    %max3A_986 = arith.maximumf %min3A_984, %min3A_983 : vector<8x1024xf32>
    %min3A_987 = arith.minimumf %min3A_963, %min3A_979 : vector<8x1024xf32>
    %max3A_988 = arith.maximumf %min3A_963, %min3A_979 : vector<8x1024xf32>
    %min3A_989 = arith.minimumf %min3A_965, %max3A_978 : vector<8x1024xf32>
    %min3A_990 = arith.minimumf %min3A_989, %max3A_988 : vector<8x1024xf32>
    %min3A_991 = arith.minimumf %min3A_987, %min3A_985 : vector<8x1024xf32>
    %max3A_992 = arith.maximumf %min3A_987, %min3A_985 : vector<8x1024xf32>
    %min3A_993 = arith.minimumf %min3A_990, %max3A_986 : vector<8x1024xf32>
    %max3A_994 = arith.maximumf %min3A_990, %max3A_986 : vector<8x1024xf32>
    %slice3A_995 = vector.extract_strided_slice %bitcast_convert_type3A_33 {offsets = [1088, 0], sizes = [8, 1024], strides = [1, 1]} : vector<2000x1024xf32> to vector<8x1024xf32>
    %slice3A_996 = vector.extract_strided_slice %bitcast_convert_type3A_33 {offsets = [1096, 0], sizes = [8, 1024], strides = [1, 1]} : vector<2000x1024xf32> to vector<8x1024xf32>
    %slice3A_997 = vector.extract_strided_slice %bitcast_convert_type3A_33 {offsets = [1104, 0], sizes = [8, 1024], strides = [1, 1]} : vector<2000x1024xf32> to vector<8x1024xf32>
    %slice3A_998 = vector.extract_strided_slice %bitcast_convert_type3A_33 {offsets = [1112, 0], sizes = [8, 1024], strides = [1, 1]} : vector<2000x1024xf32> to vector<8x1024xf32>
    %min3A_999 = arith.minimumf %slice3A_995, %slice3A_997 : vector<8x1024xf32>
    %max3A_1000 = arith.maximumf %slice3A_995, %slice3A_997 : vector<8x1024xf32>
    %min3A_1001 = arith.minimumf %slice3A_996, %slice3A_998 : vector<8x1024xf32>
    %max3A_1002 = arith.maximumf %slice3A_996, %slice3A_998 : vector<8x1024xf32>
    %min3A_1003 = arith.minimumf %min3A_999, %min3A_1001 : vector<8x1024xf32>
    %max3A_1004 = arith.maximumf %min3A_999, %min3A_1001 : vector<8x1024xf32>
    %min3A_1005 = arith.minimumf %max3A_1000, %max3A_1002 : vector<8x1024xf32>
    %max3A_1006 = arith.maximumf %max3A_1000, %max3A_1002 : vector<8x1024xf32>
    %min3A_1007 = arith.minimumf %max3A_1004, %min3A_1005 : vector<8x1024xf32>
    %max3A_1008 = arith.maximumf %max3A_1004, %min3A_1005 : vector<8x1024xf32>
    %min3A_1009 = arith.minimumf %min3A_1003, %min3A_981 : vector<8x1024xf32>
    %max3A_1010 = arith.maximumf %min3A_1003, %min3A_981 : vector<8x1024xf32>
    %min3A_1011 = arith.minimumf %max3A_1010, %max3A_994 : vector<8x1024xf32>
    %min3A_1012 = arith.minimumf %max3A_992, %max3A_1008 : vector<8x1024xf32>
    %min3A_1013 = arith.minimumf %min3A_1012, %min3A_1011 : vector<8x1024xf32>
    %max3A_1014 = arith.maximumf %min3A_1012, %min3A_1011 : vector<8x1024xf32>
    %min3A_1015 = arith.minimumf %min3A_991, %min3A_1007 : vector<8x1024xf32>
    %max3A_1016 = arith.maximumf %min3A_991, %min3A_1007 : vector<8x1024xf32>
    %min3A_1017 = arith.minimumf %min3A_993, %max3A_1006 : vector<8x1024xf32>
    %min3A_1018 = arith.minimumf %min3A_1017, %max3A_1016 : vector<8x1024xf32>
    %min3A_1019 = arith.minimumf %min3A_1015, %min3A_1013 : vector<8x1024xf32>
    %max3A_1020 = arith.maximumf %min3A_1015, %min3A_1013 : vector<8x1024xf32>
    %min3A_1021 = arith.minimumf %min3A_1018, %max3A_1014 : vector<8x1024xf32>
    %max3A_1022 = arith.maximumf %min3A_1018, %max3A_1014 : vector<8x1024xf32>
    %slice3A_1023 = vector.extract_strided_slice %bitcast_convert_type3A_33 {offsets = [1120, 0], sizes = [8, 1024], strides = [1, 1]} : vector<2000x1024xf32> to vector<8x1024xf32>
    %slice3A_1024 = vector.extract_strided_slice %bitcast_convert_type3A_33 {offsets = [1128, 0], sizes = [8, 1024], strides = [1, 1]} : vector<2000x1024xf32> to vector<8x1024xf32>
    %slice3A_1025 = vector.extract_strided_slice %bitcast_convert_type3A_33 {offsets = [1136, 0], sizes = [8, 1024], strides = [1, 1]} : vector<2000x1024xf32> to vector<8x1024xf32>
    %slice3A_1026 = vector.extract_strided_slice %bitcast_convert_type3A_33 {offsets = [1144, 0], sizes = [8, 1024], strides = [1, 1]} : vector<2000x1024xf32> to vector<8x1024xf32>
    %min3A_1027 = arith.minimumf %slice3A_1023, %slice3A_1025 : vector<8x1024xf32>
    %max3A_1028 = arith.maximumf %slice3A_1023, %slice3A_1025 : vector<8x1024xf32>
    %min3A_1029 = arith.minimumf %slice3A_1024, %slice3A_1026 : vector<8x1024xf32>
    %max3A_1030 = arith.maximumf %slice3A_1024, %slice3A_1026 : vector<8x1024xf32>
    %min3A_1031 = arith.minimumf %min3A_1027, %min3A_1029 : vector<8x1024xf32>
    %max3A_1032 = arith.maximumf %min3A_1027, %min3A_1029 : vector<8x1024xf32>
    %min3A_1033 = arith.minimumf %max3A_1028, %max3A_1030 : vector<8x1024xf32>
    %max3A_1034 = arith.maximumf %max3A_1028, %max3A_1030 : vector<8x1024xf32>
    %min3A_1035 = arith.minimumf %max3A_1032, %min3A_1033 : vector<8x1024xf32>
    %max3A_1036 = arith.maximumf %max3A_1032, %min3A_1033 : vector<8x1024xf32>
    %min3A_1037 = arith.minimumf %min3A_1031, %min3A_1009 : vector<8x1024xf32>
    %max3A_1038 = arith.maximumf %min3A_1031, %min3A_1009 : vector<8x1024xf32>
    %min3A_1039 = arith.minimumf %max3A_1038, %max3A_1022 : vector<8x1024xf32>
    %min3A_1040 = arith.minimumf %max3A_1020, %max3A_1036 : vector<8x1024xf32>
    %min3A_1041 = arith.minimumf %min3A_1040, %min3A_1039 : vector<8x1024xf32>
    %max3A_1042 = arith.maximumf %min3A_1040, %min3A_1039 : vector<8x1024xf32>
    %min3A_1043 = arith.minimumf %min3A_1019, %min3A_1035 : vector<8x1024xf32>
    %max3A_1044 = arith.maximumf %min3A_1019, %min3A_1035 : vector<8x1024xf32>
    %min3A_1045 = arith.minimumf %min3A_1021, %max3A_1034 : vector<8x1024xf32>
    %min3A_1046 = arith.minimumf %min3A_1045, %max3A_1044 : vector<8x1024xf32>
    %min3A_1047 = arith.minimumf %min3A_1043, %min3A_1041 : vector<8x1024xf32>
    %max3A_1048 = arith.maximumf %min3A_1043, %min3A_1041 : vector<8x1024xf32>
    %min3A_1049 = arith.minimumf %min3A_1046, %max3A_1042 : vector<8x1024xf32>
    %max3A_1050 = arith.maximumf %min3A_1046, %max3A_1042 : vector<8x1024xf32>
    %slice3A_1051 = vector.extract_strided_slice %bitcast_convert_type3A_33 {offsets = [1152, 0], sizes = [8, 1024], strides = [1, 1]} : vector<2000x1024xf32> to vector<8x1024xf32>
    %slice3A_1052 = vector.extract_strided_slice %bitcast_convert_type3A_33 {offsets = [1160, 0], sizes = [8, 1024], strides = [1, 1]} : vector<2000x1024xf32> to vector<8x1024xf32>
    %slice3A_1053 = vector.extract_strided_slice %bitcast_convert_type3A_33 {offsets = [1168, 0], sizes = [8, 1024], strides = [1, 1]} : vector<2000x1024xf32> to vector<8x1024xf32>
    %slice3A_1054 = vector.extract_strided_slice %bitcast_convert_type3A_33 {offsets = [1176, 0], sizes = [8, 1024], strides = [1, 1]} : vector<2000x1024xf32> to vector<8x1024xf32>
    %min3A_1055 = arith.minimumf %slice3A_1051, %slice3A_1053 : vector<8x1024xf32>
    %max3A_1056 = arith.maximumf %slice3A_1051, %slice3A_1053 : vector<8x1024xf32>
    %min3A_1057 = arith.minimumf %slice3A_1052, %slice3A_1054 : vector<8x1024xf32>
    %max3A_1058 = arith.maximumf %slice3A_1052, %slice3A_1054 : vector<8x1024xf32>
    %min3A_1059 = arith.minimumf %min3A_1055, %min3A_1057 : vector<8x1024xf32>
    %max3A_1060 = arith.maximumf %min3A_1055, %min3A_1057 : vector<8x1024xf32>
    %min3A_1061 = arith.minimumf %max3A_1056, %max3A_1058 : vector<8x1024xf32>
    %max3A_1062 = arith.maximumf %max3A_1056, %max3A_1058 : vector<8x1024xf32>
    %min3A_1063 = arith.minimumf %max3A_1060, %min3A_1061 : vector<8x1024xf32>
    %max3A_1064 = arith.maximumf %max3A_1060, %min3A_1061 : vector<8x1024xf32>
    %min3A_1065 = arith.minimumf %min3A_1059, %min3A_1037 : vector<8x1024xf32>
    %max3A_1066 = arith.maximumf %min3A_1059, %min3A_1037 : vector<8x1024xf32>
    %min3A_1067 = arith.minimumf %max3A_1066, %max3A_1050 : vector<8x1024xf32>
    %min3A_1068 = arith.minimumf %max3A_1048, %max3A_1064 : vector<8x1024xf32>
    %min3A_1069 = arith.minimumf %min3A_1068, %min3A_1067 : vector<8x1024xf32>
    %max3A_1070 = arith.maximumf %min3A_1068, %min3A_1067 : vector<8x1024xf32>
    %min3A_1071 = arith.minimumf %min3A_1047, %min3A_1063 : vector<8x1024xf32>
    %max3A_1072 = arith.maximumf %min3A_1047, %min3A_1063 : vector<8x1024xf32>
    %min3A_1073 = arith.minimumf %min3A_1049, %max3A_1062 : vector<8x1024xf32>
    %min3A_1074 = arith.minimumf %min3A_1073, %max3A_1072 : vector<8x1024xf32>
    %min3A_1075 = arith.minimumf %min3A_1071, %min3A_1069 : vector<8x1024xf32>
    %max3A_1076 = arith.maximumf %min3A_1071, %min3A_1069 : vector<8x1024xf32>
    %min3A_1077 = arith.minimumf %min3A_1074, %max3A_1070 : vector<8x1024xf32>
    %max3A_1078 = arith.maximumf %min3A_1074, %max3A_1070 : vector<8x1024xf32>
    %slice3A_1079 = vector.extract_strided_slice %bitcast_convert_type3A_33 {offsets = [1184, 0], sizes = [8, 1024], strides = [1, 1]} : vector<2000x1024xf32> to vector<8x1024xf32>
    %slice3A_1080 = vector.extract_strided_slice %bitcast_convert_type3A_33 {offsets = [1192, 0], sizes = [8, 1024], strides = [1, 1]} : vector<2000x1024xf32> to vector<8x1024xf32>
    %slice3A_1081 = vector.extract_strided_slice %bitcast_convert_type3A_33 {offsets = [1200, 0], sizes = [8, 1024], strides = [1, 1]} : vector<2000x1024xf32> to vector<8x1024xf32>
    %slice3A_1082 = vector.extract_strided_slice %bitcast_convert_type3A_33 {offsets = [1208, 0], sizes = [8, 1024], strides = [1, 1]} : vector<2000x1024xf32> to vector<8x1024xf32>
    %min3A_1083 = arith.minimumf %slice3A_1079, %slice3A_1081 : vector<8x1024xf32>
    %max3A_1084 = arith.maximumf %slice3A_1079, %slice3A_1081 : vector<8x1024xf32>
    %min3A_1085 = arith.minimumf %slice3A_1080, %slice3A_1082 : vector<8x1024xf32>
    %max3A_1086 = arith.maximumf %slice3A_1080, %slice3A_1082 : vector<8x1024xf32>
    %min3A_1087 = arith.minimumf %min3A_1083, %min3A_1085 : vector<8x1024xf32>
    %max3A_1088 = arith.maximumf %min3A_1083, %min3A_1085 : vector<8x1024xf32>
    %min3A_1089 = arith.minimumf %max3A_1084, %max3A_1086 : vector<8x1024xf32>
    %max3A_1090 = arith.maximumf %max3A_1084, %max3A_1086 : vector<8x1024xf32>
    %min3A_1091 = arith.minimumf %max3A_1088, %min3A_1089 : vector<8x1024xf32>
    %max3A_1092 = arith.maximumf %max3A_1088, %min3A_1089 : vector<8x1024xf32>
    %min3A_1093 = arith.minimumf %min3A_1087, %min3A_1065 : vector<8x1024xf32>
    %max3A_1094 = arith.maximumf %min3A_1087, %min3A_1065 : vector<8x1024xf32>
    %min3A_1095 = arith.minimumf %max3A_1094, %max3A_1078 : vector<8x1024xf32>
    %min3A_1096 = arith.minimumf %max3A_1076, %max3A_1092 : vector<8x1024xf32>
    %min3A_1097 = arith.minimumf %min3A_1096, %min3A_1095 : vector<8x1024xf32>
    %max3A_1098 = arith.maximumf %min3A_1096, %min3A_1095 : vector<8x1024xf32>
    %min3A_1099 = arith.minimumf %min3A_1075, %min3A_1091 : vector<8x1024xf32>
    %max3A_1100 = arith.maximumf %min3A_1075, %min3A_1091 : vector<8x1024xf32>
    %min3A_1101 = arith.minimumf %min3A_1077, %max3A_1090 : vector<8x1024xf32>
    %min3A_1102 = arith.minimumf %min3A_1101, %max3A_1100 : vector<8x1024xf32>
    %min3A_1103 = arith.minimumf %min3A_1099, %min3A_1097 : vector<8x1024xf32>
    %max3A_1104 = arith.maximumf %min3A_1099, %min3A_1097 : vector<8x1024xf32>
    %min3A_1105 = arith.minimumf %min3A_1102, %max3A_1098 : vector<8x1024xf32>
    %max3A_1106 = arith.maximumf %min3A_1102, %max3A_1098 : vector<8x1024xf32>
    %slice3A_1107 = vector.extract_strided_slice %bitcast_convert_type3A_33 {offsets = [1216, 0], sizes = [8, 1024], strides = [1, 1]} : vector<2000x1024xf32> to vector<8x1024xf32>
    %slice3A_1108 = vector.extract_strided_slice %bitcast_convert_type3A_33 {offsets = [1224, 0], sizes = [8, 1024], strides = [1, 1]} : vector<2000x1024xf32> to vector<8x1024xf32>
    %slice3A_1109 = vector.extract_strided_slice %bitcast_convert_type3A_33 {offsets = [1232, 0], sizes = [8, 1024], strides = [1, 1]} : vector<2000x1024xf32> to vector<8x1024xf32>
    %slice3A_1110 = vector.extract_strided_slice %bitcast_convert_type3A_33 {offsets = [1240, 0], sizes = [8, 1024], strides = [1, 1]} : vector<2000x1024xf32> to vector<8x1024xf32>
    %min3A_1111 = arith.minimumf %slice3A_1107, %slice3A_1109 : vector<8x1024xf32>
    %max3A_1112 = arith.maximumf %slice3A_1107, %slice3A_1109 : vector<8x1024xf32>
    %min3A_1113 = arith.minimumf %slice3A_1108, %slice3A_1110 : vector<8x1024xf32>
    %max3A_1114 = arith.maximumf %slice3A_1108, %slice3A_1110 : vector<8x1024xf32>
    %min3A_1115 = arith.minimumf %min3A_1111, %min3A_1113 : vector<8x1024xf32>
    %max3A_1116 = arith.maximumf %min3A_1111, %min3A_1113 : vector<8x1024xf32>
    %min3A_1117 = arith.minimumf %max3A_1112, %max3A_1114 : vector<8x1024xf32>
    %max3A_1118 = arith.maximumf %max3A_1112, %max3A_1114 : vector<8x1024xf32>
    %min3A_1119 = arith.minimumf %max3A_1116, %min3A_1117 : vector<8x1024xf32>
    %max3A_1120 = arith.maximumf %max3A_1116, %min3A_1117 : vector<8x1024xf32>
    %min3A_1121 = arith.minimumf %min3A_1115, %min3A_1093 : vector<8x1024xf32>
    %max3A_1122 = arith.maximumf %min3A_1115, %min3A_1093 : vector<8x1024xf32>
    %min3A_1123 = arith.minimumf %max3A_1122, %max3A_1106 : vector<8x1024xf32>
    %min3A_1124 = arith.minimumf %max3A_1104, %max3A_1120 : vector<8x1024xf32>
    %min3A_1125 = arith.minimumf %min3A_1124, %min3A_1123 : vector<8x1024xf32>
    %max3A_1126 = arith.maximumf %min3A_1124, %min3A_1123 : vector<8x1024xf32>
    %min3A_1127 = arith.minimumf %min3A_1103, %min3A_1119 : vector<8x1024xf32>
    %max3A_1128 = arith.maximumf %min3A_1103, %min3A_1119 : vector<8x1024xf32>
    %min3A_1129 = arith.minimumf %min3A_1105, %max3A_1118 : vector<8x1024xf32>
    %min3A_1130 = arith.minimumf %min3A_1129, %max3A_1128 : vector<8x1024xf32>
    %min3A_1131 = arith.minimumf %min3A_1127, %min3A_1125 : vector<8x1024xf32>
    %max3A_1132 = arith.maximumf %min3A_1127, %min3A_1125 : vector<8x1024xf32>
    %min3A_1133 = arith.minimumf %min3A_1130, %max3A_1126 : vector<8x1024xf32>
    %max3A_1134 = arith.maximumf %min3A_1130, %max3A_1126 : vector<8x1024xf32>
    %slice3A_1135 = vector.extract_strided_slice %bitcast_convert_type3A_33 {offsets = [1248, 0], sizes = [8, 1024], strides = [1, 1]} : vector<2000x1024xf32> to vector<8x1024xf32>
    %slice3A_1136 = vector.extract_strided_slice %bitcast_convert_type3A_33 {offsets = [1256, 0], sizes = [8, 1024], strides = [1, 1]} : vector<2000x1024xf32> to vector<8x1024xf32>
    %slice3A_1137 = vector.extract_strided_slice %bitcast_convert_type3A_33 {offsets = [1264, 0], sizes = [8, 1024], strides = [1, 1]} : vector<2000x1024xf32> to vector<8x1024xf32>
    %slice3A_1138 = vector.extract_strided_slice %bitcast_convert_type3A_33 {offsets = [1272, 0], sizes = [8, 1024], strides = [1, 1]} : vector<2000x1024xf32> to vector<8x1024xf32>
    %min3A_1139 = arith.minimumf %slice3A_1135, %slice3A_1137 : vector<8x1024xf32>
    %max3A_1140 = arith.maximumf %slice3A_1135, %slice3A_1137 : vector<8x1024xf32>
    %min3A_1141 = arith.minimumf %slice3A_1136, %slice3A_1138 : vector<8x1024xf32>
    %max3A_1142 = arith.maximumf %slice3A_1136, %slice3A_1138 : vector<8x1024xf32>
    %min3A_1143 = arith.minimumf %min3A_1139, %min3A_1141 : vector<8x1024xf32>
    %max3A_1144 = arith.maximumf %min3A_1139, %min3A_1141 : vector<8x1024xf32>
    %min3A_1145 = arith.minimumf %max3A_1140, %max3A_1142 : vector<8x1024xf32>
    %max3A_1146 = arith.maximumf %max3A_1140, %max3A_1142 : vector<8x1024xf32>
    %min3A_1147 = arith.minimumf %max3A_1144, %min3A_1145 : vector<8x1024xf32>
    %max3A_1148 = arith.maximumf %max3A_1144, %min3A_1145 : vector<8x1024xf32>
    %min3A_1149 = arith.minimumf %min3A_1143, %min3A_1121 : vector<8x1024xf32>
    %max3A_1150 = arith.maximumf %min3A_1143, %min3A_1121 : vector<8x1024xf32>
    %min3A_1151 = arith.minimumf %max3A_1150, %max3A_1134 : vector<8x1024xf32>
    %min3A_1152 = arith.minimumf %max3A_1132, %max3A_1148 : vector<8x1024xf32>
    %min3A_1153 = arith.minimumf %min3A_1152, %min3A_1151 : vector<8x1024xf32>
    %max3A_1154 = arith.maximumf %min3A_1152, %min3A_1151 : vector<8x1024xf32>
    %min3A_1155 = arith.minimumf %min3A_1131, %min3A_1147 : vector<8x1024xf32>
    %max3A_1156 = arith.maximumf %min3A_1131, %min3A_1147 : vector<8x1024xf32>
    %min3A_1157 = arith.minimumf %min3A_1133, %max3A_1146 : vector<8x1024xf32>
    %min3A_1158 = arith.minimumf %min3A_1157, %max3A_1156 : vector<8x1024xf32>
    %min3A_1159 = arith.minimumf %min3A_1155, %min3A_1153 : vector<8x1024xf32>
    %max3A_1160 = arith.maximumf %min3A_1155, %min3A_1153 : vector<8x1024xf32>
    %min3A_1161 = arith.minimumf %min3A_1158, %max3A_1154 : vector<8x1024xf32>
    %max3A_1162 = arith.maximumf %min3A_1158, %max3A_1154 : vector<8x1024xf32>
    %slice3A_1163 = vector.extract_strided_slice %bitcast_convert_type3A_33 {offsets = [1280, 0], sizes = [8, 1024], strides = [1, 1]} : vector<2000x1024xf32> to vector<8x1024xf32>
    %slice3A_1164 = vector.extract_strided_slice %bitcast_convert_type3A_33 {offsets = [1288, 0], sizes = [8, 1024], strides = [1, 1]} : vector<2000x1024xf32> to vector<8x1024xf32>
    %slice3A_1165 = vector.extract_strided_slice %bitcast_convert_type3A_33 {offsets = [1296, 0], sizes = [8, 1024], strides = [1, 1]} : vector<2000x1024xf32> to vector<8x1024xf32>
    %slice3A_1166 = vector.extract_strided_slice %bitcast_convert_type3A_33 {offsets = [1304, 0], sizes = [8, 1024], strides = [1, 1]} : vector<2000x1024xf32> to vector<8x1024xf32>
    %min3A_1167 = arith.minimumf %slice3A_1163, %slice3A_1165 : vector<8x1024xf32>
    %max3A_1168 = arith.maximumf %slice3A_1163, %slice3A_1165 : vector<8x1024xf32>
    %min3A_1169 = arith.minimumf %slice3A_1164, %slice3A_1166 : vector<8x1024xf32>
    %max3A_1170 = arith.maximumf %slice3A_1164, %slice3A_1166 : vector<8x1024xf32>
    %min3A_1171 = arith.minimumf %min3A_1167, %min3A_1169 : vector<8x1024xf32>
    %max3A_1172 = arith.maximumf %min3A_1167, %min3A_1169 : vector<8x1024xf32>
    %min3A_1173 = arith.minimumf %max3A_1168, %max3A_1170 : vector<8x1024xf32>
    %max3A_1174 = arith.maximumf %max3A_1168, %max3A_1170 : vector<8x1024xf32>
    %min3A_1175 = arith.minimumf %max3A_1172, %min3A_1173 : vector<8x1024xf32>
    %max3A_1176 = arith.maximumf %max3A_1172, %min3A_1173 : vector<8x1024xf32>
    %min3A_1177 = arith.minimumf %min3A_1171, %min3A_1149 : vector<8x1024xf32>
    %max3A_1178 = arith.maximumf %min3A_1171, %min3A_1149 : vector<8x1024xf32>
    %min3A_1179 = arith.minimumf %max3A_1178, %max3A_1162 : vector<8x1024xf32>
    %min3A_1180 = arith.minimumf %max3A_1160, %max3A_1176 : vector<8x1024xf32>
    %min3A_1181 = arith.minimumf %min3A_1180, %min3A_1179 : vector<8x1024xf32>
    %max3A_1182 = arith.maximumf %min3A_1180, %min3A_1179 : vector<8x1024xf32>
    %min3A_1183 = arith.minimumf %min3A_1159, %min3A_1175 : vector<8x1024xf32>
    %max3A_1184 = arith.maximumf %min3A_1159, %min3A_1175 : vector<8x1024xf32>
    %min3A_1185 = arith.minimumf %min3A_1161, %max3A_1174 : vector<8x1024xf32>
    %min3A_1186 = arith.minimumf %min3A_1185, %max3A_1184 : vector<8x1024xf32>
    %min3A_1187 = arith.minimumf %min3A_1183, %min3A_1181 : vector<8x1024xf32>
    %max3A_1188 = arith.maximumf %min3A_1183, %min3A_1181 : vector<8x1024xf32>
    %min3A_1189 = arith.minimumf %min3A_1186, %max3A_1182 : vector<8x1024xf32>
    %max3A_1190 = arith.maximumf %min3A_1186, %max3A_1182 : vector<8x1024xf32>
    %slice3A_1191 = vector.extract_strided_slice %bitcast_convert_type3A_33 {offsets = [1312, 0], sizes = [8, 1024], strides = [1, 1]} : vector<2000x1024xf32> to vector<8x1024xf32>
    %slice3A_1192 = vector.extract_strided_slice %bitcast_convert_type3A_33 {offsets = [1320, 0], sizes = [8, 1024], strides = [1, 1]} : vector<2000x1024xf32> to vector<8x1024xf32>
    %slice3A_1193 = vector.extract_strided_slice %bitcast_convert_type3A_33 {offsets = [1328, 0], sizes = [8, 1024], strides = [1, 1]} : vector<2000x1024xf32> to vector<8x1024xf32>
    %slice3A_1194 = vector.extract_strided_slice %bitcast_convert_type3A_33 {offsets = [1336, 0], sizes = [8, 1024], strides = [1, 1]} : vector<2000x1024xf32> to vector<8x1024xf32>
    %min3A_1195 = arith.minimumf %slice3A_1191, %slice3A_1193 : vector<8x1024xf32>
    %max3A_1196 = arith.maximumf %slice3A_1191, %slice3A_1193 : vector<8x1024xf32>
    %min3A_1197 = arith.minimumf %slice3A_1192, %slice3A_1194 : vector<8x1024xf32>
    %max3A_1198 = arith.maximumf %slice3A_1192, %slice3A_1194 : vector<8x1024xf32>
    %min3A_1199 = arith.minimumf %min3A_1195, %min3A_1197 : vector<8x1024xf32>
    %max3A_1200 = arith.maximumf %min3A_1195, %min3A_1197 : vector<8x1024xf32>
    %min3A_1201 = arith.minimumf %max3A_1196, %max3A_1198 : vector<8x1024xf32>
    %max3A_1202 = arith.maximumf %max3A_1196, %max3A_1198 : vector<8x1024xf32>
    %min3A_1203 = arith.minimumf %max3A_1200, %min3A_1201 : vector<8x1024xf32>
    %max3A_1204 = arith.maximumf %max3A_1200, %min3A_1201 : vector<8x1024xf32>
    %min3A_1205 = arith.minimumf %min3A_1199, %min3A_1177 : vector<8x1024xf32>
    %max3A_1206 = arith.maximumf %min3A_1199, %min3A_1177 : vector<8x1024xf32>
    %min3A_1207 = arith.minimumf %max3A_1206, %max3A_1190 : vector<8x1024xf32>
    %min3A_1208 = arith.minimumf %max3A_1188, %max3A_1204 : vector<8x1024xf32>
    %min3A_1209 = arith.minimumf %min3A_1208, %min3A_1207 : vector<8x1024xf32>
    %max3A_1210 = arith.maximumf %min3A_1208, %min3A_1207 : vector<8x1024xf32>
    %min3A_1211 = arith.minimumf %min3A_1187, %min3A_1203 : vector<8x1024xf32>
    %max3A_1212 = arith.maximumf %min3A_1187, %min3A_1203 : vector<8x1024xf32>
    %min3A_1213 = arith.minimumf %min3A_1189, %max3A_1202 : vector<8x1024xf32>
    %min3A_1214 = arith.minimumf %min3A_1213, %max3A_1212 : vector<8x1024xf32>
    %min3A_1215 = arith.minimumf %min3A_1211, %min3A_1209 : vector<8x1024xf32>
    %max3A_1216 = arith.maximumf %min3A_1211, %min3A_1209 : vector<8x1024xf32>
    %min3A_1217 = arith.minimumf %min3A_1214, %max3A_1210 : vector<8x1024xf32>
    %max3A_1218 = arith.maximumf %min3A_1214, %max3A_1210 : vector<8x1024xf32>
    %slice3A_1219 = vector.extract_strided_slice %bitcast_convert_type3A_33 {offsets = [1344, 0], sizes = [8, 1024], strides = [1, 1]} : vector<2000x1024xf32> to vector<8x1024xf32>
    %slice3A_1220 = vector.extract_strided_slice %bitcast_convert_type3A_33 {offsets = [1352, 0], sizes = [8, 1024], strides = [1, 1]} : vector<2000x1024xf32> to vector<8x1024xf32>
    %slice3A_1221 = vector.extract_strided_slice %bitcast_convert_type3A_33 {offsets = [1360, 0], sizes = [8, 1024], strides = [1, 1]} : vector<2000x1024xf32> to vector<8x1024xf32>
    %slice3A_1222 = vector.extract_strided_slice %bitcast_convert_type3A_33 {offsets = [1368, 0], sizes = [8, 1024], strides = [1, 1]} : vector<2000x1024xf32> to vector<8x1024xf32>
    %min3A_1223 = arith.minimumf %slice3A_1219, %slice3A_1221 : vector<8x1024xf32>
    %max3A_1224 = arith.maximumf %slice3A_1219, %slice3A_1221 : vector<8x1024xf32>
    %min3A_1225 = arith.minimumf %slice3A_1220, %slice3A_1222 : vector<8x1024xf32>
    %max3A_1226 = arith.maximumf %slice3A_1220, %slice3A_1222 : vector<8x1024xf32>
    %min3A_1227 = arith.minimumf %min3A_1223, %min3A_1225 : vector<8x1024xf32>
    %max3A_1228 = arith.maximumf %min3A_1223, %min3A_1225 : vector<8x1024xf32>
    %min3A_1229 = arith.minimumf %max3A_1224, %max3A_1226 : vector<8x1024xf32>
    %max3A_1230 = arith.maximumf %max3A_1224, %max3A_1226 : vector<8x1024xf32>
    %min3A_1231 = arith.minimumf %max3A_1228, %min3A_1229 : vector<8x1024xf32>
    %max3A_1232 = arith.maximumf %max3A_1228, %min3A_1229 : vector<8x1024xf32>
    %min3A_1233 = arith.minimumf %min3A_1227, %min3A_1205 : vector<8x1024xf32>
    %max3A_1234 = arith.maximumf %min3A_1227, %min3A_1205 : vector<8x1024xf32>
    %min3A_1235 = arith.minimumf %max3A_1234, %max3A_1218 : vector<8x1024xf32>
    %min3A_1236 = arith.minimumf %max3A_1216, %max3A_1232 : vector<8x1024xf32>
    %min3A_1237 = arith.minimumf %min3A_1236, %min3A_1235 : vector<8x1024xf32>
    %max3A_1238 = arith.maximumf %min3A_1236, %min3A_1235 : vector<8x1024xf32>
    %min3A_1239 = arith.minimumf %min3A_1215, %min3A_1231 : vector<8x1024xf32>
    %max3A_1240 = arith.maximumf %min3A_1215, %min3A_1231 : vector<8x1024xf32>
    %min3A_1241 = arith.minimumf %min3A_1217, %max3A_1230 : vector<8x1024xf32>
    %min3A_1242 = arith.minimumf %min3A_1241, %max3A_1240 : vector<8x1024xf32>
    %min3A_1243 = arith.minimumf %min3A_1239, %min3A_1237 : vector<8x1024xf32>
    %max3A_1244 = arith.maximumf %min3A_1239, %min3A_1237 : vector<8x1024xf32>
    %min3A_1245 = arith.minimumf %min3A_1242, %max3A_1238 : vector<8x1024xf32>
    %max3A_1246 = arith.maximumf %min3A_1242, %max3A_1238 : vector<8x1024xf32>
    %slice3A_1247 = vector.extract_strided_slice %bitcast_convert_type3A_33 {offsets = [1376, 0], sizes = [8, 1024], strides = [1, 1]} : vector<2000x1024xf32> to vector<8x1024xf32>
    %slice3A_1248 = vector.extract_strided_slice %bitcast_convert_type3A_33 {offsets = [1384, 0], sizes = [8, 1024], strides = [1, 1]} : vector<2000x1024xf32> to vector<8x1024xf32>
    %slice3A_1249 = vector.extract_strided_slice %bitcast_convert_type3A_33 {offsets = [1392, 0], sizes = [8, 1024], strides = [1, 1]} : vector<2000x1024xf32> to vector<8x1024xf32>
    %slice3A_1250 = vector.extract_strided_slice %bitcast_convert_type3A_33 {offsets = [1400, 0], sizes = [8, 1024], strides = [1, 1]} : vector<2000x1024xf32> to vector<8x1024xf32>
    %min3A_1251 = arith.minimumf %slice3A_1247, %slice3A_1249 : vector<8x1024xf32>
    %max3A_1252 = arith.maximumf %slice3A_1247, %slice3A_1249 : vector<8x1024xf32>
    %min3A_1253 = arith.minimumf %slice3A_1248, %slice3A_1250 : vector<8x1024xf32>
    %max3A_1254 = arith.maximumf %slice3A_1248, %slice3A_1250 : vector<8x1024xf32>
    %min3A_1255 = arith.minimumf %min3A_1251, %min3A_1253 : vector<8x1024xf32>
    %max3A_1256 = arith.maximumf %min3A_1251, %min3A_1253 : vector<8x1024xf32>
    %min3A_1257 = arith.minimumf %max3A_1252, %max3A_1254 : vector<8x1024xf32>
    %max3A_1258 = arith.maximumf %max3A_1252, %max3A_1254 : vector<8x1024xf32>
    %min3A_1259 = arith.minimumf %max3A_1256, %min3A_1257 : vector<8x1024xf32>
    %max3A_1260 = arith.maximumf %max3A_1256, %min3A_1257 : vector<8x1024xf32>
    %min3A_1261 = arith.minimumf %min3A_1255, %min3A_1233 : vector<8x1024xf32>
    %max3A_1262 = arith.maximumf %min3A_1255, %min3A_1233 : vector<8x1024xf32>
    %min3A_1263 = arith.minimumf %max3A_1262, %max3A_1246 : vector<8x1024xf32>
    %min3A_1264 = arith.minimumf %max3A_1244, %max3A_1260 : vector<8x1024xf32>
    %min3A_1265 = arith.minimumf %min3A_1264, %min3A_1263 : vector<8x1024xf32>
    %max3A_1266 = arith.maximumf %min3A_1264, %min3A_1263 : vector<8x1024xf32>
    %min3A_1267 = arith.minimumf %min3A_1243, %min3A_1259 : vector<8x1024xf32>
    %max3A_1268 = arith.maximumf %min3A_1243, %min3A_1259 : vector<8x1024xf32>
    %min3A_1269 = arith.minimumf %min3A_1245, %max3A_1258 : vector<8x1024xf32>
    %min3A_1270 = arith.minimumf %min3A_1269, %max3A_1268 : vector<8x1024xf32>
    %min3A_1271 = arith.minimumf %min3A_1267, %min3A_1265 : vector<8x1024xf32>
    %max3A_1272 = arith.maximumf %min3A_1267, %min3A_1265 : vector<8x1024xf32>
    %min3A_1273 = arith.minimumf %min3A_1270, %max3A_1266 : vector<8x1024xf32>
    %max3A_1274 = arith.maximumf %min3A_1270, %max3A_1266 : vector<8x1024xf32>
    %slice3A_1275 = vector.extract_strided_slice %bitcast_convert_type3A_33 {offsets = [1408, 0], sizes = [8, 1024], strides = [1, 1]} : vector<2000x1024xf32> to vector<8x1024xf32>
    %slice3A_1276 = vector.extract_strided_slice %bitcast_convert_type3A_33 {offsets = [1416, 0], sizes = [8, 1024], strides = [1, 1]} : vector<2000x1024xf32> to vector<8x1024xf32>
    %slice3A_1277 = vector.extract_strided_slice %bitcast_convert_type3A_33 {offsets = [1424, 0], sizes = [8, 1024], strides = [1, 1]} : vector<2000x1024xf32> to vector<8x1024xf32>
    %slice3A_1278 = vector.extract_strided_slice %bitcast_convert_type3A_33 {offsets = [1432, 0], sizes = [8, 1024], strides = [1, 1]} : vector<2000x1024xf32> to vector<8x1024xf32>
    %min3A_1279 = arith.minimumf %slice3A_1275, %slice3A_1277 : vector<8x1024xf32>
    %max3A_1280 = arith.maximumf %slice3A_1275, %slice3A_1277 : vector<8x1024xf32>
    %min3A_1281 = arith.minimumf %slice3A_1276, %slice3A_1278 : vector<8x1024xf32>
    %max3A_1282 = arith.maximumf %slice3A_1276, %slice3A_1278 : vector<8x1024xf32>
    %min3A_1283 = arith.minimumf %min3A_1279, %min3A_1281 : vector<8x1024xf32>
    %max3A_1284 = arith.maximumf %min3A_1279, %min3A_1281 : vector<8x1024xf32>
    %min3A_1285 = arith.minimumf %max3A_1280, %max3A_1282 : vector<8x1024xf32>
    %max3A_1286 = arith.maximumf %max3A_1280, %max3A_1282 : vector<8x1024xf32>
    %min3A_1287 = arith.minimumf %max3A_1284, %min3A_1285 : vector<8x1024xf32>
    %max3A_1288 = arith.maximumf %max3A_1284, %min3A_1285 : vector<8x1024xf32>
    %min3A_1289 = arith.minimumf %min3A_1283, %min3A_1261 : vector<8x1024xf32>
    %max3A_1290 = arith.maximumf %min3A_1283, %min3A_1261 : vector<8x1024xf32>
    %min3A_1291 = arith.minimumf %max3A_1290, %max3A_1274 : vector<8x1024xf32>
    %min3A_1292 = arith.minimumf %max3A_1272, %max3A_1288 : vector<8x1024xf32>
    %min3A_1293 = arith.minimumf %min3A_1292, %min3A_1291 : vector<8x1024xf32>
    %max3A_1294 = arith.maximumf %min3A_1292, %min3A_1291 : vector<8x1024xf32>
    %min3A_1295 = arith.minimumf %min3A_1271, %min3A_1287 : vector<8x1024xf32>
    %max3A_1296 = arith.maximumf %min3A_1271, %min3A_1287 : vector<8x1024xf32>
    %min3A_1297 = arith.minimumf %min3A_1273, %max3A_1286 : vector<8x1024xf32>
    %min3A_1298 = arith.minimumf %min3A_1297, %max3A_1296 : vector<8x1024xf32>
    %min3A_1299 = arith.minimumf %min3A_1295, %min3A_1293 : vector<8x1024xf32>
    %max3A_1300 = arith.maximumf %min3A_1295, %min3A_1293 : vector<8x1024xf32>
    %min3A_1301 = arith.minimumf %min3A_1298, %max3A_1294 : vector<8x1024xf32>
    %max3A_1302 = arith.maximumf %min3A_1298, %max3A_1294 : vector<8x1024xf32>
    %slice3A_1303 = vector.extract_strided_slice %bitcast_convert_type3A_33 {offsets = [1440, 0], sizes = [8, 1024], strides = [1, 1]} : vector<2000x1024xf32> to vector<8x1024xf32>
    %slice3A_1304 = vector.extract_strided_slice %bitcast_convert_type3A_33 {offsets = [1448, 0], sizes = [8, 1024], strides = [1, 1]} : vector<2000x1024xf32> to vector<8x1024xf32>
    %slice3A_1305 = vector.extract_strided_slice %bitcast_convert_type3A_33 {offsets = [1456, 0], sizes = [8, 1024], strides = [1, 1]} : vector<2000x1024xf32> to vector<8x1024xf32>
    %slice3A_1306 = vector.extract_strided_slice %bitcast_convert_type3A_33 {offsets = [1464, 0], sizes = [8, 1024], strides = [1, 1]} : vector<2000x1024xf32> to vector<8x1024xf32>
    %min3A_1307 = arith.minimumf %slice3A_1303, %slice3A_1305 : vector<8x1024xf32>
    %max3A_1308 = arith.maximumf %slice3A_1303, %slice3A_1305 : vector<8x1024xf32>
    %min3A_1309 = arith.minimumf %slice3A_1304, %slice3A_1306 : vector<8x1024xf32>
    %max3A_1310 = arith.maximumf %slice3A_1304, %slice3A_1306 : vector<8x1024xf32>
    %min3A_1311 = arith.minimumf %min3A_1307, %min3A_1309 : vector<8x1024xf32>
    %max3A_1312 = arith.maximumf %min3A_1307, %min3A_1309 : vector<8x1024xf32>
    %min3A_1313 = arith.minimumf %max3A_1308, %max3A_1310 : vector<8x1024xf32>
    %max3A_1314 = arith.maximumf %max3A_1308, %max3A_1310 : vector<8x1024xf32>
    %min3A_1315 = arith.minimumf %max3A_1312, %min3A_1313 : vector<8x1024xf32>
    %max3A_1316 = arith.maximumf %max3A_1312, %min3A_1313 : vector<8x1024xf32>
    %min3A_1317 = arith.minimumf %min3A_1311, %min3A_1289 : vector<8x1024xf32>
    %max3A_1318 = arith.maximumf %min3A_1311, %min3A_1289 : vector<8x1024xf32>
    %min3A_1319 = arith.minimumf %max3A_1318, %max3A_1302 : vector<8x1024xf32>
    %min3A_1320 = arith.minimumf %max3A_1300, %max3A_1316 : vector<8x1024xf32>
    %min3A_1321 = arith.minimumf %min3A_1320, %min3A_1319 : vector<8x1024xf32>
    %max3A_1322 = arith.maximumf %min3A_1320, %min3A_1319 : vector<8x1024xf32>
    %min3A_1323 = arith.minimumf %min3A_1299, %min3A_1315 : vector<8x1024xf32>
    %max3A_1324 = arith.maximumf %min3A_1299, %min3A_1315 : vector<8x1024xf32>
    %min3A_1325 = arith.minimumf %min3A_1301, %max3A_1314 : vector<8x1024xf32>
    %min3A_1326 = arith.minimumf %min3A_1325, %max3A_1324 : vector<8x1024xf32>
    %min3A_1327 = arith.minimumf %min3A_1323, %min3A_1321 : vector<8x1024xf32>
    %max3A_1328 = arith.maximumf %min3A_1323, %min3A_1321 : vector<8x1024xf32>
    %min3A_1329 = arith.minimumf %min3A_1326, %max3A_1322 : vector<8x1024xf32>
    %max3A_1330 = arith.maximumf %min3A_1326, %max3A_1322 : vector<8x1024xf32>
    %slice3A_1331 = vector.extract_strided_slice %bitcast_convert_type3A_33 {offsets = [1472, 0], sizes = [8, 1024], strides = [1, 1]} : vector<2000x1024xf32> to vector<8x1024xf32>
    %slice3A_1332 = vector.extract_strided_slice %bitcast_convert_type3A_33 {offsets = [1480, 0], sizes = [8, 1024], strides = [1, 1]} : vector<2000x1024xf32> to vector<8x1024xf32>
    %slice3A_1333 = vector.extract_strided_slice %bitcast_convert_type3A_33 {offsets = [1488, 0], sizes = [8, 1024], strides = [1, 1]} : vector<2000x1024xf32> to vector<8x1024xf32>
    %slice3A_1334 = vector.extract_strided_slice %bitcast_convert_type3A_33 {offsets = [1496, 0], sizes = [8, 1024], strides = [1, 1]} : vector<2000x1024xf32> to vector<8x1024xf32>
    %min3A_1335 = arith.minimumf %slice3A_1331, %slice3A_1333 : vector<8x1024xf32>
    %max3A_1336 = arith.maximumf %slice3A_1331, %slice3A_1333 : vector<8x1024xf32>
    %min3A_1337 = arith.minimumf %slice3A_1332, %slice3A_1334 : vector<8x1024xf32>
    %max3A_1338 = arith.maximumf %slice3A_1332, %slice3A_1334 : vector<8x1024xf32>
    %min3A_1339 = arith.minimumf %min3A_1335, %min3A_1337 : vector<8x1024xf32>
    %max3A_1340 = arith.maximumf %min3A_1335, %min3A_1337 : vector<8x1024xf32>
    %min3A_1341 = arith.minimumf %max3A_1336, %max3A_1338 : vector<8x1024xf32>
    %max3A_1342 = arith.maximumf %max3A_1336, %max3A_1338 : vector<8x1024xf32>
    %min3A_1343 = arith.minimumf %max3A_1340, %min3A_1341 : vector<8x1024xf32>
    %max3A_1344 = arith.maximumf %max3A_1340, %min3A_1341 : vector<8x1024xf32>
    %min3A_1345 = arith.minimumf %min3A_1339, %min3A_1317 : vector<8x1024xf32>
    %max3A_1346 = arith.maximumf %min3A_1339, %min3A_1317 : vector<8x1024xf32>
    %min3A_1347 = arith.minimumf %max3A_1346, %max3A_1330 : vector<8x1024xf32>
    %min3A_1348 = arith.minimumf %max3A_1328, %max3A_1344 : vector<8x1024xf32>
    %min3A_1349 = arith.minimumf %min3A_1348, %min3A_1347 : vector<8x1024xf32>
    %max3A_1350 = arith.maximumf %min3A_1348, %min3A_1347 : vector<8x1024xf32>
    %min3A_1351 = arith.minimumf %min3A_1327, %min3A_1343 : vector<8x1024xf32>
    %max3A_1352 = arith.maximumf %min3A_1327, %min3A_1343 : vector<8x1024xf32>
    %min3A_1353 = arith.minimumf %min3A_1329, %max3A_1342 : vector<8x1024xf32>
    %min3A_1354 = arith.minimumf %min3A_1353, %max3A_1352 : vector<8x1024xf32>
    %min3A_1355 = arith.minimumf %min3A_1351, %min3A_1349 : vector<8x1024xf32>
    %max3A_1356 = arith.maximumf %min3A_1351, %min3A_1349 : vector<8x1024xf32>
    %min3A_1357 = arith.minimumf %min3A_1354, %max3A_1350 : vector<8x1024xf32>
    %max3A_1358 = arith.maximumf %min3A_1354, %max3A_1350 : vector<8x1024xf32>
    %slice3A_1359 = vector.extract_strided_slice %bitcast_convert_type3A_33 {offsets = [1504, 0], sizes = [8, 1024], strides = [1, 1]} : vector<2000x1024xf32> to vector<8x1024xf32>
    %slice3A_1360 = vector.extract_strided_slice %bitcast_convert_type3A_33 {offsets = [1512, 0], sizes = [8, 1024], strides = [1, 1]} : vector<2000x1024xf32> to vector<8x1024xf32>
    %slice3A_1361 = vector.extract_strided_slice %bitcast_convert_type3A_33 {offsets = [1520, 0], sizes = [8, 1024], strides = [1, 1]} : vector<2000x1024xf32> to vector<8x1024xf32>
    %slice3A_1362 = vector.extract_strided_slice %bitcast_convert_type3A_33 {offsets = [1528, 0], sizes = [8, 1024], strides = [1, 1]} : vector<2000x1024xf32> to vector<8x1024xf32>
    %min3A_1363 = arith.minimumf %slice3A_1359, %slice3A_1361 : vector<8x1024xf32>
    %max3A_1364 = arith.maximumf %slice3A_1359, %slice3A_1361 : vector<8x1024xf32>
    %min3A_1365 = arith.minimumf %slice3A_1360, %slice3A_1362 : vector<8x1024xf32>
    %max3A_1366 = arith.maximumf %slice3A_1360, %slice3A_1362 : vector<8x1024xf32>
    %min3A_1367 = arith.minimumf %min3A_1363, %min3A_1365 : vector<8x1024xf32>
    %max3A_1368 = arith.maximumf %min3A_1363, %min3A_1365 : vector<8x1024xf32>
    %min3A_1369 = arith.minimumf %max3A_1364, %max3A_1366 : vector<8x1024xf32>
    %max3A_1370 = arith.maximumf %max3A_1364, %max3A_1366 : vector<8x1024xf32>
    %min3A_1371 = arith.minimumf %max3A_1368, %min3A_1369 : vector<8x1024xf32>
    %max3A_1372 = arith.maximumf %max3A_1368, %min3A_1369 : vector<8x1024xf32>
    %min3A_1373 = arith.minimumf %min3A_1367, %min3A_1345 : vector<8x1024xf32>
    %max3A_1374 = arith.maximumf %min3A_1367, %min3A_1345 : vector<8x1024xf32>
    %min3A_1375 = arith.minimumf %max3A_1374, %max3A_1358 : vector<8x1024xf32>
    %min3A_1376 = arith.minimumf %max3A_1356, %max3A_1372 : vector<8x1024xf32>
    %min3A_1377 = arith.minimumf %min3A_1376, %min3A_1375 : vector<8x1024xf32>
    %max3A_1378 = arith.maximumf %min3A_1376, %min3A_1375 : vector<8x1024xf32>
    %min3A_1379 = arith.minimumf %min3A_1355, %min3A_1371 : vector<8x1024xf32>
    %max3A_1380 = arith.maximumf %min3A_1355, %min3A_1371 : vector<8x1024xf32>
    %min3A_1381 = arith.minimumf %min3A_1357, %max3A_1370 : vector<8x1024xf32>
    %min3A_1382 = arith.minimumf %min3A_1381, %max3A_1380 : vector<8x1024xf32>
    %min3A_1383 = arith.minimumf %min3A_1379, %min3A_1377 : vector<8x1024xf32>
    %max3A_1384 = arith.maximumf %min3A_1379, %min3A_1377 : vector<8x1024xf32>
    %min3A_1385 = arith.minimumf %min3A_1382, %max3A_1378 : vector<8x1024xf32>
    %max3A_1386 = arith.maximumf %min3A_1382, %max3A_1378 : vector<8x1024xf32>
    %slice3A_1387 = vector.extract_strided_slice %bitcast_convert_type3A_33 {offsets = [1536, 0], sizes = [8, 1024], strides = [1, 1]} : vector<2000x1024xf32> to vector<8x1024xf32>
    %slice3A_1388 = vector.extract_strided_slice %bitcast_convert_type3A_33 {offsets = [1544, 0], sizes = [8, 1024], strides = [1, 1]} : vector<2000x1024xf32> to vector<8x1024xf32>
    %slice3A_1389 = vector.extract_strided_slice %bitcast_convert_type3A_33 {offsets = [1552, 0], sizes = [8, 1024], strides = [1, 1]} : vector<2000x1024xf32> to vector<8x1024xf32>
    %slice3A_1390 = vector.extract_strided_slice %bitcast_convert_type3A_33 {offsets = [1560, 0], sizes = [8, 1024], strides = [1, 1]} : vector<2000x1024xf32> to vector<8x1024xf32>
    %min3A_1391 = arith.minimumf %slice3A_1387, %slice3A_1389 : vector<8x1024xf32>
    %max3A_1392 = arith.maximumf %slice3A_1387, %slice3A_1389 : vector<8x1024xf32>
    %min3A_1393 = arith.minimumf %slice3A_1388, %slice3A_1390 : vector<8x1024xf32>
    %max3A_1394 = arith.maximumf %slice3A_1388, %slice3A_1390 : vector<8x1024xf32>
    %min3A_1395 = arith.minimumf %min3A_1391, %min3A_1393 : vector<8x1024xf32>
    %max3A_1396 = arith.maximumf %min3A_1391, %min3A_1393 : vector<8x1024xf32>
    %min3A_1397 = arith.minimumf %max3A_1392, %max3A_1394 : vector<8x1024xf32>
    %max3A_1398 = arith.maximumf %max3A_1392, %max3A_1394 : vector<8x1024xf32>
    %min3A_1399 = arith.minimumf %max3A_1396, %min3A_1397 : vector<8x1024xf32>
    %max3A_1400 = arith.maximumf %max3A_1396, %min3A_1397 : vector<8x1024xf32>
    %min3A_1401 = arith.minimumf %min3A_1395, %min3A_1373 : vector<8x1024xf32>
    %max3A_1402 = arith.maximumf %min3A_1395, %min3A_1373 : vector<8x1024xf32>
    %min3A_1403 = arith.minimumf %max3A_1402, %max3A_1386 : vector<8x1024xf32>
    %min3A_1404 = arith.minimumf %max3A_1384, %max3A_1400 : vector<8x1024xf32>
    %min3A_1405 = arith.minimumf %min3A_1404, %min3A_1403 : vector<8x1024xf32>
    %max3A_1406 = arith.maximumf %min3A_1404, %min3A_1403 : vector<8x1024xf32>
    %min3A_1407 = arith.minimumf %min3A_1383, %min3A_1399 : vector<8x1024xf32>
    %max3A_1408 = arith.maximumf %min3A_1383, %min3A_1399 : vector<8x1024xf32>
    %min3A_1409 = arith.minimumf %min3A_1385, %max3A_1398 : vector<8x1024xf32>
    %min3A_1410 = arith.minimumf %min3A_1409, %max3A_1408 : vector<8x1024xf32>
    %min3A_1411 = arith.minimumf %min3A_1407, %min3A_1405 : vector<8x1024xf32>
    %max3A_1412 = arith.maximumf %min3A_1407, %min3A_1405 : vector<8x1024xf32>
    %min3A_1413 = arith.minimumf %min3A_1410, %max3A_1406 : vector<8x1024xf32>
    %max3A_1414 = arith.maximumf %min3A_1410, %max3A_1406 : vector<8x1024xf32>
    %slice3A_1415 = vector.extract_strided_slice %bitcast_convert_type3A_33 {offsets = [1568, 0], sizes = [8, 1024], strides = [1, 1]} : vector<2000x1024xf32> to vector<8x1024xf32>
    %slice3A_1416 = vector.extract_strided_slice %bitcast_convert_type3A_33 {offsets = [1576, 0], sizes = [8, 1024], strides = [1, 1]} : vector<2000x1024xf32> to vector<8x1024xf32>
    %slice3A_1417 = vector.extract_strided_slice %bitcast_convert_type3A_33 {offsets = [1584, 0], sizes = [8, 1024], strides = [1, 1]} : vector<2000x1024xf32> to vector<8x1024xf32>
    %slice3A_1418 = vector.extract_strided_slice %bitcast_convert_type3A_33 {offsets = [1592, 0], sizes = [8, 1024], strides = [1, 1]} : vector<2000x1024xf32> to vector<8x1024xf32>
    %min3A_1419 = arith.minimumf %slice3A_1415, %slice3A_1417 : vector<8x1024xf32>
    %max3A_1420 = arith.maximumf %slice3A_1415, %slice3A_1417 : vector<8x1024xf32>
    %min3A_1421 = arith.minimumf %slice3A_1416, %slice3A_1418 : vector<8x1024xf32>
    %max3A_1422 = arith.maximumf %slice3A_1416, %slice3A_1418 : vector<8x1024xf32>
    %min3A_1423 = arith.minimumf %min3A_1419, %min3A_1421 : vector<8x1024xf32>
    %max3A_1424 = arith.maximumf %min3A_1419, %min3A_1421 : vector<8x1024xf32>
    %min3A_1425 = arith.minimumf %max3A_1420, %max3A_1422 : vector<8x1024xf32>
    %max3A_1426 = arith.maximumf %max3A_1420, %max3A_1422 : vector<8x1024xf32>
    %min3A_1427 = arith.minimumf %max3A_1424, %min3A_1425 : vector<8x1024xf32>
    %max3A_1428 = arith.maximumf %max3A_1424, %min3A_1425 : vector<8x1024xf32>
    %min3A_1429 = arith.minimumf %min3A_1423, %min3A_1401 : vector<8x1024xf32>
    %max3A_1430 = arith.maximumf %min3A_1423, %min3A_1401 : vector<8x1024xf32>
    %min3A_1431 = arith.minimumf %max3A_1430, %max3A_1414 : vector<8x1024xf32>
    %min3A_1432 = arith.minimumf %max3A_1412, %max3A_1428 : vector<8x1024xf32>
    %min3A_1433 = arith.minimumf %min3A_1432, %min3A_1431 : vector<8x1024xf32>
    %max3A_1434 = arith.maximumf %min3A_1432, %min3A_1431 : vector<8x1024xf32>
    %min3A_1435 = arith.minimumf %min3A_1411, %min3A_1427 : vector<8x1024xf32>
    %max3A_1436 = arith.maximumf %min3A_1411, %min3A_1427 : vector<8x1024xf32>
    %min3A_1437 = arith.minimumf %min3A_1413, %max3A_1426 : vector<8x1024xf32>
    %min3A_1438 = arith.minimumf %min3A_1437, %max3A_1436 : vector<8x1024xf32>
    %min3A_1439 = arith.minimumf %min3A_1435, %min3A_1433 : vector<8x1024xf32>
    %max3A_1440 = arith.maximumf %min3A_1435, %min3A_1433 : vector<8x1024xf32>
    %min3A_1441 = arith.minimumf %min3A_1438, %max3A_1434 : vector<8x1024xf32>
    %max3A_1442 = arith.maximumf %min3A_1438, %max3A_1434 : vector<8x1024xf32>
    %slice3A_1443 = vector.extract_strided_slice %bitcast_convert_type3A_33 {offsets = [1600, 0], sizes = [8, 1024], strides = [1, 1]} : vector<2000x1024xf32> to vector<8x1024xf32>
    %slice3A_1444 = vector.extract_strided_slice %bitcast_convert_type3A_33 {offsets = [1608, 0], sizes = [8, 1024], strides = [1, 1]} : vector<2000x1024xf32> to vector<8x1024xf32>
    %slice3A_1445 = vector.extract_strided_slice %bitcast_convert_type3A_33 {offsets = [1616, 0], sizes = [8, 1024], strides = [1, 1]} : vector<2000x1024xf32> to vector<8x1024xf32>
    %slice3A_1446 = vector.extract_strided_slice %bitcast_convert_type3A_33 {offsets = [1624, 0], sizes = [8, 1024], strides = [1, 1]} : vector<2000x1024xf32> to vector<8x1024xf32>
    %min3A_1447 = arith.minimumf %slice3A_1443, %slice3A_1445 : vector<8x1024xf32>
    %max3A_1448 = arith.maximumf %slice3A_1443, %slice3A_1445 : vector<8x1024xf32>
    %min3A_1449 = arith.minimumf %slice3A_1444, %slice3A_1446 : vector<8x1024xf32>
    %max3A_1450 = arith.maximumf %slice3A_1444, %slice3A_1446 : vector<8x1024xf32>
    %min3A_1451 = arith.minimumf %min3A_1447, %min3A_1449 : vector<8x1024xf32>
    %max3A_1452 = arith.maximumf %min3A_1447, %min3A_1449 : vector<8x1024xf32>
    %min3A_1453 = arith.minimumf %max3A_1448, %max3A_1450 : vector<8x1024xf32>
    %max3A_1454 = arith.maximumf %max3A_1448, %max3A_1450 : vector<8x1024xf32>
    %min3A_1455 = arith.minimumf %max3A_1452, %min3A_1453 : vector<8x1024xf32>
    %max3A_1456 = arith.maximumf %max3A_1452, %min3A_1453 : vector<8x1024xf32>
    %min3A_1457 = arith.minimumf %min3A_1451, %min3A_1429 : vector<8x1024xf32>
    %max3A_1458 = arith.maximumf %min3A_1451, %min3A_1429 : vector<8x1024xf32>
    %min3A_1459 = arith.minimumf %max3A_1458, %max3A_1442 : vector<8x1024xf32>
    %min3A_1460 = arith.minimumf %max3A_1440, %max3A_1456 : vector<8x1024xf32>
    %min3A_1461 = arith.minimumf %min3A_1460, %min3A_1459 : vector<8x1024xf32>
    %max3A_1462 = arith.maximumf %min3A_1460, %min3A_1459 : vector<8x1024xf32>
    %min3A_1463 = arith.minimumf %min3A_1439, %min3A_1455 : vector<8x1024xf32>
    %max3A_1464 = arith.maximumf %min3A_1439, %min3A_1455 : vector<8x1024xf32>
    %min3A_1465 = arith.minimumf %min3A_1441, %max3A_1454 : vector<8x1024xf32>
    %min3A_1466 = arith.minimumf %min3A_1465, %max3A_1464 : vector<8x1024xf32>
    %min3A_1467 = arith.minimumf %min3A_1463, %min3A_1461 : vector<8x1024xf32>
    %max3A_1468 = arith.maximumf %min3A_1463, %min3A_1461 : vector<8x1024xf32>
    %min3A_1469 = arith.minimumf %min3A_1466, %max3A_1462 : vector<8x1024xf32>
    %max3A_1470 = arith.maximumf %min3A_1466, %max3A_1462 : vector<8x1024xf32>
    %slice3A_1471 = vector.extract_strided_slice %bitcast_convert_type3A_33 {offsets = [1632, 0], sizes = [8, 1024], strides = [1, 1]} : vector<2000x1024xf32> to vector<8x1024xf32>
    %slice3A_1472 = vector.extract_strided_slice %bitcast_convert_type3A_33 {offsets = [1640, 0], sizes = [8, 1024], strides = [1, 1]} : vector<2000x1024xf32> to vector<8x1024xf32>
    %slice3A_1473 = vector.extract_strided_slice %bitcast_convert_type3A_33 {offsets = [1648, 0], sizes = [8, 1024], strides = [1, 1]} : vector<2000x1024xf32> to vector<8x1024xf32>
    %slice3A_1474 = vector.extract_strided_slice %bitcast_convert_type3A_33 {offsets = [1656, 0], sizes = [8, 1024], strides = [1, 1]} : vector<2000x1024xf32> to vector<8x1024xf32>
    %min3A_1475 = arith.minimumf %slice3A_1471, %slice3A_1473 : vector<8x1024xf32>
    %max3A_1476 = arith.maximumf %slice3A_1471, %slice3A_1473 : vector<8x1024xf32>
    %min3A_1477 = arith.minimumf %slice3A_1472, %slice3A_1474 : vector<8x1024xf32>
    %max3A_1478 = arith.maximumf %slice3A_1472, %slice3A_1474 : vector<8x1024xf32>
    %min3A_1479 = arith.minimumf %min3A_1475, %min3A_1477 : vector<8x1024xf32>
    %max3A_1480 = arith.maximumf %min3A_1475, %min3A_1477 : vector<8x1024xf32>
    %min3A_1481 = arith.minimumf %max3A_1476, %max3A_1478 : vector<8x1024xf32>
    %max3A_1482 = arith.maximumf %max3A_1476, %max3A_1478 : vector<8x1024xf32>
    %min3A_1483 = arith.minimumf %max3A_1480, %min3A_1481 : vector<8x1024xf32>
    %max3A_1484 = arith.maximumf %max3A_1480, %min3A_1481 : vector<8x1024xf32>
    %min3A_1485 = arith.minimumf %min3A_1479, %min3A_1457 : vector<8x1024xf32>
    %max3A_1486 = arith.maximumf %min3A_1479, %min3A_1457 : vector<8x1024xf32>
    %min3A_1487 = arith.minimumf %max3A_1486, %max3A_1470 : vector<8x1024xf32>
    %min3A_1488 = arith.minimumf %max3A_1468, %max3A_1484 : vector<8x1024xf32>
    %min3A_1489 = arith.minimumf %min3A_1488, %min3A_1487 : vector<8x1024xf32>
    %max3A_1490 = arith.maximumf %min3A_1488, %min3A_1487 : vector<8x1024xf32>
    %min3A_1491 = arith.minimumf %min3A_1467, %min3A_1483 : vector<8x1024xf32>
    %max3A_1492 = arith.maximumf %min3A_1467, %min3A_1483 : vector<8x1024xf32>
    %min3A_1493 = arith.minimumf %min3A_1469, %max3A_1482 : vector<8x1024xf32>
    %min3A_1494 = arith.minimumf %min3A_1493, %max3A_1492 : vector<8x1024xf32>
    %min3A_1495 = arith.minimumf %min3A_1491, %min3A_1489 : vector<8x1024xf32>
    %max3A_1496 = arith.maximumf %min3A_1491, %min3A_1489 : vector<8x1024xf32>
    %min3A_1497 = arith.minimumf %min3A_1494, %max3A_1490 : vector<8x1024xf32>
    %max3A_1498 = arith.maximumf %min3A_1494, %max3A_1490 : vector<8x1024xf32>
    %slice3A_1499 = vector.extract_strided_slice %bitcast_convert_type3A_33 {offsets = [1664, 0], sizes = [8, 1024], strides = [1, 1]} : vector<2000x1024xf32> to vector<8x1024xf32>
    %slice3A_1500 = vector.extract_strided_slice %bitcast_convert_type3A_33 {offsets = [1672, 0], sizes = [8, 1024], strides = [1, 1]} : vector<2000x1024xf32> to vector<8x1024xf32>
    %slice3A_1501 = vector.extract_strided_slice %bitcast_convert_type3A_33 {offsets = [1680, 0], sizes = [8, 1024], strides = [1, 1]} : vector<2000x1024xf32> to vector<8x1024xf32>
    %slice3A_1502 = vector.extract_strided_slice %bitcast_convert_type3A_33 {offsets = [1688, 0], sizes = [8, 1024], strides = [1, 1]} : vector<2000x1024xf32> to vector<8x1024xf32>
    %min3A_1503 = arith.minimumf %slice3A_1499, %slice3A_1501 : vector<8x1024xf32>
    %max3A_1504 = arith.maximumf %slice3A_1499, %slice3A_1501 : vector<8x1024xf32>
    %min3A_1505 = arith.minimumf %slice3A_1500, %slice3A_1502 : vector<8x1024xf32>
    %max3A_1506 = arith.maximumf %slice3A_1500, %slice3A_1502 : vector<8x1024xf32>
    %min3A_1507 = arith.minimumf %min3A_1503, %min3A_1505 : vector<8x1024xf32>
    %max3A_1508 = arith.maximumf %min3A_1503, %min3A_1505 : vector<8x1024xf32>
    %min3A_1509 = arith.minimumf %max3A_1504, %max3A_1506 : vector<8x1024xf32>
    %max3A_1510 = arith.maximumf %max3A_1504, %max3A_1506 : vector<8x1024xf32>
    %min3A_1511 = arith.minimumf %max3A_1508, %min3A_1509 : vector<8x1024xf32>
    %max3A_1512 = arith.maximumf %max3A_1508, %min3A_1509 : vector<8x1024xf32>
    %min3A_1513 = arith.minimumf %min3A_1507, %min3A_1485 : vector<8x1024xf32>
    %max3A_1514 = arith.maximumf %min3A_1507, %min3A_1485 : vector<8x1024xf32>
    %min3A_1515 = arith.minimumf %max3A_1514, %max3A_1498 : vector<8x1024xf32>
    %min3A_1516 = arith.minimumf %max3A_1496, %max3A_1512 : vector<8x1024xf32>
    %min3A_1517 = arith.minimumf %min3A_1516, %min3A_1515 : vector<8x1024xf32>
    %max3A_1518 = arith.maximumf %min3A_1516, %min3A_1515 : vector<8x1024xf32>
    %min3A_1519 = arith.minimumf %min3A_1495, %min3A_1511 : vector<8x1024xf32>
    %max3A_1520 = arith.maximumf %min3A_1495, %min3A_1511 : vector<8x1024xf32>
    %min3A_1521 = arith.minimumf %min3A_1497, %max3A_1510 : vector<8x1024xf32>
    %min3A_1522 = arith.minimumf %min3A_1521, %max3A_1520 : vector<8x1024xf32>
    %min3A_1523 = arith.minimumf %min3A_1519, %min3A_1517 : vector<8x1024xf32>
    %max3A_1524 = arith.maximumf %min3A_1519, %min3A_1517 : vector<8x1024xf32>
    %min3A_1525 = arith.minimumf %min3A_1522, %max3A_1518 : vector<8x1024xf32>
    %max3A_1526 = arith.maximumf %min3A_1522, %max3A_1518 : vector<8x1024xf32>
    %slice3A_1527 = vector.extract_strided_slice %bitcast_convert_type3A_33 {offsets = [1696, 0], sizes = [8, 1024], strides = [1, 1]} : vector<2000x1024xf32> to vector<8x1024xf32>
    %slice3A_1528 = vector.extract_strided_slice %bitcast_convert_type3A_33 {offsets = [1704, 0], sizes = [8, 1024], strides = [1, 1]} : vector<2000x1024xf32> to vector<8x1024xf32>
    %slice3A_1529 = vector.extract_strided_slice %bitcast_convert_type3A_33 {offsets = [1712, 0], sizes = [8, 1024], strides = [1, 1]} : vector<2000x1024xf32> to vector<8x1024xf32>
    %slice3A_1530 = vector.extract_strided_slice %bitcast_convert_type3A_33 {offsets = [1720, 0], sizes = [8, 1024], strides = [1, 1]} : vector<2000x1024xf32> to vector<8x1024xf32>
    %min3A_1531 = arith.minimumf %slice3A_1527, %slice3A_1529 : vector<8x1024xf32>
    %max3A_1532 = arith.maximumf %slice3A_1527, %slice3A_1529 : vector<8x1024xf32>
    %min3A_1533 = arith.minimumf %slice3A_1528, %slice3A_1530 : vector<8x1024xf32>
    %max3A_1534 = arith.maximumf %slice3A_1528, %slice3A_1530 : vector<8x1024xf32>
    %min3A_1535 = arith.minimumf %min3A_1531, %min3A_1533 : vector<8x1024xf32>
    %max3A_1536 = arith.maximumf %min3A_1531, %min3A_1533 : vector<8x1024xf32>
    %min3A_1537 = arith.minimumf %max3A_1532, %max3A_1534 : vector<8x1024xf32>
    %max3A_1538 = arith.maximumf %max3A_1532, %max3A_1534 : vector<8x1024xf32>
    %min3A_1539 = arith.minimumf %max3A_1536, %min3A_1537 : vector<8x1024xf32>
    %max3A_1540 = arith.maximumf %max3A_1536, %min3A_1537 : vector<8x1024xf32>
    %min3A_1541 = arith.minimumf %min3A_1535, %min3A_1513 : vector<8x1024xf32>
    %max3A_1542 = arith.maximumf %min3A_1535, %min3A_1513 : vector<8x1024xf32>
    %min3A_1543 = arith.minimumf %max3A_1542, %max3A_1526 : vector<8x1024xf32>
    %min3A_1544 = arith.minimumf %max3A_1524, %max3A_1540 : vector<8x1024xf32>
    %min3A_1545 = arith.minimumf %min3A_1544, %min3A_1543 : vector<8x1024xf32>
    %max3A_1546 = arith.maximumf %min3A_1544, %min3A_1543 : vector<8x1024xf32>
    %min3A_1547 = arith.minimumf %min3A_1523, %min3A_1539 : vector<8x1024xf32>
    %max3A_1548 = arith.maximumf %min3A_1523, %min3A_1539 : vector<8x1024xf32>
    %min3A_1549 = arith.minimumf %min3A_1525, %max3A_1538 : vector<8x1024xf32>
    %min3A_1550 = arith.minimumf %min3A_1549, %max3A_1548 : vector<8x1024xf32>
    %min3A_1551 = arith.minimumf %min3A_1547, %min3A_1545 : vector<8x1024xf32>
    %max3A_1552 = arith.maximumf %min3A_1547, %min3A_1545 : vector<8x1024xf32>
    %min3A_1553 = arith.minimumf %min3A_1550, %max3A_1546 : vector<8x1024xf32>
    %max3A_1554 = arith.maximumf %min3A_1550, %max3A_1546 : vector<8x1024xf32>
    %slice3A_1555 = vector.extract_strided_slice %bitcast_convert_type3A_33 {offsets = [1728, 0], sizes = [8, 1024], strides = [1, 1]} : vector<2000x1024xf32> to vector<8x1024xf32>
    %slice3A_1556 = vector.extract_strided_slice %bitcast_convert_type3A_33 {offsets = [1736, 0], sizes = [8, 1024], strides = [1, 1]} : vector<2000x1024xf32> to vector<8x1024xf32>
    %slice3A_1557 = vector.extract_strided_slice %bitcast_convert_type3A_33 {offsets = [1744, 0], sizes = [8, 1024], strides = [1, 1]} : vector<2000x1024xf32> to vector<8x1024xf32>
    %slice3A_1558 = vector.extract_strided_slice %bitcast_convert_type3A_33 {offsets = [1752, 0], sizes = [8, 1024], strides = [1, 1]} : vector<2000x1024xf32> to vector<8x1024xf32>
    %min3A_1559 = arith.minimumf %slice3A_1555, %slice3A_1557 : vector<8x1024xf32>
    %max3A_1560 = arith.maximumf %slice3A_1555, %slice3A_1557 : vector<8x1024xf32>
    %min3A_1561 = arith.minimumf %slice3A_1556, %slice3A_1558 : vector<8x1024xf32>
    %max3A_1562 = arith.maximumf %slice3A_1556, %slice3A_1558 : vector<8x1024xf32>
    %min3A_1563 = arith.minimumf %min3A_1559, %min3A_1561 : vector<8x1024xf32>
    %max3A_1564 = arith.maximumf %min3A_1559, %min3A_1561 : vector<8x1024xf32>
    %min3A_1565 = arith.minimumf %max3A_1560, %max3A_1562 : vector<8x1024xf32>
    %max3A_1566 = arith.maximumf %max3A_1560, %max3A_1562 : vector<8x1024xf32>
    %min3A_1567 = arith.minimumf %max3A_1564, %min3A_1565 : vector<8x1024xf32>
    %max3A_1568 = arith.maximumf %max3A_1564, %min3A_1565 : vector<8x1024xf32>
    %min3A_1569 = arith.minimumf %min3A_1563, %min3A_1541 : vector<8x1024xf32>
    %max3A_1570 = arith.maximumf %min3A_1563, %min3A_1541 : vector<8x1024xf32>
    %min3A_1571 = arith.minimumf %max3A_1570, %max3A_1554 : vector<8x1024xf32>
    %min3A_1572 = arith.minimumf %max3A_1552, %max3A_1568 : vector<8x1024xf32>
    %min3A_1573 = arith.minimumf %min3A_1572, %min3A_1571 : vector<8x1024xf32>
    %max3A_1574 = arith.maximumf %min3A_1572, %min3A_1571 : vector<8x1024xf32>
    %min3A_1575 = arith.minimumf %min3A_1551, %min3A_1567 : vector<8x1024xf32>
    %max3A_1576 = arith.maximumf %min3A_1551, %min3A_1567 : vector<8x1024xf32>
    %min3A_1577 = arith.minimumf %min3A_1553, %max3A_1566 : vector<8x1024xf32>
    %min3A_1578 = arith.minimumf %min3A_1577, %max3A_1576 : vector<8x1024xf32>
    %min3A_1579 = arith.minimumf %min3A_1575, %min3A_1573 : vector<8x1024xf32>
    %max3A_1580 = arith.maximumf %min3A_1575, %min3A_1573 : vector<8x1024xf32>
    %min3A_1581 = arith.minimumf %min3A_1578, %max3A_1574 : vector<8x1024xf32>
    %max3A_1582 = arith.maximumf %min3A_1578, %max3A_1574 : vector<8x1024xf32>
    %slice3A_1583 = vector.extract_strided_slice %bitcast_convert_type3A_33 {offsets = [1760, 0], sizes = [8, 1024], strides = [1, 1]} : vector<2000x1024xf32> to vector<8x1024xf32>
    %slice3A_1584 = vector.extract_strided_slice %bitcast_convert_type3A_33 {offsets = [1768, 0], sizes = [8, 1024], strides = [1, 1]} : vector<2000x1024xf32> to vector<8x1024xf32>
    %slice3A_1585 = vector.extract_strided_slice %bitcast_convert_type3A_33 {offsets = [1776, 0], sizes = [8, 1024], strides = [1, 1]} : vector<2000x1024xf32> to vector<8x1024xf32>
    %slice3A_1586 = vector.extract_strided_slice %bitcast_convert_type3A_33 {offsets = [1784, 0], sizes = [8, 1024], strides = [1, 1]} : vector<2000x1024xf32> to vector<8x1024xf32>
    %min3A_1587 = arith.minimumf %slice3A_1583, %slice3A_1585 : vector<8x1024xf32>
    %max3A_1588 = arith.maximumf %slice3A_1583, %slice3A_1585 : vector<8x1024xf32>
    %min3A_1589 = arith.minimumf %slice3A_1584, %slice3A_1586 : vector<8x1024xf32>
    %max3A_1590 = arith.maximumf %slice3A_1584, %slice3A_1586 : vector<8x1024xf32>
    %min3A_1591 = arith.minimumf %min3A_1587, %min3A_1589 : vector<8x1024xf32>
    %max3A_1592 = arith.maximumf %min3A_1587, %min3A_1589 : vector<8x1024xf32>
    %min3A_1593 = arith.minimumf %max3A_1588, %max3A_1590 : vector<8x1024xf32>
    %max3A_1594 = arith.maximumf %max3A_1588, %max3A_1590 : vector<8x1024xf32>
    %min3A_1595 = arith.minimumf %max3A_1592, %min3A_1593 : vector<8x1024xf32>
    %max3A_1596 = arith.maximumf %max3A_1592, %min3A_1593 : vector<8x1024xf32>
    %min3A_1597 = arith.minimumf %min3A_1591, %min3A_1569 : vector<8x1024xf32>
    %max3A_1598 = arith.maximumf %min3A_1591, %min3A_1569 : vector<8x1024xf32>
    %min3A_1599 = arith.minimumf %max3A_1598, %max3A_1582 : vector<8x1024xf32>
    %min3A_1600 = arith.minimumf %max3A_1580, %max3A_1596 : vector<8x1024xf32>
    %min3A_1601 = arith.minimumf %min3A_1600, %min3A_1599 : vector<8x1024xf32>
    %max3A_1602 = arith.maximumf %min3A_1600, %min3A_1599 : vector<8x1024xf32>
    %min3A_1603 = arith.minimumf %min3A_1579, %min3A_1595 : vector<8x1024xf32>
    %max3A_1604 = arith.maximumf %min3A_1579, %min3A_1595 : vector<8x1024xf32>
    %min3A_1605 = arith.minimumf %min3A_1581, %max3A_1594 : vector<8x1024xf32>
    %min3A_1606 = arith.minimumf %min3A_1605, %max3A_1604 : vector<8x1024xf32>
    %min3A_1607 = arith.minimumf %min3A_1603, %min3A_1601 : vector<8x1024xf32>
    %max3A_1608 = arith.maximumf %min3A_1603, %min3A_1601 : vector<8x1024xf32>
    %min3A_1609 = arith.minimumf %min3A_1606, %max3A_1602 : vector<8x1024xf32>
    %max3A_1610 = arith.maximumf %min3A_1606, %max3A_1602 : vector<8x1024xf32>
    %slice3A_1611 = vector.extract_strided_slice %bitcast_convert_type3A_33 {offsets = [1792, 0], sizes = [8, 1024], strides = [1, 1]} : vector<2000x1024xf32> to vector<8x1024xf32>
    %slice3A_1612 = vector.extract_strided_slice %bitcast_convert_type3A_33 {offsets = [1800, 0], sizes = [8, 1024], strides = [1, 1]} : vector<2000x1024xf32> to vector<8x1024xf32>
    %slice3A_1613 = vector.extract_strided_slice %bitcast_convert_type3A_33 {offsets = [1808, 0], sizes = [8, 1024], strides = [1, 1]} : vector<2000x1024xf32> to vector<8x1024xf32>
    %slice3A_1614 = vector.extract_strided_slice %bitcast_convert_type3A_33 {offsets = [1816, 0], sizes = [8, 1024], strides = [1, 1]} : vector<2000x1024xf32> to vector<8x1024xf32>
    %min3A_1615 = arith.minimumf %slice3A_1611, %slice3A_1613 : vector<8x1024xf32>
    %max3A_1616 = arith.maximumf %slice3A_1611, %slice3A_1613 : vector<8x1024xf32>
    %min3A_1617 = arith.minimumf %slice3A_1612, %slice3A_1614 : vector<8x1024xf32>
    %max3A_1618 = arith.maximumf %slice3A_1612, %slice3A_1614 : vector<8x1024xf32>
    %min3A_1619 = arith.minimumf %min3A_1615, %min3A_1617 : vector<8x1024xf32>
    %max3A_1620 = arith.maximumf %min3A_1615, %min3A_1617 : vector<8x1024xf32>
    %min3A_1621 = arith.minimumf %max3A_1616, %max3A_1618 : vector<8x1024xf32>
    %max3A_1622 = arith.maximumf %max3A_1616, %max3A_1618 : vector<8x1024xf32>
    %min3A_1623 = arith.minimumf %max3A_1620, %min3A_1621 : vector<8x1024xf32>
    %max3A_1624 = arith.maximumf %max3A_1620, %min3A_1621 : vector<8x1024xf32>
    %min3A_1625 = arith.minimumf %min3A_1619, %min3A_1597 : vector<8x1024xf32>
    %max3A_1626 = arith.maximumf %min3A_1619, %min3A_1597 : vector<8x1024xf32>
    %min3A_1627 = arith.minimumf %max3A_1626, %max3A_1610 : vector<8x1024xf32>
    %min3A_1628 = arith.minimumf %max3A_1608, %max3A_1624 : vector<8x1024xf32>
    %min3A_1629 = arith.minimumf %min3A_1628, %min3A_1627 : vector<8x1024xf32>
    %max3A_1630 = arith.maximumf %min3A_1628, %min3A_1627 : vector<8x1024xf32>
    %min3A_1631 = arith.minimumf %min3A_1607, %min3A_1623 : vector<8x1024xf32>
    %max3A_1632 = arith.maximumf %min3A_1607, %min3A_1623 : vector<8x1024xf32>
    %min3A_1633 = arith.minimumf %min3A_1609, %max3A_1622 : vector<8x1024xf32>
    %min3A_1634 = arith.minimumf %min3A_1633, %max3A_1632 : vector<8x1024xf32>
    %min3A_1635 = arith.minimumf %min3A_1631, %min3A_1629 : vector<8x1024xf32>
    %max3A_1636 = arith.maximumf %min3A_1631, %min3A_1629 : vector<8x1024xf32>
    %min3A_1637 = arith.minimumf %min3A_1634, %max3A_1630 : vector<8x1024xf32>
    %max3A_1638 = arith.maximumf %min3A_1634, %max3A_1630 : vector<8x1024xf32>
    %slice3A_1639 = vector.extract_strided_slice %bitcast_convert_type3A_33 {offsets = [1824, 0], sizes = [8, 1024], strides = [1, 1]} : vector<2000x1024xf32> to vector<8x1024xf32>
    %slice3A_1640 = vector.extract_strided_slice %bitcast_convert_type3A_33 {offsets = [1832, 0], sizes = [8, 1024], strides = [1, 1]} : vector<2000x1024xf32> to vector<8x1024xf32>
    %slice3A_1641 = vector.extract_strided_slice %bitcast_convert_type3A_33 {offsets = [1840, 0], sizes = [8, 1024], strides = [1, 1]} : vector<2000x1024xf32> to vector<8x1024xf32>
    %slice3A_1642 = vector.extract_strided_slice %bitcast_convert_type3A_33 {offsets = [1848, 0], sizes = [8, 1024], strides = [1, 1]} : vector<2000x1024xf32> to vector<8x1024xf32>
    %min3A_1643 = arith.minimumf %slice3A_1639, %slice3A_1641 : vector<8x1024xf32>
    %max3A_1644 = arith.maximumf %slice3A_1639, %slice3A_1641 : vector<8x1024xf32>
    %min3A_1645 = arith.minimumf %slice3A_1640, %slice3A_1642 : vector<8x1024xf32>
    %max3A_1646 = arith.maximumf %slice3A_1640, %slice3A_1642 : vector<8x1024xf32>
    %min3A_1647 = arith.minimumf %min3A_1643, %min3A_1645 : vector<8x1024xf32>
    %max3A_1648 = arith.maximumf %min3A_1643, %min3A_1645 : vector<8x1024xf32>
    %min3A_1649 = arith.minimumf %max3A_1644, %max3A_1646 : vector<8x1024xf32>
    %max3A_1650 = arith.maximumf %max3A_1644, %max3A_1646 : vector<8x1024xf32>
    %min3A_1651 = arith.minimumf %max3A_1648, %min3A_1649 : vector<8x1024xf32>
    %max3A_1652 = arith.maximumf %max3A_1648, %min3A_1649 : vector<8x1024xf32>
    %min3A_1653 = arith.minimumf %min3A_1647, %min3A_1625 : vector<8x1024xf32>
    %max3A_1654 = arith.maximumf %min3A_1647, %min3A_1625 : vector<8x1024xf32>
    %min3A_1655 = arith.minimumf %max3A_1654, %max3A_1638 : vector<8x1024xf32>
    %min3A_1656 = arith.minimumf %max3A_1636, %max3A_1652 : vector<8x1024xf32>
    %min3A_1657 = arith.minimumf %min3A_1656, %min3A_1655 : vector<8x1024xf32>
    %max3A_1658 = arith.maximumf %min3A_1656, %min3A_1655 : vector<8x1024xf32>
    %min3A_1659 = arith.minimumf %min3A_1635, %min3A_1651 : vector<8x1024xf32>
    %max3A_1660 = arith.maximumf %min3A_1635, %min3A_1651 : vector<8x1024xf32>
    %min3A_1661 = arith.minimumf %min3A_1637, %max3A_1650 : vector<8x1024xf32>
    %min3A_1662 = arith.minimumf %min3A_1661, %max3A_1660 : vector<8x1024xf32>
    %min3A_1663 = arith.minimumf %min3A_1659, %min3A_1657 : vector<8x1024xf32>
    %max3A_1664 = arith.maximumf %min3A_1659, %min3A_1657 : vector<8x1024xf32>
    %min3A_1665 = arith.minimumf %min3A_1662, %max3A_1658 : vector<8x1024xf32>
    %max3A_1666 = arith.maximumf %min3A_1662, %max3A_1658 : vector<8x1024xf32>
    %slice3A_1667 = vector.extract_strided_slice %bitcast_convert_type3A_33 {offsets = [1856, 0], sizes = [8, 1024], strides = [1, 1]} : vector<2000x1024xf32> to vector<8x1024xf32>
    %slice3A_1668 = vector.extract_strided_slice %bitcast_convert_type3A_33 {offsets = [1864, 0], sizes = [8, 1024], strides = [1, 1]} : vector<2000x1024xf32> to vector<8x1024xf32>
    %slice3A_1669 = vector.extract_strided_slice %bitcast_convert_type3A_33 {offsets = [1872, 0], sizes = [8, 1024], strides = [1, 1]} : vector<2000x1024xf32> to vector<8x1024xf32>
    %slice3A_1670 = vector.extract_strided_slice %bitcast_convert_type3A_33 {offsets = [1880, 0], sizes = [8, 1024], strides = [1, 1]} : vector<2000x1024xf32> to vector<8x1024xf32>
    %min3A_1671 = arith.minimumf %slice3A_1667, %slice3A_1669 : vector<8x1024xf32>
    %max3A_1672 = arith.maximumf %slice3A_1667, %slice3A_1669 : vector<8x1024xf32>
    %min3A_1673 = arith.minimumf %slice3A_1668, %slice3A_1670 : vector<8x1024xf32>
    %max3A_1674 = arith.maximumf %slice3A_1668, %slice3A_1670 : vector<8x1024xf32>
    %min3A_1675 = arith.minimumf %min3A_1671, %min3A_1673 : vector<8x1024xf32>
    %max3A_1676 = arith.maximumf %min3A_1671, %min3A_1673 : vector<8x1024xf32>
    %min3A_1677 = arith.minimumf %max3A_1672, %max3A_1674 : vector<8x1024xf32>
    %max3A_1678 = arith.maximumf %max3A_1672, %max3A_1674 : vector<8x1024xf32>
    %min3A_1679 = arith.minimumf %max3A_1676, %min3A_1677 : vector<8x1024xf32>
    %max3A_1680 = arith.maximumf %max3A_1676, %min3A_1677 : vector<8x1024xf32>
    %min3A_1681 = arith.minimumf %min3A_1675, %min3A_1653 : vector<8x1024xf32>
    %max3A_1682 = arith.maximumf %min3A_1675, %min3A_1653 : vector<8x1024xf32>
    %min3A_1683 = arith.minimumf %max3A_1682, %max3A_1666 : vector<8x1024xf32>
    %min3A_1684 = arith.minimumf %max3A_1664, %max3A_1680 : vector<8x1024xf32>
    %min3A_1685 = arith.minimumf %min3A_1684, %min3A_1683 : vector<8x1024xf32>
    %max3A_1686 = arith.maximumf %min3A_1684, %min3A_1683 : vector<8x1024xf32>
    %min3A_1687 = arith.minimumf %min3A_1663, %min3A_1679 : vector<8x1024xf32>
    %max3A_1688 = arith.maximumf %min3A_1663, %min3A_1679 : vector<8x1024xf32>
    %min3A_1689 = arith.minimumf %min3A_1665, %max3A_1678 : vector<8x1024xf32>
    %min3A_1690 = arith.minimumf %min3A_1689, %max3A_1688 : vector<8x1024xf32>
    %min3A_1691 = arith.minimumf %min3A_1687, %min3A_1685 : vector<8x1024xf32>
    %max3A_1692 = arith.maximumf %min3A_1687, %min3A_1685 : vector<8x1024xf32>
    %min3A_1693 = arith.minimumf %min3A_1690, %max3A_1686 : vector<8x1024xf32>
    %max3A_1694 = arith.maximumf %min3A_1690, %max3A_1686 : vector<8x1024xf32>
    %slice3A_1695 = vector.extract_strided_slice %bitcast_convert_type3A_33 {offsets = [1888, 0], sizes = [8, 1024], strides = [1, 1]} : vector<2000x1024xf32> to vector<8x1024xf32>
    %slice3A_1696 = vector.extract_strided_slice %bitcast_convert_type3A_33 {offsets = [1896, 0], sizes = [8, 1024], strides = [1, 1]} : vector<2000x1024xf32> to vector<8x1024xf32>
    %slice3A_1697 = vector.extract_strided_slice %bitcast_convert_type3A_33 {offsets = [1904, 0], sizes = [8, 1024], strides = [1, 1]} : vector<2000x1024xf32> to vector<8x1024xf32>
    %slice3A_1698 = vector.extract_strided_slice %bitcast_convert_type3A_33 {offsets = [1912, 0], sizes = [8, 1024], strides = [1, 1]} : vector<2000x1024xf32> to vector<8x1024xf32>
    %min3A_1699 = arith.minimumf %slice3A_1695, %slice3A_1697 : vector<8x1024xf32>
    %max3A_1700 = arith.maximumf %slice3A_1695, %slice3A_1697 : vector<8x1024xf32>
    %min3A_1701 = arith.minimumf %slice3A_1696, %slice3A_1698 : vector<8x1024xf32>
    %max3A_1702 = arith.maximumf %slice3A_1696, %slice3A_1698 : vector<8x1024xf32>
    %min3A_1703 = arith.minimumf %min3A_1699, %min3A_1701 : vector<8x1024xf32>
    %max3A_1704 = arith.maximumf %min3A_1699, %min3A_1701 : vector<8x1024xf32>
    %min3A_1705 = arith.minimumf %max3A_1700, %max3A_1702 : vector<8x1024xf32>
    %max3A_1706 = arith.maximumf %max3A_1700, %max3A_1702 : vector<8x1024xf32>
    %min3A_1707 = arith.minimumf %max3A_1704, %min3A_1705 : vector<8x1024xf32>
    %max3A_1708 = arith.maximumf %max3A_1704, %min3A_1705 : vector<8x1024xf32>
    %min3A_1709 = arith.minimumf %min3A_1703, %min3A_1681 : vector<8x1024xf32>
    %max3A_1710 = arith.maximumf %min3A_1703, %min3A_1681 : vector<8x1024xf32>
    %min3A_1711 = arith.minimumf %max3A_1710, %max3A_1694 : vector<8x1024xf32>
    %min3A_1712 = arith.minimumf %max3A_1692, %max3A_1708 : vector<8x1024xf32>
    %min3A_1713 = arith.minimumf %min3A_1712, %min3A_1711 : vector<8x1024xf32>
    %max3A_1714 = arith.maximumf %min3A_1712, %min3A_1711 : vector<8x1024xf32>
    %min3A_1715 = arith.minimumf %min3A_1691, %min3A_1707 : vector<8x1024xf32>
    %max3A_1716 = arith.maximumf %min3A_1691, %min3A_1707 : vector<8x1024xf32>
    %min3A_1717 = arith.minimumf %min3A_1693, %max3A_1706 : vector<8x1024xf32>
    %min3A_1718 = arith.minimumf %min3A_1717, %max3A_1716 : vector<8x1024xf32>
    %min3A_1719 = arith.minimumf %min3A_1715, %min3A_1713 : vector<8x1024xf32>
    %max3A_1720 = arith.maximumf %min3A_1715, %min3A_1713 : vector<8x1024xf32>
    %min3A_1721 = arith.minimumf %min3A_1718, %max3A_1714 : vector<8x1024xf32>
    %max3A_1722 = arith.maximumf %min3A_1718, %max3A_1714 : vector<8x1024xf32>
    %slice3A_1723 = vector.extract_strided_slice %bitcast_convert_type3A_33 {offsets = [1920, 0], sizes = [8, 1024], strides = [1, 1]} : vector<2000x1024xf32> to vector<8x1024xf32>
    %slice3A_1724 = vector.extract_strided_slice %bitcast_convert_type3A_33 {offsets = [1928, 0], sizes = [8, 1024], strides = [1, 1]} : vector<2000x1024xf32> to vector<8x1024xf32>
    %slice3A_1725 = vector.extract_strided_slice %bitcast_convert_type3A_33 {offsets = [1936, 0], sizes = [8, 1024], strides = [1, 1]} : vector<2000x1024xf32> to vector<8x1024xf32>
    %slice3A_1726 = vector.extract_strided_slice %bitcast_convert_type3A_33 {offsets = [1944, 0], sizes = [8, 1024], strides = [1, 1]} : vector<2000x1024xf32> to vector<8x1024xf32>
    %min3A_1727 = arith.minimumf %slice3A_1723, %slice3A_1725 : vector<8x1024xf32>
    %max3A_1728 = arith.maximumf %slice3A_1723, %slice3A_1725 : vector<8x1024xf32>
    %min3A_1729 = arith.minimumf %slice3A_1724, %slice3A_1726 : vector<8x1024xf32>
    %max3A_1730 = arith.maximumf %slice3A_1724, %slice3A_1726 : vector<8x1024xf32>
    %min3A_1731 = arith.minimumf %min3A_1727, %min3A_1729 : vector<8x1024xf32>
    %max3A_1732 = arith.maximumf %min3A_1727, %min3A_1729 : vector<8x1024xf32>
    %min3A_1733 = arith.minimumf %max3A_1728, %max3A_1730 : vector<8x1024xf32>
    %max3A_1734 = arith.maximumf %max3A_1728, %max3A_1730 : vector<8x1024xf32>
    %min3A_1735 = arith.minimumf %max3A_1732, %min3A_1733 : vector<8x1024xf32>
    %max3A_1736 = arith.maximumf %max3A_1732, %min3A_1733 : vector<8x1024xf32>
    %min3A_1737 = arith.minimumf %min3A_1731, %min3A_1709 : vector<8x1024xf32>
    %max3A_1738 = arith.maximumf %min3A_1731, %min3A_1709 : vector<8x1024xf32>
    %min3A_1739 = arith.minimumf %max3A_1738, %max3A_1722 : vector<8x1024xf32>
    %min3A_1740 = arith.minimumf %max3A_1720, %max3A_1736 : vector<8x1024xf32>
    %min3A_1741 = arith.minimumf %min3A_1740, %min3A_1739 : vector<8x1024xf32>
    %max3A_1742 = arith.maximumf %min3A_1740, %min3A_1739 : vector<8x1024xf32>
    %min3A_1743 = arith.minimumf %min3A_1719, %min3A_1735 : vector<8x1024xf32>
    %max3A_1744 = arith.maximumf %min3A_1719, %min3A_1735 : vector<8x1024xf32>
    %min3A_1745 = arith.minimumf %min3A_1721, %max3A_1734 : vector<8x1024xf32>
    %min3A_1746 = arith.minimumf %min3A_1745, %max3A_1744 : vector<8x1024xf32>
    %min3A_1747 = arith.minimumf %min3A_1743, %min3A_1741 : vector<8x1024xf32>
    %max3A_1748 = arith.maximumf %min3A_1743, %min3A_1741 : vector<8x1024xf32>
    %min3A_1749 = arith.minimumf %min3A_1746, %max3A_1742 : vector<8x1024xf32>
    %max3A_1750 = arith.maximumf %min3A_1746, %max3A_1742 : vector<8x1024xf32>
    %slice3A_1751 = vector.extract_strided_slice %bitcast_convert_type3A_33 {offsets = [1952, 0], sizes = [8, 1024], strides = [1, 1]} : vector<2000x1024xf32> to vector<8x1024xf32>
    %slice3A_1752 = vector.extract_strided_slice %bitcast_convert_type3A_33 {offsets = [1960, 0], sizes = [8, 1024], strides = [1, 1]} : vector<2000x1024xf32> to vector<8x1024xf32>
    %slice3A_1753 = vector.extract_strided_slice %bitcast_convert_type3A_33 {offsets = [1968, 0], sizes = [8, 1024], strides = [1, 1]} : vector<2000x1024xf32> to vector<8x1024xf32>
    %slice3A_1754 = vector.extract_strided_slice %bitcast_convert_type3A_33 {offsets = [1976, 0], sizes = [8, 1024], strides = [1, 1]} : vector<2000x1024xf32> to vector<8x1024xf32>
    %min3A_1755 = arith.minimumf %slice3A_1751, %slice3A_1753 : vector<8x1024xf32>
    %max3A_1756 = arith.maximumf %slice3A_1751, %slice3A_1753 : vector<8x1024xf32>
    %min3A_1757 = arith.minimumf %slice3A_1752, %slice3A_1754 : vector<8x1024xf32>
    %max3A_1758 = arith.maximumf %slice3A_1752, %slice3A_1754 : vector<8x1024xf32>
    %min3A_1759 = arith.minimumf %min3A_1755, %min3A_1757 : vector<8x1024xf32>
    %max3A_1760 = arith.maximumf %min3A_1755, %min3A_1757 : vector<8x1024xf32>
    %min3A_1761 = arith.minimumf %max3A_1756, %max3A_1758 : vector<8x1024xf32>
    %max3A_1762 = arith.maximumf %max3A_1756, %max3A_1758 : vector<8x1024xf32>
    %min3A_1763 = arith.minimumf %max3A_1760, %min3A_1761 : vector<8x1024xf32>
    %max3A_1764 = arith.maximumf %max3A_1760, %min3A_1761 : vector<8x1024xf32>
    %min3A_1765 = arith.minimumf %min3A_1759, %min3A_1737 : vector<8x1024xf32>
    %max3A_1766 = arith.maximumf %min3A_1759, %min3A_1737 : vector<8x1024xf32>
    %min3A_1767 = arith.minimumf %max3A_1766, %max3A_1750 : vector<8x1024xf32>
    %min3A_1768 = arith.minimumf %max3A_1748, %max3A_1764 : vector<8x1024xf32>
    %min3A_1769 = arith.minimumf %min3A_1768, %min3A_1767 : vector<8x1024xf32>
    %max3A_1770 = arith.maximumf %min3A_1768, %min3A_1767 : vector<8x1024xf32>
    %min3A_1771 = arith.minimumf %min3A_1747, %min3A_1763 : vector<8x1024xf32>
    %max3A_1772 = arith.maximumf %min3A_1747, %min3A_1763 : vector<8x1024xf32>
    %min3A_1773 = arith.minimumf %min3A_1749, %max3A_1762 : vector<8x1024xf32>
    %min3A_1774 = arith.minimumf %min3A_1773, %max3A_1772 : vector<8x1024xf32>
    %min3A_1775 = arith.minimumf %min3A_1771, %min3A_1769 : vector<8x1024xf32>
    %max3A_1776 = arith.maximumf %min3A_1771, %min3A_1769 : vector<8x1024xf32>
    %min3A_1777 = arith.minimumf %min3A_1774, %max3A_1770 : vector<8x1024xf32>
    %max3A_1778 = arith.maximumf %min3A_1774, %max3A_1770 : vector<8x1024xf32>
    %slice3A_1779 = vector.extract_strided_slice %bitcast_convert_type3A_33 {offsets = [1984, 0], sizes = [8, 1024], strides = [1, 1]} : vector<2000x1024xf32> to vector<8x1024xf32>
    %slice3A_1780 = vector.extract_strided_slice %bitcast_convert_type3A_33 {offsets = [1992, 0], sizes = [8, 1024], strides = [1, 1]} : vector<2000x1024xf32> to vector<8x1024xf32>
    %min3A_1781 = arith.minimumf %slice3A_1779, %slice3A_1780 : vector<8x1024xf32>
    %max3A_1782 = arith.maximumf %slice3A_1779, %slice3A_1780 : vector<8x1024xf32>
    %min3A_1783 = arith.minimumf %min3A_1765, %min3A_1781 : vector<8x1024xf32>
    %max3A_1784 = arith.maximumf %min3A_1765, %min3A_1781 : vector<8x1024xf32>
    %min3A_1785 = arith.minimumf %max3A_1776, %max3A_1784 : vector<8x1024xf32>
    %max3A_1786 = arith.maximumf %max3A_1776, %max3A_1784 : vector<8x1024xf32>
    %min3A_1787 = arith.minimumf %max3A_1778, %max3A_1786 : vector<8x1024xf32>
    %min3A_1788 = arith.minimumf %min3A_1775, %max3A_1782 : vector<8x1024xf32>
    %max3A_1789 = arith.maximumf %min3A_1775, %max3A_1782 : vector<8x1024xf32>
    %min3A_1790 = arith.minimumf %min3A_1777, %max3A_1789 : vector<8x1024xf32>
    %min3A_1791 = arith.minimumf %min3A_1788, %min3A_1785 : vector<8x1024xf32>
    %max3A_1792 = arith.maximumf %min3A_1788, %min3A_1785 : vector<8x1024xf32>
    %min3A_1793 = arith.minimumf %min3A_1790, %min3A_1787 : vector<8x1024xf32>
    %max3A_1794 = arith.maximumf %min3A_1790, %min3A_1787 : vector<8x1024xf32>
    %concatenate3A = tpu.concatenate %min3A_1783, %min3A_1791, %max3A_1792, %min3A_1793, %max3A_1794 in 0 : vector<8x1024xf32>, vector<8x1024xf32>, vector<8x1024xf32>, vector<8x1024xf32>, vector<8x1024xf32> -> vector<40x1024xf32>
    %reduce_min3A = arith.constant dense<0x7F800000> : vector<1024xf32>
    %reduce_min3A_1795 = vector.multi_reduction <minimumf>, %concatenate3A, %reduce_min3A [0] : vector<40x1024xf32> to vector<1024xf32>
    %broadcast_in_dim3A_1796 = vector.shape_cast %reduce_min3A_1795 : vector<1024xf32> to vector<1x1024xf32>
    %eq3A_1797 = vector.broadcast %broadcast_in_dim3A_1796 : vector<1x1024xf32> to vector<40x1024xf32>
    %eq3A_1798 = arith.cmpf oeq, %concatenate3A, %eq3A_1797 : vector<40x1024xf32>
    %jit3A_1799 = arith.constant 0x7F800000 : f32
    %broadcast_in_dim3A_1800 = vector.broadcast %jit3A_1799 : f32 to vector<40x1024xf32>
    %select_n3A = arith.select %eq3A_1798, %broadcast_in_dim3A_1800, %concatenate3A : vector<40x1024xi1>, vector<40x1024xf32>
    %reduce_min3A_1801 = arith.constant dense<0x7F800000> : vector<1024xf32>
    %reduce_min3A_1802 = vector.multi_reduction <minimumf>, %select_n3A, %reduce_min3A_1801 [0] : vector<40x1024xf32> to vector<1024xf32>
    %broadcast_in_dim3A_1803 = vector.shape_cast %reduce_min3A_1802 : vector<1024xf32> to vector<1x1024xf32>
    %eq3A_1804 = vector.broadcast %broadcast_in_dim3A_1803 : vector<1x1024xf32> to vector<40x1024xf32>
    %eq3A_1805 = arith.cmpf oeq, %select_n3A, %eq3A_1804 : vector<40x1024xf32>
    %jit3A_1806 = arith.constant 0x7F800000 : f32
    %broadcast_in_dim3A_1807 = vector.broadcast %jit3A_1806 : f32 to vector<40x1024xf32>
    %select_n3A_1808 = arith.select %eq3A_1805, %broadcast_in_dim3A_1807, %select_n3A : vector<40x1024xi1>, vector<40x1024xf32>
    %reduce_min3A_1809 = arith.constant dense<0x7F800000> : vector<1024xf32>
    %reduce_min3A_1810 = vector.multi_reduction <minimumf>, %select_n3A_1808, %reduce_min3A_1809 [0] : vector<40x1024xf32> to vector<1024xf32>
    %broadcast_in_dim3A_1811 = vector.shape_cast %reduce_min3A_1810 : vector<1024xf32> to vector<1x1024xf32>
    %eq3A_1812 = vector.broadcast %broadcast_in_dim3A_1811 : vector<1x1024xf32> to vector<40x1024xf32>
    %eq3A_1813 = arith.cmpf oeq, %select_n3A_1808, %eq3A_1812 : vector<40x1024xf32>
    %jit3A_1814 = arith.constant 0x7F800000 : f32
    %broadcast_in_dim3A_1815 = vector.broadcast %jit3A_1814 : f32 to vector<40x1024xf32>
    %select_n3A_1816 = arith.select %eq3A_1813, %broadcast_in_dim3A_1815, %select_n3A_1808 : vector<40x1024xi1>, vector<40x1024xf32>
    %reduce_min3A_1817 = arith.constant dense<0x7F800000> : vector<1024xf32>
    %reduce_min3A_1818 = vector.multi_reduction <minimumf>, %select_n3A_1816, %reduce_min3A_1817 [0] : vector<40x1024xf32> to vector<1024xf32>
    %broadcast_in_dim3A_1819 = vector.shape_cast %reduce_min3A_1818 : vector<1024xf32> to vector<1x1024xf32>
    %eq3A_1820 = vector.broadcast %broadcast_in_dim3A_1819 : vector<1x1024xf32> to vector<40x1024xf32>
    %eq3A_1821 = arith.cmpf oeq, %select_n3A_1816, %eq3A_1820 : vector<40x1024xf32>
    %jit3A_1822 = arith.constant 0x7F800000 : f32
    %broadcast_in_dim3A_1823 = vector.broadcast %jit3A_1822 : f32 to vector<40x1024xf32>
    %select_n3A_1824 = arith.select %eq3A_1821, %broadcast_in_dim3A_1823, %select_n3A_1816 : vector<40x1024xi1>, vector<40x1024xf32>
    %reduce_min3A_1825 = arith.constant dense<0x7F800000> : vector<1024xf32>
    %reduce_min3A_1826 = vector.multi_reduction <minimumf>, %select_n3A_1824, %reduce_min3A_1825 [0] : vector<40x1024xf32> to vector<1024xf32>
    %broadcast_in_dim3A_1827 = vector.shape_cast %reduce_min3A_1826 : vector<1024xf32> to vector<1x1024xf32>
    %broadcast_in_dim3A_1828 = arith.constant 0x7F800000 : f32
    %broadcast_in_dim3A_1829 = vector.broadcast %broadcast_in_dim3A_1828 : f32 to vector<3x1024xf32>
    %concatenate3A_1830 = tpu.concatenate %broadcast_in_dim3A_1796, %broadcast_in_dim3A_1803, %broadcast_in_dim3A_1811, %broadcast_in_dim3A_1819, %broadcast_in_dim3A_1827, %broadcast_in_dim3A_1829 in 0 : vector<1x1024xf32>, vector<1x1024xf32>, vector<1x1024xf32>, vector<1x1024xf32>, vector<1x1024xf32>, vector<3x1024xf32> -> vector<8x1024xf32>
    %swap3A = arith.index_cast %arg0 : i32 to index
    %swap3A_1831 = arith.constant 0 : index
    %swap3A_1832 = arith.constant 0 : index
    %swap3A_1833 = vector.load %arg9[%swap3A, %swap3A_1831, %swap3A_1832] : memref<50x8x1024xf32, #tpu.memory_space<vmem>>, vector<1x8x1024xf32>
    %swap3A_1834 = vector.shape_cast %swap3A_1833 : vector<1x8x1024xf32> to vector<8x1024xf32>
    %swap3A_1835 = vector.shape_cast %concatenate3A_1830 : vector<8x1024xf32> to vector<1x8x1024xf32>
    tpu.vector_store %arg9[%swap3A, %swap3A_1831, %swap3A_1832], %swap3A_1835 {strides = array<i32>} : memref<50x8x1024xf32, #tpu.memory_space<vmem>>, vector<1x8x1024xf32>,
    %eq3A_1836 = arith.constant 49 : i32
    %eq3A_1837 = arith.cmpi eq, %arg0, %eq3A_1836 : i32
    %convert_element_type3A_1838 = arith.extui %eq3A_1837 : i1 to i32
    %cond3A_1839 = arith.constant 0 : i32
    %cond3A_1840 = arith.cmpi ne, %convert_element_type3A_1838, %cond3A_1839 : i32
    scf.if %cond3A_1840 {
      %get3A_1841 = arith.constant 0 : index
      %get3A_1842 = arith.constant 0 : index
      %get3A_1843 = arith.constant 0 : index
      %get3A_1844 = vector.load %arg9[%get3A_1841, %get3A_1842, %get3A_1843] : memref<50x8x1024xf32, #tpu.memory_space<vmem>>, vector<50x8x1024xf32>
      %reshape3A = vector.shape_cast %get3A_1844 : vector<50x8x1024xf32> to vector<400x1024xf32>
      %iota3A = tpu.iota {dimensions = array<i32: 0>} : vector<400x1024xi32>
      %reduce_min3A_1845 = arith.constant dense<0x7F800000> : vector<1024xf32>
      %reduce_min3A_1846 = vector.multi_reduction <minimumf>, %reshape3A, %reduce_min3A_1845 [0] : vector<400x1024xf32> to vector<1024xf32>
      %broadcast_in_dim3A_1847 = vector.shape_cast %reduce_min3A_1846 : vector<1024xf32> to vector<1x1024xf32>
      %eq3A_1848 = vector.broadcast %broadcast_in_dim3A_1847 : vector<1x1024xf32> to vector<400x1024xf32>
      %eq3A_1849 = arith.cmpf oeq, %reshape3A, %eq3A_1848 : vector<400x1024xf32>
      %jit3A_1850 = arith.constant 2147483647 : i32
      %broadcast_in_dim3A_1851 = vector.broadcast %jit3A_1850 : i32 to vector<400x1024xi32>
      %select_n3A_1852 = arith.select %eq3A_1849, %iota3A, %broadcast_in_dim3A_1851 : vector<400x1024xi1>, vector<400x1024xi32>
      %reduce_min3A_1853 = arith.constant dense<2147483647> : vector<1024xi32>
      %reduce_min3A_1854 = vector.multi_reduction <minsi>, %select_n3A_1852, %reduce_min3A_1853 [0] : vector<400x1024xi32> to vector<1024xi32>
      %broadcast_in_dim3A_1855 = vector.shape_cast %reduce_min3A_1854 : vector<1024xi32> to vector<1x1024xi32>
      %bitcast_convert_type3A_1856 = tpu.bitcast %broadcast_in_dim3A_1847 : vector<1x1024xf32> -> vector<1x1024xi32>
      %shift_right_arithmetic3A = arith.constant 3 : i32
      %shift_right_arithmetic3A_1857 = vector.broadcast %shift_right_arithmetic3A : i32 to vector<1x1024xi32>
      %shift_right_arithmetic3A_1858 = arith.shrsi %broadcast_in_dim3A_1855, %shift_right_arithmetic3A_1857 : vector<1x1024xi32>
      %mul3A_1859 = arith.constant 2000 : i32
      %mul3A_1860 = vector.broadcast %mul3A_1859 : i32 to vector<1x1024xi32>
      %mul3A_1861 = arith.muli %shift_right_arithmetic3A_1858, %mul3A_1860 : vector<1x1024xi32>
      %and3A_1862 = arith.constant 2047 : i32
      %and3A_1863 = vector.broadcast %and3A_1862 : i32 to vector<1x1024xi32>
      %and3A_1864 = arith.andi %bitcast_convert_type3A_1856, %and3A_1863 : vector<1x1024xi32>
      %add3A_1865 = arith.addi %mul3A_1861, %and3A_1864 : vector<1x1024xi32>
      %eq3A_1866 = vector.broadcast %broadcast_in_dim3A_1855 : vector<1x1024xi32> to vector<400x1024xi32>
      %eq3A_1867 = arith.cmpi eq, %iota3A, %eq3A_1866 : vector<400x1024xi32>
      %jit3A_1868 = arith.constant 0x7F800000 : f32
      %broadcast_in_dim3A_1869 = vector.broadcast %jit3A_1868 : f32 to vector<400x1024xf32>
      %select_n3A_1870 = arith.select %eq3A_1867, %broadcast_in_dim3A_1869, %reshape3A : vector<400x1024xi1>, vector<400x1024xf32>
      %reduce_min3A_1871 = arith.constant dense<0x7F800000> : vector<1024xf32>
      %reduce_min3A_1872 = vector.multi_reduction <minimumf>, %select_n3A_1870, %reduce_min3A_1871 [0] : vector<400x1024xf32> to vector<1024xf32>
      %broadcast_in_dim3A_1873 = vector.shape_cast %reduce_min3A_1872 : vector<1024xf32> to vector<1x1024xf32>
      %eq3A_1874 = vector.broadcast %broadcast_in_dim3A_1873 : vector<1x1024xf32> to vector<400x1024xf32>
      %eq3A_1875 = arith.cmpf oeq, %select_n3A_1870, %eq3A_1874 : vector<400x1024xf32>
      %jit3A_1876 = arith.constant 2147483647 : i32
      %broadcast_in_dim3A_1877 = vector.broadcast %jit3A_1876 : i32 to vector<400x1024xi32>
      %select_n3A_1878 = arith.select %eq3A_1875, %iota3A, %broadcast_in_dim3A_1877 : vector<400x1024xi1>, vector<400x1024xi32>
      %reduce_min3A_1879 = arith.constant dense<2147483647> : vector<1024xi32>
      %reduce_min3A_1880 = vector.multi_reduction <minsi>, %select_n3A_1878, %reduce_min3A_1879 [0] : vector<400x1024xi32> to vector<1024xi32>
      %broadcast_in_dim3A_1881 = vector.shape_cast %reduce_min3A_1880 : vector<1024xi32> to vector<1x1024xi32>
      %bitcast_convert_type3A_1882 = tpu.bitcast %broadcast_in_dim3A_1873 : vector<1x1024xf32> -> vector<1x1024xi32>
      %shift_right_arithmetic3A_1883 = arith.constant 3 : i32
      %shift_right_arithmetic3A_1884 = vector.broadcast %shift_right_arithmetic3A_1883 : i32 to vector<1x1024xi32>
      %shift_right_arithmetic3A_1885 = arith.shrsi %broadcast_in_dim3A_1881, %shift_right_arithmetic3A_1884 : vector<1x1024xi32>
      %mul3A_1886 = arith.constant 2000 : i32
      %mul3A_1887 = vector.broadcast %mul3A_1886 : i32 to vector<1x1024xi32>
      %mul3A_1888 = arith.muli %shift_right_arithmetic3A_1885, %mul3A_1887 : vector<1x1024xi32>
      %and3A_1889 = arith.constant 2047 : i32
      %and3A_1890 = vector.broadcast %and3A_1889 : i32 to vector<1x1024xi32>
      %and3A_1891 = arith.andi %bitcast_convert_type3A_1882, %and3A_1890 : vector<1x1024xi32>
      %add3A_1892 = arith.addi %mul3A_1888, %and3A_1891 : vector<1x1024xi32>
      %eq3A_1893 = vector.broadcast %broadcast_in_dim3A_1881 : vector<1x1024xi32> to vector<400x1024xi32>
      %eq3A_1894 = arith.cmpi eq, %iota3A, %eq3A_1893 : vector<400x1024xi32>
      %jit3A_1895 = arith.constant 0x7F800000 : f32
      %broadcast_in_dim3A_1896 = vector.broadcast %jit3A_1895 : f32 to vector<400x1024xf32>
      %select_n3A_1897 = arith.select %eq3A_1894, %broadcast_in_dim3A_1896, %select_n3A_1870 : vector<400x1024xi1>, vector<400x1024xf32>
      %reduce_min3A_1898 = arith.constant dense<0x7F800000> : vector<1024xf32>
      %reduce_min3A_1899 = vector.multi_reduction <minimumf>, %select_n3A_1897, %reduce_min3A_1898 [0] : vector<400x1024xf32> to vector<1024xf32>
      %broadcast_in_dim3A_1900 = vector.shape_cast %reduce_min3A_1899 : vector<1024xf32> to vector<1x1024xf32>
      %eq3A_1901 = vector.broadcast %broadcast_in_dim3A_1900 : vector<1x1024xf32> to vector<400x1024xf32>
      %eq3A_1902 = arith.cmpf oeq, %select_n3A_1897, %eq3A_1901 : vector<400x1024xf32>
      %jit3A_1903 = arith.constant 2147483647 : i32
      %broadcast_in_dim3A_1904 = vector.broadcast %jit3A_1903 : i32 to vector<400x1024xi32>
      %select_n3A_1905 = arith.select %eq3A_1902, %iota3A, %broadcast_in_dim3A_1904 : vector<400x1024xi1>, vector<400x1024xi32>
      %reduce_min3A_1906 = arith.constant dense<2147483647> : vector<1024xi32>
      %reduce_min3A_1907 = vector.multi_reduction <minsi>, %select_n3A_1905, %reduce_min3A_1906 [0] : vector<400x1024xi32> to vector<1024xi32>
      %broadcast_in_dim3A_1908 = vector.shape_cast %reduce_min3A_1907 : vector<1024xi32> to vector<1x1024xi32>
      %bitcast_convert_type3A_1909 = tpu.bitcast %broadcast_in_dim3A_1900 : vector<1x1024xf32> -> vector<1x1024xi32>
      %shift_right_arithmetic3A_1910 = arith.constant 3 : i32
      %shift_right_arithmetic3A_1911 = vector.broadcast %shift_right_arithmetic3A_1910 : i32 to vector<1x1024xi32>
      %shift_right_arithmetic3A_1912 = arith.shrsi %broadcast_in_dim3A_1908, %shift_right_arithmetic3A_1911 : vector<1x1024xi32>
      %mul3A_1913 = arith.constant 2000 : i32
      %mul3A_1914 = vector.broadcast %mul3A_1913 : i32 to vector<1x1024xi32>
      %mul3A_1915 = arith.muli %shift_right_arithmetic3A_1912, %mul3A_1914 : vector<1x1024xi32>
      %and3A_1916 = arith.constant 2047 : i32
      %and3A_1917 = vector.broadcast %and3A_1916 : i32 to vector<1x1024xi32>
      %and3A_1918 = arith.andi %bitcast_convert_type3A_1909, %and3A_1917 : vector<1x1024xi32>
      %add3A_1919 = arith.addi %mul3A_1915, %and3A_1918 : vector<1x1024xi32>
      %eq3A_1920 = vector.broadcast %broadcast_in_dim3A_1908 : vector<1x1024xi32> to vector<400x1024xi32>
      %eq3A_1921 = arith.cmpi eq, %iota3A, %eq3A_1920 : vector<400x1024xi32>
      %jit3A_1922 = arith.constant 0x7F800000 : f32
      %broadcast_in_dim3A_1923 = vector.broadcast %jit3A_1922 : f32 to vector<400x1024xf32>
      %select_n3A_1924 = arith.select %eq3A_1921, %broadcast_in_dim3A_1923, %select_n3A_1897 : vector<400x1024xi1>, vector<400x1024xf32>
      %reduce_min3A_1925 = arith.constant dense<0x7F800000> : vector<1024xf32>
      %reduce_min3A_1926 = vector.multi_reduction <minimumf>, %select_n3A_1924, %reduce_min3A_1925 [0] : vector<400x1024xf32> to vector<1024xf32>
      %broadcast_in_dim3A_1927 = vector.shape_cast %reduce_min3A_1926 : vector<1024xf32> to vector<1x1024xf32>
      %eq3A_1928 = vector.broadcast %broadcast_in_dim3A_1927 : vector<1x1024xf32> to vector<400x1024xf32>
      %eq3A_1929 = arith.cmpf oeq, %select_n3A_1924, %eq3A_1928 : vector<400x1024xf32>
      %jit3A_1930 = arith.constant 2147483647 : i32
      %broadcast_in_dim3A_1931 = vector.broadcast %jit3A_1930 : i32 to vector<400x1024xi32>
      %select_n3A_1932 = arith.select %eq3A_1929, %iota3A, %broadcast_in_dim3A_1931 : vector<400x1024xi1>, vector<400x1024xi32>
      %reduce_min3A_1933 = arith.constant dense<2147483647> : vector<1024xi32>
      %reduce_min3A_1934 = vector.multi_reduction <minsi>, %select_n3A_1932, %reduce_min3A_1933 [0] : vector<400x1024xi32> to vector<1024xi32>
      %broadcast_in_dim3A_1935 = vector.shape_cast %reduce_min3A_1934 : vector<1024xi32> to vector<1x1024xi32>
      %bitcast_convert_type3A_1936 = tpu.bitcast %broadcast_in_dim3A_1927 : vector<1x1024xf32> -> vector<1x1024xi32>
      %shift_right_arithmetic3A_1937 = arith.constant 3 : i32
      %shift_right_arithmetic3A_1938 = vector.broadcast %shift_right_arithmetic3A_1937 : i32 to vector<1x1024xi32>
      %shift_right_arithmetic3A_1939 = arith.shrsi %broadcast_in_dim3A_1935, %shift_right_arithmetic3A_1938 : vector<1x1024xi32>
      %mul3A_1940 = arith.constant 2000 : i32
      %mul3A_1941 = vector.broadcast %mul3A_1940 : i32 to vector<1x1024xi32>
      %mul3A_1942 = arith.muli %shift_right_arithmetic3A_1939, %mul3A_1941 : vector<1x1024xi32>
      %and3A_1943 = arith.constant 2047 : i32
      %and3A_1944 = vector.broadcast %and3A_1943 : i32 to vector<1x1024xi32>
      %and3A_1945 = arith.andi %bitcast_convert_type3A_1936, %and3A_1944 : vector<1x1024xi32>
      %add3A_1946 = arith.addi %mul3A_1942, %and3A_1945 : vector<1x1024xi32>
      %eq3A_1947 = vector.broadcast %broadcast_in_dim3A_1935 : vector<1x1024xi32> to vector<400x1024xi32>
      %eq3A_1948 = arith.cmpi eq, %iota3A, %eq3A_1947 : vector<400x1024xi32>
      %jit3A_1949 = arith.constant 0x7F800000 : f32
      %broadcast_in_dim3A_1950 = vector.broadcast %jit3A_1949 : f32 to vector<400x1024xf32>
      %select_n3A_1951 = arith.select %eq3A_1948, %broadcast_in_dim3A_1950, %select_n3A_1924 : vector<400x1024xi1>, vector<400x1024xf32>
      %reduce_min3A_1952 = arith.constant dense<0x7F800000> : vector<1024xf32>
      %reduce_min3A_1953 = vector.multi_reduction <minimumf>, %select_n3A_1951, %reduce_min3A_1952 [0] : vector<400x1024xf32> to vector<1024xf32>
      %broadcast_in_dim3A_1954 = vector.shape_cast %reduce_min3A_1953 : vector<1024xf32> to vector<1x1024xf32>
      %eq3A_1955 = vector.broadcast %broadcast_in_dim3A_1954 : vector<1x1024xf32> to vector<400x1024xf32>
      %eq3A_1956 = arith.cmpf oeq, %select_n3A_1951, %eq3A_1955 : vector<400x1024xf32>
      %jit3A_1957 = arith.constant 2147483647 : i32
      %broadcast_in_dim3A_1958 = vector.broadcast %jit3A_1957 : i32 to vector<400x1024xi32>
      %select_n3A_1959 = arith.select %eq3A_1956, %iota3A, %broadcast_in_dim3A_1958 : vector<400x1024xi1>, vector<400x1024xi32>
      %reduce_min3A_1960 = arith.constant dense<2147483647> : vector<1024xi32>
      %reduce_min3A_1961 = vector.multi_reduction <minsi>, %select_n3A_1959, %reduce_min3A_1960 [0] : vector<400x1024xi32> to vector<1024xi32>
      %broadcast_in_dim3A_1962 = vector.shape_cast %reduce_min3A_1961 : vector<1024xi32> to vector<1x1024xi32>
      %bitcast_convert_type3A_1963 = tpu.bitcast %broadcast_in_dim3A_1954 : vector<1x1024xf32> -> vector<1x1024xi32>
      %shift_right_arithmetic3A_1964 = arith.constant 3 : i32
      %shift_right_arithmetic3A_1965 = vector.broadcast %shift_right_arithmetic3A_1964 : i32 to vector<1x1024xi32>
      %shift_right_arithmetic3A_1966 = arith.shrsi %broadcast_in_dim3A_1962, %shift_right_arithmetic3A_1965 : vector<1x1024xi32>
      %mul3A_1967 = arith.constant 2000 : i32
      %mul3A_1968 = vector.broadcast %mul3A_1967 : i32 to vector<1x1024xi32>
      %mul3A_1969 = arith.muli %shift_right_arithmetic3A_1966, %mul3A_1968 : vector<1x1024xi32>
      %and3A_1970 = arith.constant 2047 : i32
      %and3A_1971 = vector.broadcast %and3A_1970 : i32 to vector<1x1024xi32>
      %and3A_1972 = arith.andi %bitcast_convert_type3A_1963, %and3A_1971 : vector<1x1024xi32>
      %add3A_1973 = arith.addi %mul3A_1969, %and3A_1972 : vector<1x1024xi32>
      %concatenate3A_1974 = tpu.concatenate %add3A_1865, %add3A_1892, %add3A_1919, %add3A_1946, %add3A_1973 in 0 : vector<1x1024xi32>, vector<1x1024xi32>, vector<1x1024xi32>, vector<1x1024xi32>, vector<1x1024xi32> -> vector<5x1024xi32>
      %swap3A_1975 = arith.constant 0 : index
      %swap3A_1976 = arith.constant 0 : index
      %swap3A_1977 = vector.load %arg6[%swap3A_1975, %swap3A_1976] : memref<5x1024xi32, #tpu.memory_space<vmem>>, vector<5x1024xi32>
      tpu.vector_store %arg6[%swap3A_1975, %swap3A_1976], %concatenate3A_1974 {strides = array<i32>} : memref<5x1024xi32, #tpu.memory_space<vmem>>, vector<5x1024xi32>,
    } else {
    }
    return
  }
  func.func @transform_0(%arg0: i32) -> (i32, i32) {
    %c0_i32 = arith.constant 0 : i32
    %c0_i32_0 = arith.constant 0 : i32
    %c0_i32_1 = arith.constant 0 : i32
    return %c0_i32, %c0_i32_0 : i32, i32
  }
  func.func @transform_1(%arg0: i32) -> (i32, i32) {
    %c0_i32 = arith.constant 0 : i32
    %c0_i32_0 = arith.constant 0 : i32
    %c0_i32_1 = arith.constant 0 : i32
    return %c0_i32, %c0_i32_0 : i32, i32
  }
  func.func @transform_2(%arg0: i32) -> (i32, i32) {
    %c0_i32 = arith.constant 0 : i32
    %c0_i32_0 = arith.constant 0 : i32
    %c0_i32_1 = arith.constant 0 : i32
    return %c0_i32, %c0_i32_0 : i32, i32
  }
  func.func @transform_3(%arg0: i32) -> (i32, i32) {
    %c0_i32 = arith.constant 0 : i32
    %c0_i32_0 = arith.constant 0 : i32
    return %arg0, %c0_i32 : i32, i32
  }
  func.func @transform_4(%arg0: i32) -> (i32, i32) {
    %c0_i32 = arith.constant 0 : i32
    %c0_i32_0 = arith.constant 0 : i32
    %c0_i32_1 = arith.constant 0 : i32
    return %c0_i32, %c0_i32_0 : i32, i32
  }
  func.func @transform_5(%arg0: i32) -> (i32, i32) {
    %c0_i32 = arith.constant 0 : i32
    %c0_i32_0 = arith.constant 0 : i32
    %c0_i32_1 = arith.constant 0 : i32
    return %c0_i32, %c0_i32_0 : i32, i32
  }
}

</mosaic_0001>

<sc_bundles>
// kernel: kernel.5.cloned.1.call-start
scs
__scs_entry_jumppad:
0x0: {  	(pc) =	sbr.rel $0x88, $3  }
0x1: {  	(tag) =	ssettag $0x0;
	lr =	simm.s32 $0x1  }
0x2: {  	[smem:$0x3F9D] =	sst lr;
	_ =	strace $0xD0000000  }
0x3: {  	_ = 	snop  }
0x4: {  	_ = 	snop  }
0x5: {  	_ = 	snop  }
0x6: {  	_ = 	snop  }
0x7: {  	_ = 	snop  }
__scs_overlays_trampoline_lowered:
0x8: {  	[smem:$0x3FAC] =	sst s0  }
0x9: {  	[smem:$0x3FAD] =	sst s1  }
0xa: {  	[smem:$0x3FAE] =	sst s2  }
0xb: {  	[smem:$0x3FAF] =	sst s3  }
0xc: {  	[smem:$0x3FB0] =	sst s4  }
0xd: {  	[smem:$0x3FB1] =	sst s5  }
0xe: {  	[smem:$0x3FB2] =	sst s6  }
0xf: {  	[smem:$0x3FB3] =	sst s7  }
0x10: {  	[smem:$0x3FB4] =	sst s8  }
0x11: {  	[smem:$0x3FB5] =	sst s9;
	s0 =	simm.s32 @!p0 $0x0  }
0x12: {  	s1 =	sld [smem:$0x3F9B];
	s0 =	simm.s32 @p0 $0x1  }
0x13: {  	[smem:$0x3FB6] =	sst s0;
	s0 =	simm.s32 @!p1 $0x0  }
0x14: {  	s2 =	sld [smem:$0x3F9A];
	s0 =	simm.s32 @p1 $0x1  }
0x15: {  	[smem:$0x3FB7] =	sst s0;
	s0 =	simm.s32 @!p2 $0x0  }
0x16: {  	s3 =	sld [smem:$0x3FDB];
	s0 =	simm.s32 @p2 $0x1  }
0x17: {  	s4 =	simm.s32 $0x1BF5;
	[smem:$0x3FB9] =	sst s0  }
0x18: {  	s0 =	sld [smem:$0x3F9C];
	_ =	swait.ge [sflag:s4], $0x0  }
0x19: {  	s7 =	sld [smem:$0x3F9D]  }
0x1a: {  	s8 =	sadd.s32 $0xFFFFE003, lr  }
0x1b: {  	s9 =	sadd.s32 $0xFFFFFEF7, lr;
	s5 =	simm.s32 $0xFFFFFFFF;
	p2 =	slt.u32 s8, $0xFFFFF086  }
0x1c: {  	p1 =	slt.u32 s9, $0xF7A;
	s5 =	simm.s32 @!p2 $0x0  }
0x1d: {  	s5 =	simm.s32 @p1 $0x1;
	p0 =	seq.s32 s7, s2  }
0x1e: {  	s7 =	smul.u32 @!p0 $0xF7A, s2;
	p2 =	seq.s32 @!p0 s5, $0x0  }
0x1f: {  	s9 =	smul.u32 $0xF7A, s1;
	s8 =	simm.s32 @!p0 $0x1BF5;
	p2 =	por !p2, p0  }
0x20: {  	[sflag:s8] =	ssyncset.s32 @!p0 $0xFFFFF086;
	s6 =	sadd.s32 @!p0 s3, s7;
	s7 =	simm.s32 @!p0 $0x108  }
0x21: {  	s3 =	sadd.s32 s3, s9;
	s6 =	sadd.s32 @!p0 $0x88, s6;
	s7 =	simm.s32 @p2 $0x1082  }
0x22: {  	[simem:s7], [sflag:s8] =	dma.local @!p0 [hbm:s6], $0xF7A  }
0x23: {  	s9 =	sor.u32 $0xD0000000, s2;
	s6 =	simm.s32 $0x108;
	_ =	swait.ge @!p0 [sflag:s8], $0x0  }
0x24: {  	s3 =	sadd.s32 $0x88, s3;
	s6 =	simm.s32 @!p1 $0x1082;
	[sflag:s4] =	ssyncset.s32 $0xFFFFF086  }
0x25: {  	[simem:s6], [sflag:s4] =	dma.local [hbm:s3], $0xF7A  }
0x26: {  	[smem:$0x3F9D] =	sst s1;
	(tag) =	ssettag s2;
	_ =	strace s9  }
0x27: {  	s1 =	sld [smem:$0x3FAD]  }
0x28: {  	s2 =	sld [smem:$0x3FAE]  }
0x29: {  	s4 =	sld [smem:$0x3FB0]  }
0x2a: {  	p0 =	seq.s32 s5, $0x0;
	s5 =	sld [smem:$0x3FB1]  }
0x2b: {  	s6 =	sld [smem:$0x3FB2]  }
0x2c: {  	s7 =	sld [smem:$0x3FB3]  }
0x2d: {  	s3 =	simm.s32 $0x108;
	s8 =	sld [smem:$0x3FB4]  }
0x2e: {  	s3 =	simm.s32 @!p0 $0x1082;
	s9 =	sld [smem:$0x3FB5]  }
0x2f: {  	lr =	sadd.s32 s0, s3;
	s0 =	sld [smem:$0x3FAC]  }
0x30: {  	s3 =	sld [smem:$0x3FAF]  }
0x31: {  	[smem:$0x3FB8] =	sst s10  }
0x32: {  	s10 =	sld [smem:$0x3FB6];
	_ =	sdelay $0x3  }
0x33: {  	p0 =	seq.s32 s10, $0x1;
	s10 =	sld [smem:$0x3FB8];
	_ =	sdelay $0x3  }
0x34: {  	[smem:$0x3FB8] =	sst s10  }
0x35: {  	s10 =	sld [smem:$0x3FB7];
	_ =	sdelay $0x3  }
0x36: {  	p1 =	seq.s32 s10, $0x1;
	s10 =	sld [smem:$0x3FB8];
	_ =	sdelay $0x3  }
0x37: {  	[smem:$0x3FB8] =	sst s10  }
0x38: {  	s10 =	sld [smem:$0x3FB9]  }
0x39: {  	_ = 	snop;
	(pc) =	sbr.ind lr, $3  }
0x3a: {  	_ = 	snop  }
0x3b: {  	_ = 	snop  }
0x3c: {  	p2 =	seq.s32 s10, $0x1;
	s10 =	sld [smem:$0x3FB8]  }
0x3d: {  	_ =	shalt  }
0x3e: {  	_ =	shalt  }
0x3f: {  	_ =	shalt  }
0x40: {  	_ =	shalt  }
0x41: {  	_ =	shalt  }
0x42: {  	_ =	shalt  }
0x43: {  	_ =	shalt  }
0x44: {  	_ =	shalt  }
0x45: {  	_ =	shalt  }
0x46: {  	_ =	shalt  }
0x47: {  	_ =	shalt  }
0x48: {  	_ =	shalt  }
0x49: {  	_ =	shalt  }
0x4a: {  	_ =	shalt  }
0x4b: {  	_ =	shalt  }
0x4c: {  	_ =	shalt  }
0x4d: {  	_ =	shalt  }
0x4e: {  	_ =	shalt  }
0x4f: {  	_ =	shalt  }
0x50: {  	_ =	shalt  }
0x51: {  	_ =	shalt  }
0x52: {  	_ =	shalt  }
0x53: {  	_ =	shalt  }
0x54: {  	_ =	shalt  }
0x55: {  	_ =	shalt  }
0x56: {  	_ =	shalt  }
0x57: {  	_ =	shalt  }
0x58: {  	_ =	shalt  }
0x59: {  	_ =	shalt  }
0x5a: {  	_ =	shalt  }
0x5b: {  	_ =	shalt  }
0x5c: {  	_ =	shalt  }
0x5d: {  	_ =	shalt  }
0x5e: {  	_ =	shalt  }
0x5f: {  	_ =	shalt  }
0x60: {  	_ =	shalt  }
0x61: {  	_ =	shalt  }
0x62: {  	_ =	shalt  }
0x63: {  	_ =	shalt  }
0x64: {  	_ =	shalt  }
0x65: {  	_ =	shalt  }
0x66: {  	_ =	shalt  }
0x67: {  	_ =	shalt  }
0x68: {  	_ =	shalt  }
0x69: {  	_ =	shalt  }
0x6a: {  	_ =	shalt  }
0x6b: {  	_ =	shalt  }
0x6c: {  	_ =	shalt  }
0x6d: {  	_ =	shalt  }
0x6e: {  	_ =	shalt  }
0x6f: {  	_ =	shalt  }
0x70: {  	_ =	shalt  }
0x71: {  	_ =	shalt  }
0x72: {  	_ =	shalt  }
0x73: {  	_ =	shalt  }
0x74: {  	_ =	shalt  }
0x75: {  	_ =	shalt  }
0x76: {  	_ =	shalt  }
0x77: {  	_ =	shalt  }
0x78: {  	_ =	shalt  }
0x79: {  	_ =	shalt  }
0x7a: {  	_ =	shalt  }
0x7b: {  	_ =	shalt  }
0x7c: {  	_ =	shalt  }
0x7d: {  	_ =	shalt  }
0x7e: {  	_ =	shalt  }
0x7f: {  	_ =	shalt  }
0x80: {  	_ =	shalt  }
0x81: {  	_ =	shalt  }
0x82: {  	_ =	shalt  }
0x83: {  	_ =	shalt  }
0x84: {  	_ =	shalt  }
0x85: {  	_ =	shalt  }
0x86: {  	_ =	shalt  }
0x87: {  	_ =	shalt  }
.Lfunc_end0:
.L_simem_size_0:
called_computation_lowered:
.L_overlay_start_0:
0x88: {  	s2 =	sld [smem:$0x3FD9]  }
0x89: {  	s3 =	sld [smem:$0x3FFE];
	_ =	sdelay $0x1  }
0x8a: {  	s1 =	srdreg.scid  }
0x8b: {  	s0 =	sand.u32 $0x1, s1  }
0x8c: {  	s14 =	sshll.u32 s0, $0xA;
	s2 =	sadd.s32 s3, s2  }
0x8d: {  	s2 =	sadd.s32 s2, s14  }
0x8e: {  	[smem:$0x3FC4] =	sst s2  }
0x8f: {  	_ = 	snop  }
0x90: {  	s2 =	sld [smem:$0x3FD0];
	_ =	sdelay $0x2  }
0x91: {  	s4 =	simm.s32 $0xA;
	s5 =	simm.s32 $0x10;
	s15 =	sld [smem:$0x3FC8]  }
0x92: {  	[smem:s5], [sflag:s4] =	dma.local [hbm:s2], $0x1  }
0x93: {  	_ =	swait.eq [sflag:s4], $0x1  }
0x94: {  	[sflag:s4] =	ssyncset.done $0x0  }
0x95: {  	[sflag:s4] =	ssyncadd.s32 $0xFFFFFFFF  }
0x96: {  	s16 =	sld [smem:$0x10];
	(tm) =	ssettm $0x1  }
0x97: {  	s17 =	sld [smem:$0x3FFB];
	_ =	sdelay $0x3  }
0x98: {  	_ =	strace s17  }
0x99: {  	s4 =	sld [smem:$0x3FFC];
	_ =	sdelay $0x3  }
0x9a: {  	_ =	strace s4  }
0x9b: {  	s4 =	sld [smem:$0x3FFD];
	_ =	sdelay $0x3  }
0x9c: {  	_ =	strace s4  }
0x9d: {  	_ =	strace $0x8FFFFFFF  }
0x9e: {  	s18 =	sld [smem:$0x3FDB];
	_ =	sdelay $0x1  }
0x9f: {  	s19 =	simm.s32 $_scs_section_size  }
0xa0: {  	s6 =	simm.s32 $_size__tile_overlayer_lowered;
	s7 =	simm.s32 $_tile_overlayer_lowered  }
0xa1: {  	s22 =	simm.s32 $0x1BFF;
	s21 =	sshll.u32 s7, $0x1;
	s4 =	sadd.s32 s19, s18  }
0xa2: {  	s8 =	simm.s32 $0x0;
	s20 =	sshll.u32 s6, $0x1;
	s6 =	sadd.s32 s21, s4  }
0xa3: {  	[timem:s8], [sflag:s22] =	dma.local [hbm:s6], s20  }
0xa4: {  	_ =	swait.ge [sflag:s22], s20  }
0xa5: {  	s5 =	ssub.s32 $0x0, s20;
	[sflag:s22] =	ssyncset.done $0x0  }
0xa6: {  	[sflag:s22] =	ssyncadd.s32 s5;
	_ =	sdelay $0x1  }
0xa7: {  	s23 =	simm.s32 $0x1B8B  }
0xa8: {  	_ =	swait.ge [sflag:s23], $0x1  }
0xa9: {  	[sflag:s23] =	ssyncset.done $0x0  }
0xaa: {  	s25 =	simm.s32 $0x1B8E;
	s24 =	sld [smem:$0x3FFE];
	[sflag:s23] =	ssyncadd.s32 $0xFFFFFFFF  }
0xab: {  	s26 =	simm.s32 $execute0_lowered;
	[smem:$0x3FD2] =	sst s25  }
0xac: {  	s6 =	sshll.u32 s26, $0x1;
	_ =	strace $0x80000046;
	[dreg:$0x1] =	wrdreg $0xFFFFFFFF  }
0xad: {  	s28 =	simm.s32 $_size_execute0_lowered;
	s4 =	sadd.s32 s4, s6;
	[dreg:$0x0] =	wrdreg $0x0  }
0xae: {  	s6 =	sshll.u32 s28, $0x1;
	[dreg:$0x2] =	wrdreg s4  }
0xaf: {  	[dreg:$0x3] =	wrdreg s6  }
0xb0: {  	[dreg:$0x4] =	wrdreg $0xC0  }
0xb1: {  	_ =	task [dreg:s8], $0x5FFFF  }
0xb2: {  	[dreg:$0x1] =	wrdreg $0xFFFFFFFF  }
0xb3: {  	[dreg:$0x0] =	wrdreg $0x60  }
0xb4: {  	[dreg:$0x2] =	wrdreg s24  }
0xb5: {  	[dreg:$0x3] =	wrdreg s15  }
0xb6: {  	[dreg:$0x4] =	wrdreg s16  }
0xb7: {  	[dreg:$0x5] =	wrdreg $0x9  }
0xb8: {  	_ =	task.clear_ibuf [dreg:s8], $0x6FFFF;
	_ =	strace $0x90000046  }
0xb9: {  	s29 =	simm.s32 $0x9;
	_ =	strace $0x80000048  }
0xba: {  	_ =	swait.ge [sflag:s29], $0x1  }
0xbb: {  	[sflag:s29] =	ssyncadd.s32 $0xFFFFFFFF  }
0xbc: {  	_ =	strace $0x90000048  }
0xbd: {  	_ =	sfence  }
0xbe: {  	s30 =	sld [smem:$0x0];
	_ =	sdelay $0x2  }
0xbf: {  	s31 =	sshll.u32 s1, $0xD;
	s1 =	sshrl.u32 s1, $0x2  }
0xc0: {  	s3 =	sand.u32 $0x4000, s31;
	s1 =	sadd.s32 s1, s30  }
0xc1: {  	s0 =	sor.u32 s3, s0;
	s1 =	sshll.u32 s1, $0x11  }
0xc2: {  	s0 =	sor.u32 s1, s0  }
0xc3: {  	s0 =	sadd.s32 $0x8F2B, s0  }
0xc4: {  	[sflag:s0] =	ssyncadd.remote.s32 $0x1  }
0xc5: {  	_ =	sfence.sel $0xFFFF  }
0xc6: {  	[dreg:$0x0] =	wrdreg $0xFFFFFFFF;
	(pc) =	sbr.abs _section_cstart, $3  }
0xc7: {  	[dreg:$0x1] =	wrdreg $0xFFFFFFFF  }
0xc8: {  	_ =	task.clear_ibuf [dreg:s8], $0x2FFFF;
	_ =	strace $0x9FFFFFFF  }
0xc9: {  	(tm) =	ssettm $0x7FFFFFFF  }
tec
execute0_lowered:
.L_overlay_start_1:
0x0: {  	(tag) =	ssettag $0x1  }
0x1: {  	s1 =	srdreg.scid;
	s5 =	rddreg [dreg:$0x0]  }
0x2: {  	s0 =	stileid.u32;
	s2 =	rddreg [dreg:$0x1]  }
0x3: {  	s9 =	rddreg [dreg:$0x2];
	s12 =	simm.s32 $0x80;
	s13 =	simm.s32 $0x100  }
0x4: {  	s14 =	simm.s32 $0x180;
	s15 =	simm.s32 $0x200;
	s16 =	simm.s32 $0x20  }
0x5: {  	s17 =	simm.s32 $0x280;
	s18 =	simm.s32 $0x1280;
	s19 =	simm.s32 $0x2280  }
0x6: {  	s20 =	simm.s32 $0x3280;
	s21 =	simm.s32 $0x4280;
	s22 =	simm.s32 $0x1  }
0x7: {  	s23 =	simm.s32 $0x5280;
	s24 =	simm.s32 $0x0;
	s4 =	sand.u32 $0x1, s1  }
0x8: {  	s29 =	sshll.u32 s0, $0x6;
	s3 =	sshll.u32 s4, $0x5;
	s4 =	ssub.s32 $0x2, s4  }
0x9: {  	s30 =	sshll.u32 s0, $0x9;
	s7 =	sor.u32 s3, s29;
	s31 =	sshrl.u32 s4, $0x1  }
0xa: {  	s1 =	rddreg [dreg:$0x3];
	s3 =	sor.u32 s30, s7;
	s10 =	ssub.s32 s4, s31  }
0xb: {  	s11 =	sshll.u32 s7, $0x4;
	s6 =	sand.u32 $0x1C60, s3;
	s3 =	simm.s32 $0x0  }
0xc: {  	s9 =	sadd.s32 s9, s11;
	s10 =	smax.u32 s10, $0x1;
	s6 =	sshrl.u32 s6, $0x3  }
0xd: {  	s11 =	simm.s32 $0x2;
	[smem:$0x7FF] =	sst s3;
	s8 =	sadd.s32 s6, s5  }
0xe: {  	_ =	strace $0x80000047;
	s4 =	sadd.s32 $0x1200, s8;
	s5 =	sadd.s32 $0x1210, s8  }
0xf: {  	s6 =	sadd.s32 $0x1220, s8;
	s7 =	sadd.s32 $0x1230, s8;
	s8 =	sadd.s32 $0x1240, s8  }
.LBB2_1:
0x10: {  	[tilespmem:s3], [sflag:$0x2] =	stream.linear.gather [hbm4b:s4+s3], $0x20, $0x38;
	[tilespmem:$0x6280] =	vst v63  }
0x11: {  	_ =	swait.ge [sflag:s11], $0x20  }
0x12: {  	[sflag:s11] =	ssyncset.done $0x0  }
0x13: {  	[sflag:s11] =	ssyncadd.s32 $0xFFFFFFE0  }
0x14: {  	[tilespmem:s12], [sflag:$0x2] =	stream.linear.gather [hbm4b:s5+s3], $0x20, $0x38;
	[tilespmem:$0x6280] =	vst v63  }
0x15: {  	_ =	swait.ge [sflag:s11], $0x20  }
0x16: {  	[sflag:s11] =	ssyncset.done $0x0  }
0x17: {  	[sflag:s11] =	ssyncadd.s32 $0xFFFFFFE0  }
0x18: {  	[tilespmem:s13], [sflag:$0x2] =	stream.linear.gather [hbm4b:s6+s3], $0x20, $0x38;
	[tilespmem:$0x6280] =	vst v63  }
0x19: {  	_ =	swait.ge [sflag:s11], $0x20  }
0x1a: {  	[sflag:s11] =	ssyncset.done $0x0  }
0x1b: {  	[sflag:s11] =	ssyncadd.s32 $0xFFFFFFE0  }
0x1c: {  	[tilespmem:s14], [sflag:$0x2] =	stream.linear.gather [hbm4b:s7+s3], $0x20, $0x38;
	[tilespmem:$0x6280] =	vst v63  }
0x1d: {  	_ =	swait.ge [sflag:s11], $0x20  }
0x1e: {  	[sflag:s11] =	ssyncset.done $0x0  }
0x1f: {  	[sflag:s11] =	ssyncadd.s32 $0xFFFFFFE0  }
0x20: {  	[tilespmem:s15], [sflag:$0x2] =	stream.linear.gather [hbm4b:s8+s3], $0x20, $0x38;
	[tilespmem:$0x6280] =	vst v63  }
0x21: {  	_ =	swait.ge [sflag:s11], $0x20  }
0x22: {  	[sflag:s11] =	ssyncset.done $0x0  }
0x23: {  	[sflag:s11] =	ssyncadd.s32 $0xFFFFFFE0  }
0x24: {  	[tilespmem:s17], [sflag:$0x1] =	stream.indirect.gather [hbm4b:s2+s16], $0x80, s3, s16, $0xb8;
	[tilespmem:$0x6280] =	vst v63  }
0x25: {  	_ = 	snop  }
0x26: {  	[tilespmem:s18], [sflag:$0x1] =	stream.indirect.gather [hbm4b:s2+s16], $0x80, s12, s16, $0xb8;
	[tilespmem:$0x6280] =	vst v63  }
0x27: {  	_ = 	snop  }
0x28: {  	[tilespmem:s19], [sflag:$0x1] =	stream.indirect.gather [hbm4b:s2+s16], $0x80, s13, s16, $0xb8;
	[tilespmem:$0x6280] =	vst v63  }
0x29: {  	_ = 	snop  }
0x2a: {  	[tilespmem:s20], [sflag:$0x1] =	stream.indirect.gather [hbm4b:s2+s16], $0x80, s14, s16, $0xb8;
	[tilespmem:$0x6280] =	vst v63  }
0x2b: {  	_ = 	snop  }
0x2c: {  	[tilespmem:s21], [sflag:$0x1] =	stream.indirect.gather [hbm4b:s2+s16], $0x80, s15, s16, $0xb8;
	[tilespmem:$0x6280] =	vst v63  }
0x2d: {  	_ =	swait.ge [sflag:s22], $0x1000  }
0x2e: {  	[sflag:s22] =	ssyncset.done $0x0  }
0x2f: {  	[sflag:s22] =	ssyncadd.s32 $0xFFFFF000  }
0x30: {  	_ =	swait.ge [sflag:s22], $0x1000  }
0x31: {  	[sflag:s22] =	ssyncset.done $0x0  }
0x32: {  	[sflag:s22] =	ssyncadd.s32 $0xFFFFF000  }
0x33: {  	_ =	swait.ge [sflag:s22], $0x1000  }
0x34: {  	[sflag:s22] =	ssyncset.done $0x0  }
0x35: {  	[sflag:s22] =	ssyncadd.s32 $0xFFFFF000  }
0x36: {  	_ =	swait.ge [sflag:s22], $0x1000  }
0x37: {  	[sflag:s22] =	ssyncset.done $0x0  }
0x38: {  	[sflag:s22] =	ssyncadd.s32 $0xFFFFF000  }
0x39: {  	_ =	swait.ge [sflag:s22], $0x1000  }
0x3a: {  	[sflag:s22] =	ssyncset.done $0x0  }
0x3b: {  	s25 =	simm.s32 $0x0;
	[sflag:s22] =	ssyncadd.s32 $0xFFFFF000  }
0x3c: {  	v0 =	vld [tilespmem:s25+$0x2F0]  }
0x3d: {  	v1 =	vld [tilespmem:s25+$0x12F0]  }
0x3e: {  	v2 =	vld [tilespmem:s25+$0x280]  }
0x3f: {  	v3 =	vld [tilespmem:s25+$0x22F0]  }
0x40: {  	v4 =	vld [tilespmem:s25+$0x1280]  }
0x41: {  	v5 =	vld [tilespmem:s25+$0x32F0]  }
0x42: {  	v6 =	vld [tilespmem:s25+$0x290]  }
0x43: {  	v7 =	vld [tilespmem:s25+$0x1290]  }
0x44: {  	v8 =	vld [tilespmem:s25+$0x12A0]  }
0x45: {  	v9 =	vld [tilespmem:s25+$0x12B0]  }
0x46: {  	v10 =	vld [tilespmem:s25+$0x12C0]  }
0x47: {  	v11 =	vld [tilespmem:s25+$0x2D0]  }
0x48: {  	v12 =	vld [tilespmem:s25+$0x12D0]  }
0x49: {  	v13 =	vld [tilespmem:s25+$0x12E0]  }
0x4a: {  	v14 =	vld [tilespmem:s25+$0x2280]  }
0x4b: {  	v15 =	vld [tilespmem:s25+$0x2290]  }
0x4c: {  	v16 =	vld [tilespmem:s25+$0x22A0]  }
0x4d: {  	v17 =	vld [tilespmem:s25+$0x22B0]  }
0x4e: {  	v18 =	vld [tilespmem:s25+$0x22C0]  }
0x4f: {  	v19 =	vld [tilespmem:s25+$0x22D0]  }
0x50: {  	v20 =	vld [tilespmem:s25+$0x22E0]  }
0x51: {  	v21 =	vld [tilespmem:s25+$0x3280];
	v0 =	vadd.f32 v1, v0  }
0x52: {  	v1 =	vld [tilespmem:s25+$0x42F0]  }
0x53: {  	v22 =	vld [tilespmem:s25+$0x3290];
	v0 =	vadd.f32 v3, v0  }
0x54: {  	v23 =	vld [tilespmem:s25+$0x32A0]  }
0x55: {  	v58 =	vld [tilespmem:s25+$0x4280];
	v0 =	vadd.f32 v5, v0  }
0x56: {  	v59 =	vld [tilespmem:s25+$0x4290]  }
0x57: {  	v3 =	vld [tilespmem:s25+$0x2A0];
	v0 =	vadd.f32 v1, v0  }
0x58: {  	v2 =	vadd.f32 v4, v2;
	v4 =	vadd.f32 v7, v6;
	v5 =	vld [tilespmem:s25+$0x2B0]  }
0x59: {  	v7 =	vadd.f32 v12, v11;
	v1 =	vld [tilespmem:s25+$0x2C0];
	v0 =	vmul.f32 $2.000000030e-01, v0  }
0x5a: {  	v61 =	vld [tilespmem:s25+$0x42A0];
	v2 =	vadd.f32 v14, v2;
	v4 =	vadd.f32 v15, v4  }
0x5b: {  	v60 =	vadd.f32 v19, v7;
	[tilespmem:s25+$0x52F0] =	vst v0;
	v0 =	vld [tilespmem:s25+$0x2E0]  }
0x5c: {  	v6 =	vld [tilespmem:s25+$0x32B0];
	v2 =	vadd.f32 v21, v2;
	v62 =	vadd.f32 v22, v4  }
0x5d: {  	v3 =	vadd.f32 v8, v3;
	v5 =	vadd.f32 v9, v5;
	v9 =	vld [tilespmem:s25+$0x32C0]  }
0x5e: {  	v12 =	vadd.f32 v58, v2;
	v1 =	vadd.f32 v10, v1;
	v10 =	vld [tilespmem:s25+$0x32D0]  }
0x5f: {  	v11 =	vld [tilespmem:s25+$0x32E0];
	v3 =	vadd.f32 v16, v3;
	v5 =	vadd.f32 v17, v5  }
0x60: {  	v8 =	vld [tilespmem:s25+$0x42B0];
	v1 =	vadd.f32 v18, v1;
	v0 =	vadd.f32 v13, v0  }
0x61: {  	v7 =	vld [tilespmem:s25+$0x42C0];
	v63 =	vadd.f32 v23, v3;
	v6 =	vadd.f32 v6, v5  }
0x62: {  	v5 =	vld [tilespmem:s25+$0x42D0];
	v3 =	vadd.f32 v9, v1;
	v0 =	vadd.f32 v20, v0  }
0x63: {  	s26 =	simm.s32 $0x80;
	v4 =	vld [tilespmem:s25+$0x42E0];
	v9 =	vadd.f32 v59, v62;
	v2 =	vadd.f32 v10, v60  }
0x64: {  	s28 =	simm.s32 $0x400;
	v1 =	vld [tilespmem:s26+$0x2F0];
	v10 =	vadd.f32 v61, v63;
	v0 =	vadd.f32 v11, v0;
	v11 =	vmul.f32 $2.000000030e-01, v12  }
.LBB2_2:
0x65: {  	p0 =	sne.s32 s28, $0x3E00;
	v12 =	vld [tilespmem:s26+$0x12F0];
	v9 =	vmul.f32 $2.000000030e-01, v9;
	v6 =	vadd.f32 v8, v6  }
0x66: {  	v8 =	vld [tilespmem:s26+$0x280];
	[tilespmem:s25+$0x5280] =	vst v11;
	v10 =	vmul.f32 $2.000000030e-01, v10;
	v3 =	vadd.f32 v7, v3  }
0x67: {  	v7 =	vld [tilespmem:s26+$0x22F0];
	[tilespmem:s25+$0x5290] =	vst v9;
	v6 =	vmul.f32 $2.000000030e-01, v6;
	v2 =	vadd.f32 v5, v2  }
0x68: {  	v5 =	vld [tilespmem:s26+$0x1280];
	[tilespmem:s25+$0x52A0] =	vst v10;
	v3 =	vmul.f32 $2.000000030e-01, v3;
	v0 =	vadd.f32 v4, v0  }
0x69: {  	v4 =	vld [tilespmem:s26+$0x32F0];
	[tilespmem:s25+$0x52B0] =	vst v6;
	v2 =	vmul.f32 $2.000000030e-01, v2  }
0x6a: {  	v6 =	vld [tilespmem:s26+$0x290];
	v1 =	vadd.f32 v12, v1;
	[tilespmem:s25+$0x52C0] =	vst v3;
	v0 =	vmul.f32 $2.000000030e-01, v0  }
0x6b: {  	v3 =	vld [tilespmem:s26+$0x42F0];
	[tilespmem:s25+$0x52D0] =	vst v2  }
0x6c: {  	v2 =	vld [tilespmem:s26+$0x1290];
	v1 =	vadd.f32 v7, v1;
	[tilespmem:s25+$0x52E0] =	vst v0;
	s25 =	smov.u32 s26  }
0x6d: {  	v0 =	vadd.f32 v5, v8;
	v5 =	vld [tilespmem:s25+$0x2A0]  }
0x6e: {  	v7 =	vld [tilespmem:s25+$0x12A0];
	v1 =	vadd.f32 v4, v1  }
0x6f: {  	v4 =	vld [tilespmem:s25+$0x2B0]  }
0x70: {  	v8 =	vld [tilespmem:s25+$0x12B0];
	v1 =	vadd.f32 v3, v1  }
0x71: {  	v2 =	vadd.f32 v2, v6;
	v3 =	vld [tilespmem:s25+$0x2C0]  }
0x72: {  	v6 =	vld [tilespmem:s25+$0x12C0];
	v1 =	vmul.f32 $2.000000030e-01, v1  }
0x73: {  	v5 =	vadd.f32 v7, v5;
	v7 =	vld [tilespmem:s25+$0x2D0]  }
0x74: {  	v9 =	vld [tilespmem:s25+$0x12D0];
	[tilespmem:s25+$0x52F0] =	vst v1  }
0x75: {  	v1 =	vadd.f32 v8, v4;
	v4 =	vld [tilespmem:s25+$0x2E0]  }
0x76: {  	v8 =	vld [tilespmem:s25+$0x12E0]  }
0x77: {  	v10 =	vld [tilespmem:s25+$0x2280];
	v3 =	vadd.f32 v6, v3  }
0x78: {  	v6 =	vld [tilespmem:s25+$0x2290]  }
0x79: {  	v11 =	vld [tilespmem:s25+$0x22A0];
	v7 =	vadd.f32 v9, v7  }
0x7a: {  	v9 =	vld [tilespmem:s25+$0x22B0]  }
0x7b: {  	v12 =	vld [tilespmem:s25+$0x22C0];
	v4 =	vadd.f32 v8, v4  }
0x7c: {  	v0 =	vadd.f32 v10, v0;
	v8 =	vld [tilespmem:s25+$0x22D0]  }
0x7d: {  	v2 =	vadd.f32 v6, v2;
	v6 =	vld [tilespmem:s25+$0x22E0]  }
0x7e: {  	v10 =	vld [tilespmem:s25+$0x3280];
	v5 =	vadd.f32 v11, v5  }
0x7f: {  	v11 =	vld [tilespmem:s25+$0x3290];
	v1 =	vadd.f32 v9, v1  }
0x80: {  	v9 =	vld [tilespmem:s25+$0x32A0];
	v3 =	vadd.f32 v12, v3  }
0x81: {  	v12 =	vld [tilespmem:s25+$0x32B0];
	v7 =	vadd.f32 v8, v7  }
0x82: {  	v8 =	vld [tilespmem:s25+$0x32C0];
	v4 =	vadd.f32 v6, v4  }
0x83: {  	v10 =	vadd.f32 v10, v0;
	v0 =	vld [tilespmem:s25+$0x32D0]  }
0x84: {  	v11 =	vadd.f32 v11, v2;
	v13 =	vld [tilespmem:s25+$0x32E0]  }
0x85: {  	v14 =	vld [tilespmem:s25+$0x4280];
	v15 =	vadd.f32 v9, v5  }
0x86: {  	v9 =	vld [tilespmem:s25+$0x4290];
	v6 =	vadd.f32 v12, v1  }
0x87: {  	v12 =	vld [tilespmem:s25+$0x42A0];
	v3 =	vadd.f32 v8, v3  }
.Ltmp0:
0x88: {  	v8 =	vld [tilespmem:s25+$0x42B0];
	v2 =	vadd.f32 v0, v7;
	(pc) =	sbr.rel @p0 .LBB2_2-.Ltmp0, $4  }
0x89: {  	v7 =	vld [tilespmem:s25+$0x42C0];
	v0 =	vadd.f32 v13, v4  }
0x8a: {  	v10 =	vadd.f32 v14, v10;
	v5 =	vld [tilespmem:s25+$0x42D0]  }
0x8b: {  	s26 =	sshra.s32 s28, $0x2;
	v9 =	vadd.f32 v9, v11;
	v4 =	vld [tilespmem:s25+$0x42E0]  }
0x8c: {  	s28 =	sadd.s32 $0x200, s28;
	v1 =	vld [tilespmem:s26+$0x2F0];
	v11 =	vmul.f32 $2.000000030e-01, v10;
	v10 =	vadd.f32 v12, v15  }
0x8d: {  	v12 =	vld [tilespmem:s26+$0x12F0];
	v9 =	vmul.f32 $2.000000030e-01, v9;
	v6 =	vadd.f32 v8, v6  }
0x8e: {  	v13 =	vld [tilespmem:s26+$0x280];
	[tilespmem:s25+$0x5280] =	vst v11;
	v35 =	vmul.f32 $2.000000030e-01, v10;
	v3 =	vadd.f32 v7, v3  }
0x8f: {  	v11 =	vld [tilespmem:s26+$0x22F0];
	[tilespmem:s25+$0x5290] =	vst v9;
	v6 =	vmul.f32 $2.000000030e-01, v6;
	v2 =	vadd.f32 v5, v2  }
0x90: {  	v9 =	vld [tilespmem:s26+$0x1280];
	[tilespmem:s25+$0x52A0] =	vst v35;
	v3 =	vmul.f32 $2.000000030e-01, v3;
	v0 =	vadd.f32 v4, v0  }
0x91: {  	v36 =	vld [tilespmem:s26+$0x32F0];
	[tilespmem:s25+$0x52B0] =	vst v6;
	v2 =	vmul.f32 $2.000000030e-01, v2  }
0x92: {  	v37 =	vld [tilespmem:s26+$0x290];
	[tilespmem:s25+$0x52C0] =	vst v3;
	v0 =	vmul.f32 $2.000000030e-01, v0  }
0x93: {  	v3 =	vld [tilespmem:s26+$0x42F0];
	[tilespmem:s25+$0x52D0] =	vst v2  }
0x94: {  	v2 =	vld [tilespmem:s26+$0x1290];
	[tilespmem:s25+$0x52E0] =	vst v0  }
0x95: {  	v39 =	vld [tilespmem:s26+$0x2A0]  }
0x96: {  	v40 =	vld [tilespmem:s26+$0x12A0]  }
0x97: {  	v6 =	vld [tilespmem:s26+$0x2B0]  }
0x98: {  	v41 =	vld [tilespmem:s26+$0x12B0]  }
0x99: {  	v42 =	vld [tilespmem:s26+$0x2C0]  }
0x9a: {  	v8 =	vld [tilespmem:s26+$0x12C0]  }
0x9b: {  	v43 =	vld [tilespmem:s26+$0x2D0]  }
0x9c: {  	v44 =	vld [tilespmem:s26+$0x12D0]  }
0x9d: {  	v45 =	vld [tilespmem:s26+$0x2E0]  }
0x9e: {  	v46 =	vld [tilespmem:s26+$0x12E0]  }
0x9f: {  	v14 =	vld [tilespmem:s26+$0x2280]  }
0xa0: {  	v15 =	vld [tilespmem:s26+$0x2290]  }
0xa1: {  	v16 =	vld [tilespmem:s26+$0x22A0]  }
0xa2: {  	v17 =	vld [tilespmem:s26+$0x22B0]  }
0xa3: {  	v18 =	vld [tilespmem:s26+$0x22C0]  }
0xa4: {  	v1 =	vadd.f32 v12, v1;
	v19 =	vld [tilespmem:s26+$0x22D0]  }
0xa5: {  	v20 =	vld [tilespmem:s26+$0x22E0]  }
0xa6: {  	v38 =	vadd.f32 v11, v1;
	v21 =	vld [tilespmem:s26+$0x3280]  }
0xa7: {  	v22 =	vld [tilespmem:s26+$0x3290]  }
0xa8: {  	v23 =	vld [tilespmem:s26+$0x32A0];
	v0 =	vadd.f32 v36, v38  }
0xa9: {  	v24 =	vld [tilespmem:s26+$0x32B0];
	v9 =	vadd.f32 v9, v13  }
0xaa: {  	v47 =	vld [tilespmem:s26+$0x32C0];
	v0 =	vadd.f32 v3, v0;
	v2 =	vadd.f32 v2, v37  }
0xab: {  	v49 =	vld [tilespmem:s26+$0x32D0];
	v1 =	vadd.f32 v40, v39;
	v48 =	vadd.f32 v41, v6  }
0xac: {  	v51 =	vld [tilespmem:s26+$0x32E0];
	v0 =	vmul.f32 $2.000000030e-01, v0;
	v3 =	vadd.f32 v8, v42;
	v50 =	vadd.f32 v44, v43  }
0xad: {  	v52 =	vld [tilespmem:s26+$0x4280];
	v9 =	vadd.f32 v14, v9;
	v2 =	vadd.f32 v15, v2  }
0xae: {  	v53 =	vld [tilespmem:s26+$0x4290];
	[tilespmem:s26+$0x52F0] =	vst v0;
	v0 =	vadd.f32 v46, v45;
	v1 =	vadd.f32 v16, v1  }
0xaf: {  	v54 =	vld [tilespmem:s26+$0x42A0];
	v4 =	vadd.f32 v17, v48;
	v3 =	vadd.f32 v18, v3  }
0xb0: {  	v55 =	vld [tilespmem:s26+$0x42B0];
	v7 =	vadd.f32 v19, v50;
	v9 =	vadd.f32 v21, v9  }
0xb1: {  	v56 =	vld [tilespmem:s26+$0x42C0];
	v2 =	vadd.f32 v22, v2;
	v0 =	vadd.f32 v20, v0  }
0xb2: {  	v57 =	vld [tilespmem:s26+$0x42D0];
	v1 =	vadd.f32 v23, v1;
	v9 =	vadd.f32 v52, v9  }
0xb3: {  	v58 =	vld [tilespmem:s26+$0x42E0];
	v4 =	vadd.f32 v24, v4;
	v2 =	vadd.f32 v53, v2  }
0xb4: {  	v3 =	vadd.f32 v47, v3;
	v1 =	vadd.f32 v54, v1;
	v59 =	vmul.f32 $2.000000030e-01, v9  }
0xb5: {  	v6 =	vadd.f32 v49, v7;
	v4 =	vadd.f32 v55, v4;
	v2 =	vmul.f32 $2.000000030e-01, v2  }
0xb6: {  	v0 =	vadd.f32 v51, v0;
	v3 =	vadd.f32 v56, v3;
	[tilespmem:s26+$0x5280] =	vst v59;
	v1 =	vmul.f32 $2.000000030e-01, v1  }
0xb7: {  	v61 =	vadd.f32 v57, v6;
	v60 =	vmul.f32 $2.000000030e-01, v4;
	[tilespmem:s26+$0x5290] =	vst v2  }
0xb8: {  	v62 =	vmul.f32 $2.000000030e-01, v3;
	v0 =	vadd.f32 v58, v0;
	[tilespmem:s26+$0x52A0] =	vst v1  }
0xb9: {  	v63 =	vmul.f32 $2.000000030e-01, v61;
	[tilespmem:s26+$0x52B0] =	vst v60  }
0xba: {  	s24 =	sadd.s32 $0x1, s24;
	[tilespmem:s26+$0x52C0] =	vst v62;
	v0 =	vmul.f32 $2.000000030e-01, v0  }
0xbb: {  	p0 =	sne.s32 s24, s10;
	[tilespmem:s26+$0x52D0] =	vst v63  }
.Ltmp1:
0xbc: {  	[tilespmem:s26+$0x52E0] =	vst v0;
	(pc) =	sbr.rel @p0 .LBB2_1-.Ltmp1, $4  }
0xbd: {  	[hbm4b:s9+s3] =	stream.linear.scatter [tilespmem:s23], [sflag:$0x2], $0x1000, $0x38;
	[tilespmem:$0x6280] =	vst v63  }
0xbe: {  	_ =	swait.ge [sflag:s11], $0x1000  }
0xbf: {  	[sflag:s11] =	ssyncset.done $0x0  }
0xc0: {  	[sflag:s11] =	ssyncadd.s32 $0xFFFFF000  }
0xc1: {  	_ =	sfence.sel $0x180000  }
0xc2: {  	[bflag:$0x0] =	sbarrier.arrive $0xFFFF  }
0xc3: {  	p0 =	sne.s32 s0, $0x0;
	_ =	strace $0x90000047  }
0xc4: {  	s0 =	sadd.s32 @!p0 $0x100000, s1;
	[bflag:$0x2] =	sbarrier.arrive $0xFFFF  }
0xc5: {  	[sflag:s0] =	ssyncadd.tile.s32 @!p0 $0x1;
	_ =	shalt  }
.Lfunc_end2:
_tile_overlayer_lowered:
.L_overlay_start_2:
0xc6: {  	(tag) =	ssettag $0x2  }
0xc7: {  	s0 =	rddreg [dreg:$0x0];
	s2 =	stileid.u32  }
0xc8: {  	s1 =	rddreg [dreg:$0x1];
	p0 =	sne.s32 s2, $0x0  }
0xc9: {  	s3 =	rddreg [dreg:$0x2];
	[bflag:$0x3] =	sbarrier.arrive $0xFFFF;
	s2 =	simm.s32 @!p0 $0x1C02  }
0xca: {  	[timem:s3], [sflag:s2] =	dma.local @!p0 [hbm:s0], s1  }
0xcb: {  	s0 =	simm.s32 @!p0 $0x2  }
0xcc: {  	_ =	swait.ge @!p0 [sflag:s0], s1  }
0xcd: {  	s1 =	ssub.s32 @!p0 $0x0, s1;
	[sflag:s0] =	ssyncset.done @!p0 $0x0  }
0xce: {  	[sflag:s0] =	ssyncadd.s32 @!p0 s1  }
0xcf: {  	[bflag:$0x3] =	sbarrier.arrive $0xFFFF  }
0xd0: {  	_ =	shalt  }

</sc_bundles>
